<compile_context>
chip_gen: v7x
topology: tpu7x:2x2x1
jax: 0.10.2.dev20260603
libtpu: 0.0.44.dev20260713+nightly
codegen_flags: <defaults>
</compile_context>

<pallas_src>
import functools

import jax
import jax.numpy as jnp
from jax import lax
from jax.experimental import pallas as pl
from jax.experimental.pallas import tpu as pltpu
from jax.experimental.pallas import tpu_sc as plsc

_B, _N, _D, _H, _M = 128, 2048, 64, 64, 50
_BB = 8
_NSEL = 64
_NWORK = 32
_NSEG = 16
_SEGW = _N // _NSEG


def _rsum0(x):
    s = (x[0:8] + x[8:16] + x[16:24] + x[24:32]
         + x[32:40] + x[40:48] + x[48:56] + x[56:64])
    return jnp.sum(s, axis=0, keepdims=True)


def _score_body(tft_ref, cand_ref, mask_ref,
                w1pt_ref, b1p_ref, g1p_ref, be1p_ref, w2pt_ref, b2p_ref,
                w1mt_ref, b1m_ref, g1m_ref, be1m_ref, w2mt_ref, b2m_ref,
                prob_ref, off_ref):
    bf16 = jnp.bfloat16
    w1p = w1pt_ref[...].astype(bf16)
    w1m = w1mt_ref[...].astype(bf16)
    w2p = w2pt_ref[...].astype(bf16)
    w2m = w2mt_ref[...].astype(bf16)
    tft = jnp.transpose(tft_ref[...]).astype(bf16)
    base8p = (jnp.dot(w1p[:, :_D], tft, preferred_element_type=jnp.float32)
              + b1p_ref[...])
    base8m = (jnp.dot(w1m[:, :_D], tft, preferred_element_type=jnp.float32)
              + b1m_ref[...])

    def head(w1t, base, g_ref, be_ref, cxy):
        hxy = jnp.dot(w1t[:, _D:], cxy,
                      preferred_element_type=jnp.float32)
        h = base + hxy
        mu = _rsum0(h) / float(_H)
        d = h - mu
        var = _rsum0(d * d) / float(_H)
        hn = d / jnp.sqrt(var + 1e-5) * g_ref[...] + be_ref[...]
        return jnp.maximum(hn, 0.0).astype(bf16)

    for bi in range(_BB):
        cxy = cand_ref[2 * bi:2 * bi + 2, :].astype(bf16)

        hr_p = head(w1p, base8p[:, bi:bi + 1], g1p_ref, be1p_ref, cxy)
        logit = jnp.dot(w2p, hr_p,
                        preferred_element_type=jnp.float32) + b2p_ref[...]
        ml = jnp.where(mask_ref[bi:bi + 1, :] > 0.0, logit, -1e12)
        e = jnp.exp(ml - jnp.max(ml))
        prob_ref[bi:bi + 1, :] = e / jnp.sum(e)

        hr_m = head(w1m, base8m[:, bi:bi + 1], g1m_ref, be1m_ref, cxy)
        off = jnp.dot(w2m, hr_m,
                      preferred_element_type=jnp.float32) + b2m_ref[...]
        off_ref[bi] = off


def _score_call(*args):
    wspec = lambda shape: pl.BlockSpec(shape, lambda b: (0,) * len(shape))
    return pl.pallas_call(
        _score_body,
        grid=(_B // _BB,),
        in_specs=[
            pl.BlockSpec((_BB, _D), lambda b: (b, 0)),
            pl.BlockSpec((2 * _BB, _N), lambda b: (b, 0)),
            pl.BlockSpec((_BB, _N), lambda b: (b, 0)),
            wspec((_H, _D + 2)), wspec((_H, 1)), wspec((_H, 1)),
            wspec((_H, 1)), wspec((1, _H)), wspec((1, 1)),
            wspec((_H, _D + 2)), wspec((_H, 1)), wspec((_H, 1)),
            wspec((_H, 1)), wspec((2, _H)), wspec((2, 1)),
        ],
        out_specs=[
            pl.BlockSpec((_BB, _N), lambda b: (b, 0)),
            pl.BlockSpec((_BB, 2, _N), lambda b: (b, 0, 0)),
        ],
        out_shape=[
            jax.ShapeDtypeStruct((_B, _N), jnp.float32),
            jax.ShapeDtypeStruct((_B, 2, _N), jnp.float32),
        ],
    )(*args)


def _deint_body(cand_hbm, out_hbm, cand_v, c01_v):
    wid = lax.axis_index("s") * 2 + lax.axis_index("c")
    nb = _B // _NWORK
    iota = lax.iota(jnp.int32, 16)
    zero16 = jnp.zeros((16,), jnp.int32)
    one16 = jnp.ones((16,), jnp.int32)

    def do_batch(bi, carry):
        b = wid * nb + bi
        pltpu.sync_copy(cand_hbm.at[b], cand_v)

        def dj(j, carry2):
            idx = 2 * (j * 16 + iota)
            c01_v[0, pl.ds(j * 16, 16)] = plsc.load_gather(cand_v, [idx])
            c01_v[1, pl.ds(j * 16, 16)] = plsc.load_gather(cand_v, [idx + 1])
            return carry2

        lax.fori_loop(0, _N // 16, dj, jnp.int32(0))
        pltpu.sync_copy(c01_v, out_hbm.at[pl.ds(2 * b, 2)])
        return carry

    lax.fori_loop(0, nb, do_batch, jnp.int32(0))


@functools.lru_cache(maxsize=1)
def _sc_deint():
    return pl.kernel(
        _deint_body,
        out_type=jax.ShapeDtypeStruct((2 * _B, _N), jnp.float32),
        mesh=plsc.VectorSubcoreMesh(core_axis_name="c", subcore_axis_name="s",
                                    num_cores=2, num_subcores=16),
        compiler_params=pltpu.CompilerParams(needs_layout_passes=False,
                                             use_tc_tiling_on_sc=False),
        scratch_types=[
            pltpu.VMEM((2 * _N,), jnp.float32),
            pltpu.VMEM((2, _N), jnp.float32),
        ],
    )


def _topk_body(prob_hbm, cand_hbm, off_hbm, pred_hbm, offp_hbm,
               probs_v, cand_v, off_v, idx_v, pbuf, obuf):
    wid = lax.axis_index("s") * 2 + lax.axis_index("c")
    nb = _B // _NWORK
    iota = lax.iota(jnp.int32, 16)
    zero16 = jnp.zeros((16,), jnp.int32)
    one16 = jnp.ones((16,), jnp.int32)
    lane0 = iota == 0

    def seg_max(base):
        acc = probs_v[pl.ds(base, 16)]
        for j in range(1, _SEGW // 16):
            acc = jnp.maximum(acc, probs_v[pl.ds(base + j * 16, 16)])
        return jnp.max(acc)

    def do_batch(bi, carry):
        b = wid * nb + bi
        pltpu.sync_copy(prob_hbm.at[b], probs_v)
        pltpu.sync_copy(cand_hbm.at[pl.ds(2 * b, 2)], cand_v)
        pltpu.sync_copy(off_hbm.at[b], off_v)
        idx_v[pl.ds(48, 16)] = zero16

        segmax = jnp.full((16,), -3.0, jnp.float32)
        for s in range(_NSEG):
            segmax = jnp.where(iota == s, seg_max(s * _SEGW), segmax)

        def extract(m, segmax):
            gmax = jnp.max(segmax)
            seg = jnp.min(jnp.where(segmax == gmax, iota, jnp.int32(_NSEG)))
            base = seg * _SEGW
            accv = jnp.full((16,), -4.0, jnp.float32)
            acci = zero16
            for j in range(_SEGW // 16):
                v = probs_v[pl.ds(base + j * 16, 16)]
                gt = v > accv
                accv = jnp.where(gt, v, accv)
                acci = jnp.where(gt, base + j * 16 + iota, acci)
            gidx = jnp.min(jnp.where(accv == gmax, acci, jnp.int32(1 << 30)))
            plsc.store_scatter(idx_v, [jnp.full((16,), m, jnp.int32)],
                               jnp.full((16,), gidx, jnp.int32), mask=lane0)
            plsc.store_scatter(probs_v, [jnp.full((16,), gidx, jnp.int32)],
                               jnp.full((16,), -2.0, jnp.float32), mask=lane0)
            return jnp.where(iota == seg, seg_max(base), segmax)

        lax.fori_loop(0, _M, extract, segmax)

        for j in range(_NSEL // 16):
            rows = idx_v[pl.ds(j * 16, 16)]
            outr = j * 16 + iota
            cx = plsc.load_gather(cand_v, [zero16, rows])
            cy = plsc.load_gather(cand_v, [one16, rows])
            plsc.store_scatter(pbuf, [outr, zero16], cx)
            plsc.store_scatter(pbuf, [outr, one16], cy)
            ox = plsc.load_gather(off_v, [zero16, rows])
            oy = plsc.load_gather(off_v, [one16, rows])
            plsc.store_scatter(obuf, [outr, zero16], ox)
            plsc.store_scatter(obuf, [outr, one16], oy)
        pltpu.sync_copy(pbuf, pred_hbm.at[b])
        pltpu.sync_copy(obuf, offp_hbm.at[b])
        return carry

    lax.fori_loop(0, nb, do_batch, jnp.int32(0))


@functools.lru_cache(maxsize=1)
def _sc_topk():
    return pl.kernel(
        _topk_body,
        out_type=[jax.ShapeDtypeStruct((_B, _NSEL, 2), jnp.float32),
                  jax.ShapeDtypeStruct((_B, _NSEL, 2), jnp.float32)],
        mesh=plsc.VectorSubcoreMesh(core_axis_name="c", subcore_axis_name="s",
                                    num_cores=2, num_subcores=16),
        compiler_params=pltpu.CompilerParams(needs_layout_passes=False,
                                             use_tc_tiling_on_sc=False),
        scratch_types=[
            pltpu.VMEM((_N,), jnp.float32),
            pltpu.VMEM((2, _N), jnp.float32),
            pltpu.VMEM((2, _N), jnp.float32),
            pltpu.VMEM((_NSEL,), jnp.int32),
            pltpu.VMEM((_NSEL, 2), jnp.float32),
            pltpu.VMEM((_NSEL, 2), jnp.float32),
        ],
    )


def kernel(target_feat, target_candidate, candidate_mask,
           W1p, b1p, g1p, be1p, W2p, b2p,
           W1m, b1m, g1m, be1m, W2m, b2m):
    tf_t = target_feat.reshape(_B, _D)
    cand_planes = _sc_deint()(target_candidate.reshape(_B, 2 * _N))
    mask2 = candidate_mask.astype(jnp.float32)
    prob, off_t = _score_call(
        tf_t, cand_planes, mask2,
        W1p.T, b1p.reshape(_H, 1), g1p.reshape(_H, 1), be1p.reshape(_H, 1),
        W2p.T, b2p.reshape(1, 1),
        W1m.T, b1m.reshape(_H, 1), g1m.reshape(_H, 1), be1m.reshape(_H, 1),
        W2m.T, b2m.reshape(2, 1),
    )
    offset = jnp.transpose(off_t, (0, 2, 1))
    pred_pad, offp_pad = _sc_topk()(prob, cand_planes, off_t)
    return prob, offset, pred_pad[:, :_M, :], offp_pad[:, :_M, :]

# --- scband reference (transcript-rebuilt; emitter-appended) ---
"""Pipeline reference for scband-target-predict-29970281791559 (READ-ONLY COPY).

The authoritative reference and input builder live on the scoring server;
editing this copy changes nothing except your own understanding.
"""

import jax, jax.numpy as jnp
import numpy as np

D = 64   # global_graph_width (in_channels of TargetPred)
H = 64   # target_pred_hid
M = 50   # m, number of selected candidates
B = 128
N = 2048


def _layer_norm(h, g, b):
    mu = h.mean(axis=-1, keepdims=True)
    var = ((h - mu) ** 2).mean(axis=-1, keepdims=True)
    return (h - mu) / jnp.sqrt(var + 1e-5) * g + b


def _mlp(x, W1, b1, g1, be1, W2, b2):
    # Linear -> LayerNorm -> ReLU -> Linear  (TargetPred prob_mlp / mean_mlp)
    h = x @ W1 + b1
    h = _layer_norm(h, g1, be1)
    h = jax.nn.relu(h)
    return h @ W2 + b2


def setup_inputs(seed: int = 0) -> dict:
    key = jax.random.key(seed)
    ks = jax.random.split(key, 16)

    def kaiming(k, shape):
        fan_in = shape[0]
        return jax.random.normal(k, shape, jnp.float32) * np.sqrt(2.0 / fan_in)

    inp = {
        'target_feat': jax.random.normal(ks[0], (B, 1, D), jnp.float32),
        'target_candidate': jax.random.normal(ks[1], (B, N, 2), jnp.float32),
        'candidate_mask': jnp.ones((B, N), dtype=bool),
        # prob_mlp params
        'W1p': kaiming(ks[2], (D + 2, H)), 'b1p': jnp.zeros((H,), jnp.float32),
        'g1p': jnp.ones((H,), jnp.float32), 'be1p': jnp.zeros((H,), jnp.float32),
        'W2p': kaiming(ks[3], (H, 1)), 'b2p': jnp.zeros((1,), jnp.float32),
        # mean_mlp (offset) params
        'W1m': kaiming(ks[4], (D + 2, H)), 'b1m': jnp.zeros((H,), jnp.float32),
        'g1m': jnp.ones((H,), jnp.float32), 'be1m': jnp.zeros((H,), jnp.float32),
        'W2m': kaiming(ks[5], (H, 2)), 'b2m': jnp.zeros((2,), jnp.float32),
    }
    return inp


def reference(target_feat, target_candidate, candidate_mask,
              W1p, b1p, g1p, be1p, W2p, b2p,
              W1m, b1m, g1m, be1m, W2m, b2m):
    # TargetPred.forward: concat repeated agent feat with each candidate coord
    feat = jnp.concatenate([
        jnp.broadcast_to(target_feat, (B, N, D)), target_candidate], axis=2)
    # candidate probability via masked softmax
    logits = _mlp(feat, W1p, b1p, g1p, be1p, W2p, b2p)[..., 0]  # [B, N]
    masked_logits = jnp.where(candidate_mask, logits, jnp.float32(-1e12))
    target_prob = jax.nn.softmax(masked_logits, axis=-1)        # [B, N]
    # per-candidate offset regression
    offset = _mlp(feat, W1m, b1m, g1m, be1m, W2m, b2m)          # [B, N, 2]
    # inference: select top-m candidates and gather coords/offsets
    _, indices = jax.lax.top_k(target_prob, M)                  # [B, M]
    target_pred_se = jnp.take_along_axis(target_candidate, indices[..., None], axis=1)
    offset_pred_se = jnp.take_along_axis(offset, indices[..., None], axis=1)
    return target_prob, offset, target_pred_se, offset_pred_se

if __name__ == "__main__":
    import jax
    _d = setup_inputs()
    print(jax.jit(kernel)(*tuple(_d.values())))

</pallas_src>

<mosaic_0001>
#map = affine_map<(d0, d1) -> (0, 0)>
module attributes {stable_mosaic.version = 14 : i64} {
  func.func @_deint_body(%arg0: i32, %arg1: i32, %arg2: memref<128x4096xf32, #tpu.memory_space<hbm>>, %arg3: memref<256x2048xf32, #tpu.memory_space<hbm>>, %arg4: memref<4096xf32, #tpu.memory_space<vmem>>, %arg5: memref<2x2048xf32, #tpu.memory_space<vmem>>) attributes {dimension_semantics = [#tpu.dimension_semantics<core_parallel>, #tpu.dimension_semantics<subcore_parallel>], iteration_bounds = array<i64: 2, 16>, scalar_prefetch = 0 : i64, scratch_operands = 2 : i64, tpu.core_type = #tpu.core_type<sc_vector_subcore>, window_params = [{transform_indices = #map}, {transform_indices = #map}]} {
    %mul3A = arith.constant 2 : i32
    %mul3A_0 = arith.muli %arg1, %mul3A : i32
    %add3A = arith.addi %mul3A_0, %arg0 : i32
    %iota3A = tpu.iota {dimensions = array<i32: 0>} : vector<16xi32>
    %broadcast_in_dim3A = arith.constant 0 : i32
    %broadcast_in_dim3A_1 = vector.broadcast %broadcast_in_dim3A : i32 to vector<16xi32>
    %broadcast_in_dim3A_2 = arith.constant 1 : i32
    %broadcast_in_dim3A_3 = vector.broadcast %broadcast_in_dim3A_2 : i32 to vector<16xi32>
    %scan3A = arith.constant 0 : i32
    %scan3A_4 = arith.constant 0 : i32
    %scan3A_5 = arith.constant 4 : i32
    %scan3A_6 = arith.addi %scan3A_4, %scan3A_5 : i32
    %scan3A_7 = arith.constant 1 : i32
    scf.for %scan3A_9 = %scan3A_4 to %scan3A_6 step %scan3A_7  : i32 {
      %mul3A_10 = arith.constant 4 : i32
      %mul3A_11 = arith.muli %add3A, %mul3A_10 : i32
      %add3A_12 = arith.addi %mul3A_11, %scan3A_9 : i32
      "tpu.region"() ({
        %run_scoped3A = tpu.sem_alloc : memref<!tpu.dma_semaphore, #tpu.memory_space<semaphore_mem>>
        %dma_start3A = arith.constant 0 : i32
        %dma_start3A_21 = tpu.memref_slice %arg2[%add3A_12, %dma_start3A] : memref<128x4096xf32, #tpu.memory_space<hbm>> -> memref<1x4096xf32, #tpu.memory_space<hbm>>
        %dma_start3A_22 = tpu.memref_squeeze %dma_start3A_21 : memref<1x4096xf32, #tpu.memory_space<hbm>> -> memref<4096xf32, #tpu.memory_space<hbm>>
        %dma_start3A_23 = arith.constant 0 : i32
        %dma_start3A_24 = tpu.memref_slice %arg2[%add3A_12, %dma_start3A_23] : memref<128x4096xf32, #tpu.memory_space<hbm>> -> memref<1x4096xf32, #tpu.memory_space<hbm>>
        %dma_start3A_25 = tpu.memref_squeeze %dma_start3A_24 : memref<1x4096xf32, #tpu.memory_space<hbm>> -> memref<4096xf32, #tpu.memory_space<hbm>>
        tpu.enqueue_dma source(%dma_start3A_25 : memref<4096xf32, #tpu.memory_space<hbm>>) target(%arg4 : memref<4096xf32, #tpu.memory_space<vmem>>) target_semaphore(%run_scoped3A : memref<!tpu.dma_semaphore, #tpu.memory_space<semaphore_mem>>)
        %dma_wait3A = arith.constant 0 : i32
        %dma_wait3A_26 = tpu.memref_slice %arg2[%add3A_12, %dma_wait3A] : memref<128x4096xf32, #tpu.memory_space<hbm>> -> memref<1x4096xf32, #tpu.memory_space<hbm>>
        %dma_wait3A_27 = tpu.memref_squeeze %dma_wait3A_26 : memref<1x4096xf32, #tpu.memory_space<hbm>> -> memref<4096xf32, #tpu.memory_space<hbm>>
        %dma_wait3A_28 = arith.constant 0 : i32
        %dma_wait3A_29 = tpu.memref_slice %arg2[%add3A_12, %dma_wait3A_28] : memref<128x4096xf32, #tpu.memory_space<hbm>> -> memref<1x4096xf32, #tpu.memory_space<hbm>>
        %dma_wait3A_30 = tpu.memref_squeeze %dma_wait3A_29 : memref<1x4096xf32, #tpu.memory_space<hbm>> -> memref<4096xf32, #tpu.memory_space<hbm>>
        tpu.wait_dma2 semaphore(%run_scoped3A : memref<!tpu.dma_semaphore, #tpu.memory_space<semaphore_mem>>) src(%dma_wait3A_30 : memref<4096xf32, #tpu.memory_space<hbm>>) dst(%arg4 : memref<4096xf32, #tpu.memory_space<vmem>>)
        tpu.yield
      }) : () -> ()
      %scan3A_13 = arith.constant 0 : i32
      %scan3A_14 = arith.constant 0 : i32
      %scan3A_15 = arith.constant 128 : i32
      %scan3A_16 = arith.addi %scan3A_14, %scan3A_15 : i32
      %scan3A_17 = arith.constant 1 : i32
      scf.for %scan3A_21 = %scan3A_14 to %scan3A_16 step %scan3A_17  : i32 {
        %mul3A_22 = arith.constant 16 : i32
        %mul3A_23 = arith.muli %scan3A_21, %mul3A_22 : i32
        %add3A_24 = vector.broadcast %mul3A_23 : i32 to vector<16xi32>
        %add3A_25 = arith.addi %add3A_24, %iota3A : vector<16xi32>
        %mul3A_26 = arith.constant 2 : i32
        %mul3A_27 = vector.broadcast %mul3A_26 : i32 to vector<16xi32>
        %mul3A_28 = arith.muli %mul3A_27, %add3A_25 : vector<16xi32>
        %gather3A = tpu.vector_load_idx %arg4[%mul3A_28] : memref<4096xf32, #tpu.memory_space<vmem>>[vector<16xi32>], vector<16xf32>,
        %mul3A_29 = arith.constant 16 : i32
        %mul3A_30 = arith.muli %scan3A_21, %mul3A_29 : i32
        %swap3A = arith.constant 0 : i32
        %swap3A_31 = arith.index_cast %swap3A : i32 to index
        %swap3A_32 = arith.index_cast %mul3A_30 : i32 to index
        %swap3A_33 = tpu.vector_load %arg5[%swap3A_31, %swap3A_32] {strides = array<i32>} : memref<2x2048xf32, #tpu.memory_space<vmem>>, vector<16xf32>,
        tpu.vector_store %arg5[%swap3A_31, %swap3A_32], %gather3A {strides = array<i32>} : memref<2x2048xf32, #tpu.memory_space<vmem>>, vector<16xf32>,
        %add3A_34 = arith.constant 1 : i32
        %add3A_35 = vector.broadcast %add3A_34 : i32 to vector<16xi32>
        %add3A_36 = arith.addi %mul3A_28, %add3A_35 : vector<16xi32>
        %gather3A_37 = tpu.vector_load_idx %arg4[%add3A_36] : memref<4096xf32, #tpu.memory_space<vmem>>[vector<16xi32>], vector<16xf32>,
        %mul3A_38 = arith.constant 16 : i32
        %mul3A_39 = arith.muli %scan3A_21, %mul3A_38 : i32
        %swap3A_40 = arith.constant 1 : i32
        %swap3A_41 = arith.index_cast %swap3A_40 : i32 to index
        %swap3A_42 = arith.index_cast %mul3A_39 : i32 to index
        %swap3A_43 = tpu.vector_load %arg5[%swap3A_41, %swap3A_42] {strides = array<i32>} : memref<2x2048xf32, #tpu.memory_space<vmem>>, vector<16xf32>,
        tpu.vector_store %arg5[%swap3A_41, %swap3A_42], %gather3A_37 {strides = array<i32>} : memref<2x2048xf32, #tpu.memory_space<vmem>>, vector<16xf32>,
      }
      %scan3A_18 = arith.constant 128 : i32
      %mul3A_19 = arith.constant 2 : i32
      %mul3A_20 = arith.muli %mul3A_19, %add3A_12 : i32
      "tpu.region"() ({
        %run_scoped3A = tpu.sem_alloc : memref<!tpu.dma_semaphore, #tpu.memory_space<semaphore_mem>>
        %dma_start3A = arith.constant 0 : i32
        %dma_start3A_21 = tpu.memref_slice %arg3[%mul3A_20, %dma_start3A] : memref<256x2048xf32, #tpu.memory_space<hbm>> -> memref<2x2048xf32, #tpu.memory_space<hbm>>
        %dma_start3A_22 = arith.constant 0 : i32
        %dma_start3A_23 = tpu.memref_slice %arg3[%mul3A_20, %dma_start3A_22] : memref<256x2048xf32, #tpu.memory_space<hbm>> -> memref<2x2048xf32, #tpu.memory_space<hbm>>
        tpu.enqueue_dma source(%arg5 : memref<2x2048xf32, #tpu.memory_space<vmem>>) target(%dma_start3A_23 : memref<2x2048xf32, #tpu.memory_space<hbm>>) target_semaphore(%run_scoped3A : memref<!tpu.dma_semaphore, #tpu.memory_space<semaphore_mem>>)
        %dma_wait3A = arith.constant 0 : i32
        %dma_wait3A_24 = tpu.memref_slice %arg3[%mul3A_20, %dma_wait3A] : memref<256x2048xf32, #tpu.memory_space<hbm>> -> memref<2x2048xf32, #tpu.memory_space<hbm>>
        %dma_wait3A_25 = arith.constant 0 : i32
        %dma_wait3A_26 = tpu.memref_slice %arg3[%mul3A_20, %dma_wait3A_25] : memref<256x2048xf32, #tpu.memory_space<hbm>> -> memref<2x2048xf32, #tpu.memory_space<hbm>>
        tpu.wait_dma2 semaphore(%run_scoped3A : memref<!tpu.dma_semaphore, #tpu.memory_space<semaphore_mem>>) src(%arg5 : memref<2x2048xf32, #tpu.memory_space<vmem>>) dst(%dma_wait3A_26 : memref<2x2048xf32, #tpu.memory_space<hbm>>)
        tpu.yield
      }) : () -> ()
    }
    %scan3A_8 = arith.constant 4 : i32
    return
  }
}

#map = affine_map<(d0, d1) -> (0, 0)>
#map1 = affine_map<(d0, d1) -> (0, 0, 0)>
module attributes {stable_mosaic.version = 14 : i64} {
  func.func @_topk_body(%arg0: i32, %arg1: i32, %arg2: memref<128x2048xf32, #tpu.memory_space<hbm>>, %arg3: memref<256x2048xf32, #tpu.memory_space<hbm>>, %arg4: memref<128x2x2048xf32, #tpu.memory_space<hbm>>, %arg5: memref<128x64x2xf32, #tpu.memory_space<hbm>>, %arg6: memref<128x64x2xf32, #tpu.memory_space<hbm>>, %arg7: memref<2048xf32, #tpu.memory_space<vmem>>, %arg8: memref<2x2048xf32, #tpu.memory_space<vmem>>, %arg9: memref<2x2048xf32, #tpu.memory_space<vmem>>, %arg10: memref<64xi32, #tpu.memory_space<vmem>>, %arg11: memref<64x2xf32, #tpu.memory_space<vmem>>, %arg12: memref<64x2xf32, #tpu.memory_space<vmem>>) attributes {dimension_semantics = [#tpu.dimension_semantics<core_parallel>, #tpu.dimension_semantics<subcore_parallel>], iteration_bounds = array<i64: 2, 16>, scalar_prefetch = 0 : i64, scratch_operands = 6 : i64, tpu.core_type = #tpu.core_type<sc_vector_subcore>, window_params = [{transform_indices = #map}, {transform_indices = #map}, {transform_indices = #map1}, {transform_indices = #map1}, {transform_indices = #map1}]} {
    %mul3A = arith.constant 2 : i32
    %mul3A_0 = arith.muli %arg1, %mul3A : i32
    %add3A = arith.addi %mul3A_0, %arg0 : i32
    %iota3A = tpu.iota {dimensions = array<i32: 0>} : vector<16xi32>
    %broadcast_in_dim3A = arith.constant 0 : i32
    %broadcast_in_dim3A_1 = vector.broadcast %broadcast_in_dim3A : i32 to vector<16xi32>
    %broadcast_in_dim3A_2 = arith.constant 1 : i32
    %broadcast_in_dim3A_3 = vector.broadcast %broadcast_in_dim3A_2 : i32 to vector<16xi32>
    %eq3A = arith.constant 0 : i32
    %eq3A_4 = vector.broadcast %eq3A : i32 to vector<16xi32>
    %eq3A_5 = arith.cmpi eq, %iota3A, %eq3A_4 : vector<16xi32>
    %scan3A = arith.constant 0 : i32
    %scan3A_6 = arith.constant 0 : i32
    %scan3A_7 = arith.constant 4 : i32
    %scan3A_8 = arith.addi %scan3A_6, %scan3A_7 : i32
    %scan3A_9 = arith.constant 1 : i32
    scf.for %scan3A_11 = %scan3A_6 to %scan3A_8 step %scan3A_9  : i32 {
      %mul3A_12 = arith.constant 4 : i32
      %mul3A_13 = arith.muli %add3A, %mul3A_12 : i32
      %add3A_14 = arith.addi %mul3A_13, %scan3A_11 : i32
      "tpu.region"() ({
        %run_scoped3A = tpu.sem_alloc : memref<!tpu.dma_semaphore, #tpu.memory_space<semaphore_mem>>
        %dma_start3A = arith.constant 0 : i32
        %dma_start3A_569 = tpu.memref_slice %arg2[%add3A_14, %dma_start3A] : memref<128x2048xf32, #tpu.memory_space<hbm>> -> memref<1x2048xf32, #tpu.memory_space<hbm>>
        %dma_start3A_570 = tpu.memref_squeeze %dma_start3A_569 : memref<1x2048xf32, #tpu.memory_space<hbm>> -> memref<2048xf32, #tpu.memory_space<hbm>>
        %dma_start3A_571 = arith.constant 0 : i32
        %dma_start3A_572 = tpu.memref_slice %arg2[%add3A_14, %dma_start3A_571] : memref<128x2048xf32, #tpu.memory_space<hbm>> -> memref<1x2048xf32, #tpu.memory_space<hbm>>
        %dma_start3A_573 = tpu.memref_squeeze %dma_start3A_572 : memref<1x2048xf32, #tpu.memory_space<hbm>> -> memref<2048xf32, #tpu.memory_space<hbm>>
        tpu.enqueue_dma source(%dma_start3A_573 : memref<2048xf32, #tpu.memory_space<hbm>>) target(%arg7 : memref<2048xf32, #tpu.memory_space<vmem>>) target_semaphore(%run_scoped3A : memref<!tpu.dma_semaphore, #tpu.memory_space<semaphore_mem>>)
        %dma_wait3A = arith.constant 0 : i32
        %dma_wait3A_574 = tpu.memref_slice %arg2[%add3A_14, %dma_wait3A] : memref<128x2048xf32, #tpu.memory_space<hbm>> -> memref<1x2048xf32, #tpu.memory_space<hbm>>
        %dma_wait3A_575 = tpu.memref_squeeze %dma_wait3A_574 : memref<1x2048xf32, #tpu.memory_space<hbm>> -> memref<2048xf32, #tpu.memory_space<hbm>>
        %dma_wait3A_576 = arith.constant 0 : i32
        %dma_wait3A_577 = tpu.memref_slice %arg2[%add3A_14, %dma_wait3A_576] : memref<128x2048xf32, #tpu.memory_space<hbm>> -> memref<1x2048xf32, #tpu.memory_space<hbm>>
        %dma_wait3A_578 = tpu.memref_squeeze %dma_wait3A_577 : memref<1x2048xf32, #tpu.memory_space<hbm>> -> memref<2048xf32, #tpu.memory_space<hbm>>
        tpu.wait_dma2 semaphore(%run_scoped3A : memref<!tpu.dma_semaphore, #tpu.memory_space<semaphore_mem>>) src(%dma_wait3A_578 : memref<2048xf32, #tpu.memory_space<hbm>>) dst(%arg7 : memref<2048xf32, #tpu.memory_space<vmem>>)
        tpu.yield
      }) : () -> ()
      %mul3A_15 = arith.constant 2 : i32
      %mul3A_16 = arith.muli %mul3A_15, %add3A_14 : i32
      "tpu.region"() ({
        %run_scoped3A = tpu.sem_alloc : memref<!tpu.dma_semaphore, #tpu.memory_space<semaphore_mem>>
        %dma_start3A = arith.constant 0 : i32
        %dma_start3A_569 = tpu.memref_slice %arg3[%mul3A_16, %dma_start3A] : memref<256x2048xf32, #tpu.memory_space<hbm>> -> memref<2x2048xf32, #tpu.memory_space<hbm>>
        %dma_start3A_570 = arith.constant 0 : i32
        %dma_start3A_571 = tpu.memref_slice %arg3[%mul3A_16, %dma_start3A_570] : memref<256x2048xf32, #tpu.memory_space<hbm>> -> memref<2x2048xf32, #tpu.memory_space<hbm>>
        tpu.enqueue_dma source(%dma_start3A_571 : memref<2x2048xf32, #tpu.memory_space<hbm>>) target(%arg8 : memref<2x2048xf32, #tpu.memory_space<vmem>>) target_semaphore(%run_scoped3A : memref<!tpu.dma_semaphore, #tpu.memory_space<semaphore_mem>>)
        %dma_wait3A = arith.constant 0 : i32
        %dma_wait3A_572 = tpu.memref_slice %arg3[%mul3A_16, %dma_wait3A] : memref<256x2048xf32, #tpu.memory_space<hbm>> -> memref<2x2048xf32, #tpu.memory_space<hbm>>
        %dma_wait3A_573 = arith.constant 0 : i32
        %dma_wait3A_574 = tpu.memref_slice %arg3[%mul3A_16, %dma_wait3A_573] : memref<256x2048xf32, #tpu.memory_space<hbm>> -> memref<2x2048xf32, #tpu.memory_space<hbm>>
        tpu.wait_dma2 semaphore(%run_scoped3A : memref<!tpu.dma_semaphore, #tpu.memory_space<semaphore_mem>>) src(%dma_wait3A_574 : memref<2x2048xf32, #tpu.memory_space<hbm>>) dst(%arg8 : memref<2x2048xf32, #tpu.memory_space<vmem>>)
        tpu.yield
      }) : () -> ()
      "tpu.region"() ({
        %run_scoped3A = tpu.sem_alloc : memref<!tpu.dma_semaphore, #tpu.memory_space<semaphore_mem>>
        %dma_start3A = arith.constant 0 : i32
        %dma_start3A_569 = arith.constant 0 : i32
        %dma_start3A_570 = tpu.memref_slice %arg4[%add3A_14, %dma_start3A, %dma_start3A_569] : memref<128x2x2048xf32, #tpu.memory_space<hbm>> -> memref<1x2x2048xf32, #tpu.memory_space<hbm>>
        %dma_start3A_571 = tpu.memref_squeeze %dma_start3A_570 : memref<1x2x2048xf32, #tpu.memory_space<hbm>> -> memref<2x2048xf32, #tpu.memory_space<hbm>>
        %dma_start3A_572 = arith.constant 0 : i32
        %dma_start3A_573 = arith.constant 0 : i32
        %dma_start3A_574 = tpu.memref_slice %arg4[%add3A_14, %dma_start3A_572, %dma_start3A_573] : memref<128x2x2048xf32, #tpu.memory_space<hbm>> -> memref<1x2x2048xf32, #tpu.memory_space<hbm>>
        %dma_start3A_575 = tpu.memref_squeeze %dma_start3A_574 : memref<1x2x2048xf32, #tpu.memory_space<hbm>> -> memref<2x2048xf32, #tpu.memory_space<hbm>>
        tpu.enqueue_dma source(%dma_start3A_575 : memref<2x2048xf32, #tpu.memory_space<hbm>>) target(%arg9 : memref<2x2048xf32, #tpu.memory_space<vmem>>) target_semaphore(%run_scoped3A : memref<!tpu.dma_semaphore, #tpu.memory_space<semaphore_mem>>)
        %dma_wait3A = arith.constant 0 : i32
        %dma_wait3A_576 = arith.constant 0 : i32
        %dma_wait3A_577 = tpu.memref_slice %arg4[%add3A_14, %dma_wait3A, %dma_wait3A_576] : memref<128x2x2048xf32, #tpu.memory_space<hbm>> -> memref<1x2x2048xf32, #tpu.memory_space<hbm>>
        %dma_wait3A_578 = tpu.memref_squeeze %dma_wait3A_577 : memref<1x2x2048xf32, #tpu.memory_space<hbm>> -> memref<2x2048xf32, #tpu.memory_space<hbm>>
        %dma_wait3A_579 = arith.constant 0 : i32
        %dma_wait3A_580 = arith.constant 0 : i32
        %dma_wait3A_581 = tpu.memref_slice %arg4[%add3A_14, %dma_wait3A_579, %dma_wait3A_580] : memref<128x2x2048xf32, #tpu.memory_space<hbm>> -> memref<1x2x2048xf32, #tpu.memory_space<hbm>>
        %dma_wait3A_582 = tpu.memref_squeeze %dma_wait3A_581 : memref<1x2x2048xf32, #tpu.memory_space<hbm>> -> memref<2x2048xf32, #tpu.memory_space<hbm>>
        tpu.wait_dma2 semaphore(%run_scoped3A : memref<!tpu.dma_semaphore, #tpu.memory_space<semaphore_mem>>) src(%dma_wait3A_582 : memref<2x2048xf32, #tpu.memory_space<hbm>>) dst(%arg9 : memref<2x2048xf32, #tpu.memory_space<vmem>>)
        tpu.yield
      }) : () -> ()
      %swap3A = arith.constant 48 : index
      %swap3A_17 = tpu.vector_load %arg10[%swap3A] {strides = array<i32>} : memref<64xi32, #tpu.memory_space<vmem>>, vector<16xi32>,
      tpu.vector_store %arg10[%swap3A], %broadcast_in_dim3A_1 {strides = array<i32>} : memref<64xi32, #tpu.memory_space<vmem>>, vector<16xi32>,
      %broadcast_in_dim3A_18 = arith.constant -3.000000e+00 : f32
      %broadcast_in_dim3A_19 = vector.broadcast %broadcast_in_dim3A_18 : f32 to vector<16xf32>
      %eq3A_20 = arith.constant 0 : i32
      %eq3A_21 = vector.broadcast %eq3A_20 : i32 to vector<16xi32>
      %eq3A_22 = arith.cmpi eq, %iota3A, %eq3A_21 : vector<16xi32>
      %get3A = arith.constant 0 : index
      %get3A_23 = tpu.vector_load %arg7[%get3A] {strides = array<i32>} : memref<2048xf32, #tpu.memory_space<vmem>>, vector<16xf32>,
      %get3A_24 = arith.constant 16 : index
      %get3A_25 = tpu.vector_load %arg7[%get3A_24] {strides = array<i32>} : memref<2048xf32, #tpu.memory_space<vmem>>, vector<16xf32>,
      %max3A = arith.maximumf %get3A_23, %get3A_25 : vector<16xf32>
      %get3A_26 = arith.constant 32 : index
      %get3A_27 = tpu.vector_load %arg7[%get3A_26] {strides = array<i32>} : memref<2048xf32, #tpu.memory_space<vmem>>, vector<16xf32>,
      %max3A_28 = arith.maximumf %max3A, %get3A_27 : vector<16xf32>
      %get3A_29 = arith.constant 48 : index
      %get3A_30 = tpu.vector_load %arg7[%get3A_29] {strides = array<i32>} : memref<2048xf32, #tpu.memory_space<vmem>>, vector<16xf32>,
      %max3A_31 = arith.maximumf %max3A_28, %get3A_30 : vector<16xf32>
      %get3A_32 = arith.constant 64 : index
      %get3A_33 = tpu.vector_load %arg7[%get3A_32] {strides = array<i32>} : memref<2048xf32, #tpu.memory_space<vmem>>, vector<16xf32>,
      %max3A_34 = arith.maximumf %max3A_31, %get3A_33 : vector<16xf32>
      %get3A_35 = arith.constant 80 : index
      %get3A_36 = tpu.vector_load %arg7[%get3A_35] {strides = array<i32>} : memref<2048xf32, #tpu.memory_space<vmem>>, vector<16xf32>,
      %max3A_37 = arith.maximumf %max3A_34, %get3A_36 : vector<16xf32>
      %get3A_38 = arith.constant 96 : index
      %get3A_39 = tpu.vector_load %arg7[%get3A_38] {strides = array<i32>} : memref<2048xf32, #tpu.memory_space<vmem>>, vector<16xf32>,
      %max3A_40 = arith.maximumf %max3A_37, %get3A_39 : vector<16xf32>
      %get3A_41 = arith.constant 112 : index
      %get3A_42 = tpu.vector_load %arg7[%get3A_41] {strides = array<i32>} : memref<2048xf32, #tpu.memory_space<vmem>>, vector<16xf32>,
      %max3A_43 = arith.maximumf %max3A_40, %get3A_42 : vector<16xf32>
      %reduce_max3A = arith.constant true
      %reduce_max3A_44 = vector.broadcast %reduce_max3A : i1 to vector<16xi1>
      %reduce_max3A_45 = tpu.scan <max>, %max3A_43 masked %reduce_max3A_44 : vector<16xf32>, vector<16xi1> -> vector<16xf32>
      %reduce_max3A_46 = vector.extract %reduce_max3A_45[15] : f32 from vector<16xf32>
      %broadcast_in_dim3A_47 = vector.broadcast %reduce_max3A_46 : f32 to vector<16xf32>
      %select_n3A = arith.select %eq3A_22, %broadcast_in_dim3A_47, %broadcast_in_dim3A_19 : vector<16xi1>, vector<16xf32>
      %eq3A_48 = arith.constant 1 : i32
      %eq3A_49 = vector.broadcast %eq3A_48 : i32 to vector<16xi32>
      %eq3A_50 = arith.cmpi eq, %iota3A, %eq3A_49 : vector<16xi32>
      %get3A_51 = arith.constant 128 : index
      %get3A_52 = tpu.vector_load %arg7[%get3A_51] {strides = array<i32>} : memref<2048xf32, #tpu.memory_space<vmem>>, vector<16xf32>,
      %get3A_53 = arith.constant 144 : index
      %get3A_54 = tpu.vector_load %arg7[%get3A_53] {strides = array<i32>} : memref<2048xf32, #tpu.memory_space<vmem>>, vector<16xf32>,
      %max3A_55 = arith.maximumf %get3A_52, %get3A_54 : vector<16xf32>
      %get3A_56 = arith.constant 160 : index
      %get3A_57 = tpu.vector_load %arg7[%get3A_56] {strides = array<i32>} : memref<2048xf32, #tpu.memory_space<vmem>>, vector<16xf32>,
      %max3A_58 = arith.maximumf %max3A_55, %get3A_57 : vector<16xf32>
      %get3A_59 = arith.constant 176 : index
      %get3A_60 = tpu.vector_load %arg7[%get3A_59] {strides = array<i32>} : memref<2048xf32, #tpu.memory_space<vmem>>, vector<16xf32>,
      %max3A_61 = arith.maximumf %max3A_58, %get3A_60 : vector<16xf32>
      %get3A_62 = arith.constant 192 : index
      %get3A_63 = tpu.vector_load %arg7[%get3A_62] {strides = array<i32>} : memref<2048xf32, #tpu.memory_space<vmem>>, vector<16xf32>,
      %max3A_64 = arith.maximumf %max3A_61, %get3A_63 : vector<16xf32>
      %get3A_65 = arith.constant 208 : index
      %get3A_66 = tpu.vector_load %arg7[%get3A_65] {strides = array<i32>} : memref<2048xf32, #tpu.memory_space<vmem>>, vector<16xf32>,
      %max3A_67 = arith.maximumf %max3A_64, %get3A_66 : vector<16xf32>
      %get3A_68 = arith.constant 224 : index
      %get3A_69 = tpu.vector_load %arg7[%get3A_68] {strides = array<i32>} : memref<2048xf32, #tpu.memory_space<vmem>>, vector<16xf32>,
      %max3A_70 = arith.maximumf %max3A_67, %get3A_69 : vector<16xf32>
      %get3A_71 = arith.constant 240 : index
      %get3A_72 = tpu.vector_load %arg7[%get3A_71] {strides = array<i32>} : memref<2048xf32, #tpu.memory_space<vmem>>, vector<16xf32>,
      %max3A_73 = arith.maximumf %max3A_70, %get3A_72 : vector<16xf32>
      %reduce_max3A_74 = arith.constant true
      %reduce_max3A_75 = vector.broadcast %reduce_max3A_74 : i1 to vector<16xi1>
      %reduce_max3A_76 = tpu.scan <max>, %max3A_73 masked %reduce_max3A_75 : vector<16xf32>, vector<16xi1> -> vector<16xf32>
      %reduce_max3A_77 = vector.extract %reduce_max3A_76[15] : f32 from vector<16xf32>
      %broadcast_in_dim3A_78 = vector.broadcast %reduce_max3A_77 : f32 to vector<16xf32>
      %select_n3A_79 = arith.select %eq3A_50, %broadcast_in_dim3A_78, %select_n3A : vector<16xi1>, vector<16xf32>
      %eq3A_80 = arith.constant 2 : i32
      %eq3A_81 = vector.broadcast %eq3A_80 : i32 to vector<16xi32>
      %eq3A_82 = arith.cmpi eq, %iota3A, %eq3A_81 : vector<16xi32>
      %get3A_83 = arith.constant 256 : index
      %get3A_84 = tpu.vector_load %arg7[%get3A_83] {strides = array<i32>} : memref<2048xf32, #tpu.memory_space<vmem>>, vector<16xf32>,
      %get3A_85 = arith.constant 272 : index
      %get3A_86 = tpu.vector_load %arg7[%get3A_85] {strides = array<i32>} : memref<2048xf32, #tpu.memory_space<vmem>>, vector<16xf32>,
      %max3A_87 = arith.maximumf %get3A_84, %get3A_86 : vector<16xf32>
      %get3A_88 = arith.constant 288 : index
      %get3A_89 = tpu.vector_load %arg7[%get3A_88] {strides = array<i32>} : memref<2048xf32, #tpu.memory_space<vmem>>, vector<16xf32>,
      %max3A_90 = arith.maximumf %max3A_87, %get3A_89 : vector<16xf32>
      %get3A_91 = arith.constant 304 : index
      %get3A_92 = tpu.vector_load %arg7[%get3A_91] {strides = array<i32>} : memref<2048xf32, #tpu.memory_space<vmem>>, vector<16xf32>,
      %max3A_93 = arith.maximumf %max3A_90, %get3A_92 : vector<16xf32>
      %get3A_94 = arith.constant 320 : index
      %get3A_95 = tpu.vector_load %arg7[%get3A_94] {strides = array<i32>} : memref<2048xf32, #tpu.memory_space<vmem>>, vector<16xf32>,
      %max3A_96 = arith.maximumf %max3A_93, %get3A_95 : vector<16xf32>
      %get3A_97 = arith.constant 336 : index
      %get3A_98 = tpu.vector_load %arg7[%get3A_97] {strides = array<i32>} : memref<2048xf32, #tpu.memory_space<vmem>>, vector<16xf32>,
      %max3A_99 = arith.maximumf %max3A_96, %get3A_98 : vector<16xf32>
      %get3A_100 = arith.constant 352 : index
      %get3A_101 = tpu.vector_load %arg7[%get3A_100] {strides = array<i32>} : memref<2048xf32, #tpu.memory_space<vmem>>, vector<16xf32>,
      %max3A_102 = arith.maximumf %max3A_99, %get3A_101 : vector<16xf32>
      %get3A_103 = arith.constant 368 : index
      %get3A_104 = tpu.vector_load %arg7[%get3A_103] {strides = array<i32>} : memref<2048xf32, #tpu.memory_space<vmem>>, vector<16xf32>,
      %max3A_105 = arith.maximumf %max3A_102, %get3A_104 : vector<16xf32>
      %reduce_max3A_106 = arith.constant true
      %reduce_max3A_107 = vector.broadcast %reduce_max3A_106 : i1 to vector<16xi1>
      %reduce_max3A_108 = tpu.scan <max>, %max3A_105 masked %reduce_max3A_107 : vector<16xf32>, vector<16xi1> -> vector<16xf32>
      %reduce_max3A_109 = vector.extract %reduce_max3A_108[15] : f32 from vector<16xf32>
      %broadcast_in_dim3A_110 = vector.broadcast %reduce_max3A_109 : f32 to vector<16xf32>
      %select_n3A_111 = arith.select %eq3A_82, %broadcast_in_dim3A_110, %select_n3A_79 : vector<16xi1>, vector<16xf32>
      %eq3A_112 = arith.constant 3 : i32
      %eq3A_113 = vector.broadcast %eq3A_112 : i32 to vector<16xi32>
      %eq3A_114 = arith.cmpi eq, %iota3A, %eq3A_113 : vector<16xi32>
      %get3A_115 = arith.constant 384 : index
      %get3A_116 = tpu.vector_load %arg7[%get3A_115] {strides = array<i32>} : memref<2048xf32, #tpu.memory_space<vmem>>, vector<16xf32>,
      %get3A_117 = arith.constant 400 : index
      %get3A_118 = tpu.vector_load %arg7[%get3A_117] {strides = array<i32>} : memref<2048xf32, #tpu.memory_space<vmem>>, vector<16xf32>,
      %max3A_119 = arith.maximumf %get3A_116, %get3A_118 : vector<16xf32>
      %get3A_120 = arith.constant 416 : index
      %get3A_121 = tpu.vector_load %arg7[%get3A_120] {strides = array<i32>} : memref<2048xf32, #tpu.memory_space<vmem>>, vector<16xf32>,
      %max3A_122 = arith.maximumf %max3A_119, %get3A_121 : vector<16xf32>
      %get3A_123 = arith.constant 432 : index
      %get3A_124 = tpu.vector_load %arg7[%get3A_123] {strides = array<i32>} : memref<2048xf32, #tpu.memory_space<vmem>>, vector<16xf32>,
      %max3A_125 = arith.maximumf %max3A_122, %get3A_124 : vector<16xf32>
      %get3A_126 = arith.constant 448 : index
      %get3A_127 = tpu.vector_load %arg7[%get3A_126] {strides = array<i32>} : memref<2048xf32, #tpu.memory_space<vmem>>, vector<16xf32>,
      %max3A_128 = arith.maximumf %max3A_125, %get3A_127 : vector<16xf32>
      %get3A_129 = arith.constant 464 : index
      %get3A_130 = tpu.vector_load %arg7[%get3A_129] {strides = array<i32>} : memref<2048xf32, #tpu.memory_space<vmem>>, vector<16xf32>,
      %max3A_131 = arith.maximumf %max3A_128, %get3A_130 : vector<16xf32>
      %get3A_132 = arith.constant 480 : index
      %get3A_133 = tpu.vector_load %arg7[%get3A_132] {strides = array<i32>} : memref<2048xf32, #tpu.memory_space<vmem>>, vector<16xf32>,
      %max3A_134 = arith.maximumf %max3A_131, %get3A_133 : vector<16xf32>
      %get3A_135 = arith.constant 496 : index
      %get3A_136 = tpu.vector_load %arg7[%get3A_135] {strides = array<i32>} : memref<2048xf32, #tpu.memory_space<vmem>>, vector<16xf32>,
      %max3A_137 = arith.maximumf %max3A_134, %get3A_136 : vector<16xf32>
      %reduce_max3A_138 = arith.constant true
      %reduce_max3A_139 = vector.broadcast %reduce_max3A_138 : i1 to vector<16xi1>
      %reduce_max3A_140 = tpu.scan <max>, %max3A_137 masked %reduce_max3A_139 : vector<16xf32>, vector<16xi1> -> vector<16xf32>
      %reduce_max3A_141 = vector.extract %reduce_max3A_140[15] : f32 from vector<16xf32>
      %broadcast_in_dim3A_142 = vector.broadcast %reduce_max3A_141 : f32 to vector<16xf32>
      %select_n3A_143 = arith.select %eq3A_114, %broadcast_in_dim3A_142, %select_n3A_111 : vector<16xi1>, vector<16xf32>
      %eq3A_144 = arith.constant 4 : i32
      %eq3A_145 = vector.broadcast %eq3A_144 : i32 to vector<16xi32>
      %eq3A_146 = arith.cmpi eq, %iota3A, %eq3A_145 : vector<16xi32>
      %get3A_147 = arith.constant 512 : index
      %get3A_148 = tpu.vector_load %arg7[%get3A_147] {strides = array<i32>} : memref<2048xf32, #tpu.memory_space<vmem>>, vector<16xf32>,
      %get3A_149 = arith.constant 528 : index
      %get3A_150 = tpu.vector_load %arg7[%get3A_149] {strides = array<i32>} : memref<2048xf32, #tpu.memory_space<vmem>>, vector<16xf32>,
      %max3A_151 = arith.maximumf %get3A_148, %get3A_150 : vector<16xf32>
      %get3A_152 = arith.constant 544 : index
      %get3A_153 = tpu.vector_load %arg7[%get3A_152] {strides = array<i32>} : memref<2048xf32, #tpu.memory_space<vmem>>, vector<16xf32>,
      %max3A_154 = arith.maximumf %max3A_151, %get3A_153 : vector<16xf32>
      %get3A_155 = arith.constant 560 : index
      %get3A_156 = tpu.vector_load %arg7[%get3A_155] {strides = array<i32>} : memref<2048xf32, #tpu.memory_space<vmem>>, vector<16xf32>,
      %max3A_157 = arith.maximumf %max3A_154, %get3A_156 : vector<16xf32>
      %get3A_158 = arith.constant 576 : index
      %get3A_159 = tpu.vector_load %arg7[%get3A_158] {strides = array<i32>} : memref<2048xf32, #tpu.memory_space<vmem>>, vector<16xf32>,
      %max3A_160 = arith.maximumf %max3A_157, %get3A_159 : vector<16xf32>
      %get3A_161 = arith.constant 592 : index
      %get3A_162 = tpu.vector_load %arg7[%get3A_161] {strides = array<i32>} : memref<2048xf32, #tpu.memory_space<vmem>>, vector<16xf32>,
      %max3A_163 = arith.maximumf %max3A_160, %get3A_162 : vector<16xf32>
      %get3A_164 = arith.constant 608 : index
      %get3A_165 = tpu.vector_load %arg7[%get3A_164] {strides = array<i32>} : memref<2048xf32, #tpu.memory_space<vmem>>, vector<16xf32>,
      %max3A_166 = arith.maximumf %max3A_163, %get3A_165 : vector<16xf32>
      %get3A_167 = arith.constant 624 : index
      %get3A_168 = tpu.vector_load %arg7[%get3A_167] {strides = array<i32>} : memref<2048xf32, #tpu.memory_space<vmem>>, vector<16xf32>,
      %max3A_169 = arith.maximumf %max3A_166, %get3A_168 : vector<16xf32>
      %reduce_max3A_170 = arith.constant true
      %reduce_max3A_171 = vector.broadcast %reduce_max3A_170 : i1 to vector<16xi1>
      %reduce_max3A_172 = tpu.scan <max>, %max3A_169 masked %reduce_max3A_171 : vector<16xf32>, vector<16xi1> -> vector<16xf32>
      %reduce_max3A_173 = vector.extract %reduce_max3A_172[15] : f32 from vector<16xf32>
      %broadcast_in_dim3A_174 = vector.broadcast %reduce_max3A_173 : f32 to vector<16xf32>
      %select_n3A_175 = arith.select %eq3A_146, %broadcast_in_dim3A_174, %select_n3A_143 : vector<16xi1>, vector<16xf32>
      %eq3A_176 = arith.constant 5 : i32
      %eq3A_177 = vector.broadcast %eq3A_176 : i32 to vector<16xi32>
      %eq3A_178 = arith.cmpi eq, %iota3A, %eq3A_177 : vector<16xi32>
      %get3A_179 = arith.constant 640 : index
      %get3A_180 = tpu.vector_load %arg7[%get3A_179] {strides = array<i32>} : memref<2048xf32, #tpu.memory_space<vmem>>, vector<16xf32>,
      %get3A_181 = arith.constant 656 : index
      %get3A_182 = tpu.vector_load %arg7[%get3A_181] {strides = array<i32>} : memref<2048xf32, #tpu.memory_space<vmem>>, vector<16xf32>,
      %max3A_183 = arith.maximumf %get3A_180, %get3A_182 : vector<16xf32>
      %get3A_184 = arith.constant 672 : index
      %get3A_185 = tpu.vector_load %arg7[%get3A_184] {strides = array<i32>} : memref<2048xf32, #tpu.memory_space<vmem>>, vector<16xf32>,
      %max3A_186 = arith.maximumf %max3A_183, %get3A_185 : vector<16xf32>
      %get3A_187 = arith.constant 688 : index
      %get3A_188 = tpu.vector_load %arg7[%get3A_187] {strides = array<i32>} : memref<2048xf32, #tpu.memory_space<vmem>>, vector<16xf32>,
      %max3A_189 = arith.maximumf %max3A_186, %get3A_188 : vector<16xf32>
      %get3A_190 = arith.constant 704 : index
      %get3A_191 = tpu.vector_load %arg7[%get3A_190] {strides = array<i32>} : memref<2048xf32, #tpu.memory_space<vmem>>, vector<16xf32>,
      %max3A_192 = arith.maximumf %max3A_189, %get3A_191 : vector<16xf32>
      %get3A_193 = arith.constant 720 : index
      %get3A_194 = tpu.vector_load %arg7[%get3A_193] {strides = array<i32>} : memref<2048xf32, #tpu.memory_space<vmem>>, vector<16xf32>,
      %max3A_195 = arith.maximumf %max3A_192, %get3A_194 : vector<16xf32>
      %get3A_196 = arith.constant 736 : index
      %get3A_197 = tpu.vector_load %arg7[%get3A_196] {strides = array<i32>} : memref<2048xf32, #tpu.memory_space<vmem>>, vector<16xf32>,
      %max3A_198 = arith.maximumf %max3A_195, %get3A_197 : vector<16xf32>
      %get3A_199 = arith.constant 752 : index
      %get3A_200 = tpu.vector_load %arg7[%get3A_199] {strides = array<i32>} : memref<2048xf32, #tpu.memory_space<vmem>>, vector<16xf32>,
      %max3A_201 = arith.maximumf %max3A_198, %get3A_200 : vector<16xf32>
      %reduce_max3A_202 = arith.constant true
      %reduce_max3A_203 = vector.broadcast %reduce_max3A_202 : i1 to vector<16xi1>
      %reduce_max3A_204 = tpu.scan <max>, %max3A_201 masked %reduce_max3A_203 : vector<16xf32>, vector<16xi1> -> vector<16xf32>
      %reduce_max3A_205 = vector.extract %reduce_max3A_204[15] : f32 from vector<16xf32>
      %broadcast_in_dim3A_206 = vector.broadcast %reduce_max3A_205 : f32 to vector<16xf32>
      %select_n3A_207 = arith.select %eq3A_178, %broadcast_in_dim3A_206, %select_n3A_175 : vector<16xi1>, vector<16xf32>
      %eq3A_208 = arith.constant 6 : i32
      %eq3A_209 = vector.broadcast %eq3A_208 : i32 to vector<16xi32>
      %eq3A_210 = arith.cmpi eq, %iota3A, %eq3A_209 : vector<16xi32>
      %get3A_211 = arith.constant 768 : index
      %get3A_212 = tpu.vector_load %arg7[%get3A_211] {strides = array<i32>} : memref<2048xf32, #tpu.memory_space<vmem>>, vector<16xf32>,
      %get3A_213 = arith.constant 784 : index
      %get3A_214 = tpu.vector_load %arg7[%get3A_213] {strides = array<i32>} : memref<2048xf32, #tpu.memory_space<vmem>>, vector<16xf32>,
      %max3A_215 = arith.maximumf %get3A_212, %get3A_214 : vector<16xf32>
      %get3A_216 = arith.constant 800 : index
      %get3A_217 = tpu.vector_load %arg7[%get3A_216] {strides = array<i32>} : memref<2048xf32, #tpu.memory_space<vmem>>, vector<16xf32>,
      %max3A_218 = arith.maximumf %max3A_215, %get3A_217 : vector<16xf32>
      %get3A_219 = arith.constant 816 : index
      %get3A_220 = tpu.vector_load %arg7[%get3A_219] {strides = array<i32>} : memref<2048xf32, #tpu.memory_space<vmem>>, vector<16xf32>,
      %max3A_221 = arith.maximumf %max3A_218, %get3A_220 : vector<16xf32>
      %get3A_222 = arith.constant 832 : index
      %get3A_223 = tpu.vector_load %arg7[%get3A_222] {strides = array<i32>} : memref<2048xf32, #tpu.memory_space<vmem>>, vector<16xf32>,
      %max3A_224 = arith.maximumf %max3A_221, %get3A_223 : vector<16xf32>
      %get3A_225 = arith.constant 848 : index
      %get3A_226 = tpu.vector_load %arg7[%get3A_225] {strides = array<i32>} : memref<2048xf32, #tpu.memory_space<vmem>>, vector<16xf32>,
      %max3A_227 = arith.maximumf %max3A_224, %get3A_226 : vector<16xf32>
      %get3A_228 = arith.constant 864 : index
      %get3A_229 = tpu.vector_load %arg7[%get3A_228] {strides = array<i32>} : memref<2048xf32, #tpu.memory_space<vmem>>, vector<16xf32>,
      %max3A_230 = arith.maximumf %max3A_227, %get3A_229 : vector<16xf32>
      %get3A_231 = arith.constant 880 : index
      %get3A_232 = tpu.vector_load %arg7[%get3A_231] {strides = array<i32>} : memref<2048xf32, #tpu.memory_space<vmem>>, vector<16xf32>,
      %max3A_233 = arith.maximumf %max3A_230, %get3A_232 : vector<16xf32>
      %reduce_max3A_234 = arith.constant true
      %reduce_max3A_235 = vector.broadcast %reduce_max3A_234 : i1 to vector<16xi1>
      %reduce_max3A_236 = tpu.scan <max>, %max3A_233 masked %reduce_max3A_235 : vector<16xf32>, vector<16xi1> -> vector<16xf32>
      %reduce_max3A_237 = vector.extract %reduce_max3A_236[15] : f32 from vector<16xf32>
      %broadcast_in_dim3A_238 = vector.broadcast %reduce_max3A_237 : f32 to vector<16xf32>
      %select_n3A_239 = arith.select %eq3A_210, %broadcast_in_dim3A_238, %select_n3A_207 : vector<16xi1>, vector<16xf32>
      %eq3A_240 = arith.constant 7 : i32
      %eq3A_241 = vector.broadcast %eq3A_240 : i32 to vector<16xi32>
      %eq3A_242 = arith.cmpi eq, %iota3A, %eq3A_241 : vector<16xi32>
      %get3A_243 = arith.constant 896 : index
      %get3A_244 = tpu.vector_load %arg7[%get3A_243] {strides = array<i32>} : memref<2048xf32, #tpu.memory_space<vmem>>, vector<16xf32>,
      %get3A_245 = arith.constant 912 : index
      %get3A_246 = tpu.vector_load %arg7[%get3A_245] {strides = array<i32>} : memref<2048xf32, #tpu.memory_space<vmem>>, vector<16xf32>,
      %max3A_247 = arith.maximumf %get3A_244, %get3A_246 : vector<16xf32>
      %get3A_248 = arith.constant 928 : index
      %get3A_249 = tpu.vector_load %arg7[%get3A_248] {strides = array<i32>} : memref<2048xf32, #tpu.memory_space<vmem>>, vector<16xf32>,
      %max3A_250 = arith.maximumf %max3A_247, %get3A_249 : vector<16xf32>
      %get3A_251 = arith.constant 944 : index
      %get3A_252 = tpu.vector_load %arg7[%get3A_251] {strides = array<i32>} : memref<2048xf32, #tpu.memory_space<vmem>>, vector<16xf32>,
      %max3A_253 = arith.maximumf %max3A_250, %get3A_252 : vector<16xf32>
      %get3A_254 = arith.constant 960 : index
      %get3A_255 = tpu.vector_load %arg7[%get3A_254] {strides = array<i32>} : memref<2048xf32, #tpu.memory_space<vmem>>, vector<16xf32>,
      %max3A_256 = arith.maximumf %max3A_253, %get3A_255 : vector<16xf32>
      %get3A_257 = arith.constant 976 : index
      %get3A_258 = tpu.vector_load %arg7[%get3A_257] {strides = array<i32>} : memref<2048xf32, #tpu.memory_space<vmem>>, vector<16xf32>,
      %max3A_259 = arith.maximumf %max3A_256, %get3A_258 : vector<16xf32>
      %get3A_260 = arith.constant 992 : index
      %get3A_261 = tpu.vector_load %arg7[%get3A_260] {strides = array<i32>} : memref<2048xf32, #tpu.memory_space<vmem>>, vector<16xf32>,
      %max3A_262 = arith.maximumf %max3A_259, %get3A_261 : vector<16xf32>
      %get3A_263 = arith.constant 1008 : index
      %get3A_264 = tpu.vector_load %arg7[%get3A_263] {strides = array<i32>} : memref<2048xf32, #tpu.memory_space<vmem>>, vector<16xf32>,
      %max3A_265 = arith.maximumf %max3A_262, %get3A_264 : vector<16xf32>
      %reduce_max3A_266 = arith.constant true
      %reduce_max3A_267 = vector.broadcast %reduce_max3A_266 : i1 to vector<16xi1>
      %reduce_max3A_268 = tpu.scan <max>, %max3A_265 masked %reduce_max3A_267 : vector<16xf32>, vector<16xi1> -> vector<16xf32>
      %reduce_max3A_269 = vector.extract %reduce_max3A_268[15] : f32 from vector<16xf32>
      %broadcast_in_dim3A_270 = vector.broadcast %reduce_max3A_269 : f32 to vector<16xf32>
      %select_n3A_271 = arith.select %eq3A_242, %broadcast_in_dim3A_270, %select_n3A_239 : vector<16xi1>, vector<16xf32>
      %eq3A_272 = arith.constant 8 : i32
      %eq3A_273 = vector.broadcast %eq3A_272 : i32 to vector<16xi32>
      %eq3A_274 = arith.cmpi eq, %iota3A, %eq3A_273 : vector<16xi32>
      %get3A_275 = arith.constant 1024 : index
      %get3A_276 = tpu.vector_load %arg7[%get3A_275] {strides = array<i32>} : memref<2048xf32, #tpu.memory_space<vmem>>, vector<16xf32>,
      %get3A_277 = arith.constant 1040 : index
      %get3A_278 = tpu.vector_load %arg7[%get3A_277] {strides = array<i32>} : memref<2048xf32, #tpu.memory_space<vmem>>, vector<16xf32>,
      %max3A_279 = arith.maximumf %get3A_276, %get3A_278 : vector<16xf32>
      %get3A_280 = arith.constant 1056 : index
      %get3A_281 = tpu.vector_load %arg7[%get3A_280] {strides = array<i32>} : memref<2048xf32, #tpu.memory_space<vmem>>, vector<16xf32>,
      %max3A_282 = arith.maximumf %max3A_279, %get3A_281 : vector<16xf32>
      %get3A_283 = arith.constant 1072 : index
      %get3A_284 = tpu.vector_load %arg7[%get3A_283] {strides = array<i32>} : memref<2048xf32, #tpu.memory_space<vmem>>, vector<16xf32>,
      %max3A_285 = arith.maximumf %max3A_282, %get3A_284 : vector<16xf32>
      %get3A_286 = arith.constant 1088 : index
      %get3A_287 = tpu.vector_load %arg7[%get3A_286] {strides = array<i32>} : memref<2048xf32, #tpu.memory_space<vmem>>, vector<16xf32>,
      %max3A_288 = arith.maximumf %max3A_285, %get3A_287 : vector<16xf32>
      %get3A_289 = arith.constant 1104 : index
      %get3A_290 = tpu.vector_load %arg7[%get3A_289] {strides = array<i32>} : memref<2048xf32, #tpu.memory_space<vmem>>, vector<16xf32>,
      %max3A_291 = arith.maximumf %max3A_288, %get3A_290 : vector<16xf32>
      %get3A_292 = arith.constant 1120 : index
      %get3A_293 = tpu.vector_load %arg7[%get3A_292] {strides = array<i32>} : memref<2048xf32, #tpu.memory_space<vmem>>, vector<16xf32>,
      %max3A_294 = arith.maximumf %max3A_291, %get3A_293 : vector<16xf32>
      %get3A_295 = arith.constant 1136 : index
      %get3A_296 = tpu.vector_load %arg7[%get3A_295] {strides = array<i32>} : memref<2048xf32, #tpu.memory_space<vmem>>, vector<16xf32>,
      %max3A_297 = arith.maximumf %max3A_294, %get3A_296 : vector<16xf32>
      %reduce_max3A_298 = arith.constant true
      %reduce_max3A_299 = vector.broadcast %reduce_max3A_298 : i1 to vector<16xi1>
      %reduce_max3A_300 = tpu.scan <max>, %max3A_297 masked %reduce_max3A_299 : vector<16xf32>, vector<16xi1> -> vector<16xf32>
      %reduce_max3A_301 = vector.extract %reduce_max3A_300[15] : f32 from vector<16xf32>
      %broadcast_in_dim3A_302 = vector.broadcast %reduce_max3A_301 : f32 to vector<16xf32>
      %select_n3A_303 = arith.select %eq3A_274, %broadcast_in_dim3A_302, %select_n3A_271 : vector<16xi1>, vector<16xf32>
      %eq3A_304 = arith.constant 9 : i32
      %eq3A_305 = vector.broadcast %eq3A_304 : i32 to vector<16xi32>
      %eq3A_306 = arith.cmpi eq, %iota3A, %eq3A_305 : vector<16xi32>
      %get3A_307 = arith.constant 1152 : index
      %get3A_308 = tpu.vector_load %arg7[%get3A_307] {strides = array<i32>} : memref<2048xf32, #tpu.memory_space<vmem>>, vector<16xf32>,
      %get3A_309 = arith.constant 1168 : index
      %get3A_310 = tpu.vector_load %arg7[%get3A_309] {strides = array<i32>} : memref<2048xf32, #tpu.memory_space<vmem>>, vector<16xf32>,
      %max3A_311 = arith.maximumf %get3A_308, %get3A_310 : vector<16xf32>
      %get3A_312 = arith.constant 1184 : index
      %get3A_313 = tpu.vector_load %arg7[%get3A_312] {strides = array<i32>} : memref<2048xf32, #tpu.memory_space<vmem>>, vector<16xf32>,
      %max3A_314 = arith.maximumf %max3A_311, %get3A_313 : vector<16xf32>
      %get3A_315 = arith.constant 1200 : index
      %get3A_316 = tpu.vector_load %arg7[%get3A_315] {strides = array<i32>} : memref<2048xf32, #tpu.memory_space<vmem>>, vector<16xf32>,
      %max3A_317 = arith.maximumf %max3A_314, %get3A_316 : vector<16xf32>
      %get3A_318 = arith.constant 1216 : index
      %get3A_319 = tpu.vector_load %arg7[%get3A_318] {strides = array<i32>} : memref<2048xf32, #tpu.memory_space<vmem>>, vector<16xf32>,
      %max3A_320 = arith.maximumf %max3A_317, %get3A_319 : vector<16xf32>
      %get3A_321 = arith.constant 1232 : index
      %get3A_322 = tpu.vector_load %arg7[%get3A_321] {strides = array<i32>} : memref<2048xf32, #tpu.memory_space<vmem>>, vector<16xf32>,
      %max3A_323 = arith.maximumf %max3A_320, %get3A_322 : vector<16xf32>
      %get3A_324 = arith.constant 1248 : index
      %get3A_325 = tpu.vector_load %arg7[%get3A_324] {strides = array<i32>} : memref<2048xf32, #tpu.memory_space<vmem>>, vector<16xf32>,
      %max3A_326 = arith.maximumf %max3A_323, %get3A_325 : vector<16xf32>
      %get3A_327 = arith.constant 1264 : index
      %get3A_328 = tpu.vector_load %arg7[%get3A_327] {strides = array<i32>} : memref<2048xf32, #tpu.memory_space<vmem>>, vector<16xf32>,
      %max3A_329 = arith.maximumf %max3A_326, %get3A_328 : vector<16xf32>
      %reduce_max3A_330 = arith.constant true
      %reduce_max3A_331 = vector.broadcast %reduce_max3A_330 : i1 to vector<16xi1>
      %reduce_max3A_332 = tpu.scan <max>, %max3A_329 masked %reduce_max3A_331 : vector<16xf32>, vector<16xi1> -> vector<16xf32>
      %reduce_max3A_333 = vector.extract %reduce_max3A_332[15] : f32 from vector<16xf32>
      %broadcast_in_dim3A_334 = vector.broadcast %reduce_max3A_333 : f32 to vector<16xf32>
      %select_n3A_335 = arith.select %eq3A_306, %broadcast_in_dim3A_334, %select_n3A_303 : vector<16xi1>, vector<16xf32>
      %eq3A_336 = arith.constant 10 : i32
      %eq3A_337 = vector.broadcast %eq3A_336 : i32 to vector<16xi32>
      %eq3A_338 = arith.cmpi eq, %iota3A, %eq3A_337 : vector<16xi32>
      %get3A_339 = arith.constant 1280 : index
      %get3A_340 = tpu.vector_load %arg7[%get3A_339] {strides = array<i32>} : memref<2048xf32, #tpu.memory_space<vmem>>, vector<16xf32>,
      %get3A_341 = arith.constant 1296 : index
      %get3A_342 = tpu.vector_load %arg7[%get3A_341] {strides = array<i32>} : memref<2048xf32, #tpu.memory_space<vmem>>, vector<16xf32>,
      %max3A_343 = arith.maximumf %get3A_340, %get3A_342 : vector<16xf32>
      %get3A_344 = arith.constant 1312 : index
      %get3A_345 = tpu.vector_load %arg7[%get3A_344] {strides = array<i32>} : memref<2048xf32, #tpu.memory_space<vmem>>, vector<16xf32>,
      %max3A_346 = arith.maximumf %max3A_343, %get3A_345 : vector<16xf32>
      %get3A_347 = arith.constant 1328 : index
      %get3A_348 = tpu.vector_load %arg7[%get3A_347] {strides = array<i32>} : memref<2048xf32, #tpu.memory_space<vmem>>, vector<16xf32>,
      %max3A_349 = arith.maximumf %max3A_346, %get3A_348 : vector<16xf32>
      %get3A_350 = arith.constant 1344 : index
      %get3A_351 = tpu.vector_load %arg7[%get3A_350] {strides = array<i32>} : memref<2048xf32, #tpu.memory_space<vmem>>, vector<16xf32>,
      %max3A_352 = arith.maximumf %max3A_349, %get3A_351 : vector<16xf32>
      %get3A_353 = arith.constant 1360 : index
      %get3A_354 = tpu.vector_load %arg7[%get3A_353] {strides = array<i32>} : memref<2048xf32, #tpu.memory_space<vmem>>, vector<16xf32>,
      %max3A_355 = arith.maximumf %max3A_352, %get3A_354 : vector<16xf32>
      %get3A_356 = arith.constant 1376 : index
      %get3A_357 = tpu.vector_load %arg7[%get3A_356] {strides = array<i32>} : memref<2048xf32, #tpu.memory_space<vmem>>, vector<16xf32>,
      %max3A_358 = arith.maximumf %max3A_355, %get3A_357 : vector<16xf32>
      %get3A_359 = arith.constant 1392 : index
      %get3A_360 = tpu.vector_load %arg7[%get3A_359] {strides = array<i32>} : memref<2048xf32, #tpu.memory_space<vmem>>, vector<16xf32>,
      %max3A_361 = arith.maximumf %max3A_358, %get3A_360 : vector<16xf32>
      %reduce_max3A_362 = arith.constant true
      %reduce_max3A_363 = vector.broadcast %reduce_max3A_362 : i1 to vector<16xi1>
      %reduce_max3A_364 = tpu.scan <max>, %max3A_361 masked %reduce_max3A_363 : vector<16xf32>, vector<16xi1> -> vector<16xf32>
      %reduce_max3A_365 = vector.extract %reduce_max3A_364[15] : f32 from vector<16xf32>
      %broadcast_in_dim3A_366 = vector.broadcast %reduce_max3A_365 : f32 to vector<16xf32>
      %select_n3A_367 = arith.select %eq3A_338, %broadcast_in_dim3A_366, %select_n3A_335 : vector<16xi1>, vector<16xf32>
      %eq3A_368 = arith.constant 11 : i32
      %eq3A_369 = vector.broadcast %eq3A_368 : i32 to vector<16xi32>
      %eq3A_370 = arith.cmpi eq, %iota3A, %eq3A_369 : vector<16xi32>
      %get3A_371 = arith.constant 1408 : index
      %get3A_372 = tpu.vector_load %arg7[%get3A_371] {strides = array<i32>} : memref<2048xf32, #tpu.memory_space<vmem>>, vector<16xf32>,
      %get3A_373 = arith.constant 1424 : index
      %get3A_374 = tpu.vector_load %arg7[%get3A_373] {strides = array<i32>} : memref<2048xf32, #tpu.memory_space<vmem>>, vector<16xf32>,
      %max3A_375 = arith.maximumf %get3A_372, %get3A_374 : vector<16xf32>
      %get3A_376 = arith.constant 1440 : index
      %get3A_377 = tpu.vector_load %arg7[%get3A_376] {strides = array<i32>} : memref<2048xf32, #tpu.memory_space<vmem>>, vector<16xf32>,
      %max3A_378 = arith.maximumf %max3A_375, %get3A_377 : vector<16xf32>
      %get3A_379 = arith.constant 1456 : index
      %get3A_380 = tpu.vector_load %arg7[%get3A_379] {strides = array<i32>} : memref<2048xf32, #tpu.memory_space<vmem>>, vector<16xf32>,
      %max3A_381 = arith.maximumf %max3A_378, %get3A_380 : vector<16xf32>
      %get3A_382 = arith.constant 1472 : index
      %get3A_383 = tpu.vector_load %arg7[%get3A_382] {strides = array<i32>} : memref<2048xf32, #tpu.memory_space<vmem>>, vector<16xf32>,
      %max3A_384 = arith.maximumf %max3A_381, %get3A_383 : vector<16xf32>
      %get3A_385 = arith.constant 1488 : index
      %get3A_386 = tpu.vector_load %arg7[%get3A_385] {strides = array<i32>} : memref<2048xf32, #tpu.memory_space<vmem>>, vector<16xf32>,
      %max3A_387 = arith.maximumf %max3A_384, %get3A_386 : vector<16xf32>
      %get3A_388 = arith.constant 1504 : index
      %get3A_389 = tpu.vector_load %arg7[%get3A_388] {strides = array<i32>} : memref<2048xf32, #tpu.memory_space<vmem>>, vector<16xf32>,
      %max3A_390 = arith.maximumf %max3A_387, %get3A_389 : vector<16xf32>
      %get3A_391 = arith.constant 1520 : index
      %get3A_392 = tpu.vector_load %arg7[%get3A_391] {strides = array<i32>} : memref<2048xf32, #tpu.memory_space<vmem>>, vector<16xf32>,
      %max3A_393 = arith.maximumf %max3A_390, %get3A_392 : vector<16xf32>
      %reduce_max3A_394 = arith.constant true
      %reduce_max3A_395 = vector.broadcast %reduce_max3A_394 : i1 to vector<16xi1>
      %reduce_max3A_396 = tpu.scan <max>, %max3A_393 masked %reduce_max3A_395 : vector<16xf32>, vector<16xi1> -> vector<16xf32>
      %reduce_max3A_397 = vector.extract %reduce_max3A_396[15] : f32 from vector<16xf32>
      %broadcast_in_dim3A_398 = vector.broadcast %reduce_max3A_397 : f32 to vector<16xf32>
      %select_n3A_399 = arith.select %eq3A_370, %broadcast_in_dim3A_398, %select_n3A_367 : vector<16xi1>, vector<16xf32>
      %eq3A_400 = arith.constant 12 : i32
      %eq3A_401 = vector.broadcast %eq3A_400 : i32 to vector<16xi32>
      %eq3A_402 = arith.cmpi eq, %iota3A, %eq3A_401 : vector<16xi32>
      %get3A_403 = arith.constant 1536 : index
      %get3A_404 = tpu.vector_load %arg7[%get3A_403] {strides = array<i32>} : memref<2048xf32, #tpu.memory_space<vmem>>, vector<16xf32>,
      %get3A_405 = arith.constant 1552 : index
      %get3A_406 = tpu.vector_load %arg7[%get3A_405] {strides = array<i32>} : memref<2048xf32, #tpu.memory_space<vmem>>, vector<16xf32>,
      %max3A_407 = arith.maximumf %get3A_404, %get3A_406 : vector<16xf32>
      %get3A_408 = arith.constant 1568 : index
      %get3A_409 = tpu.vector_load %arg7[%get3A_408] {strides = array<i32>} : memref<2048xf32, #tpu.memory_space<vmem>>, vector<16xf32>,
      %max3A_410 = arith.maximumf %max3A_407, %get3A_409 : vector<16xf32>
      %get3A_411 = arith.constant 1584 : index
      %get3A_412 = tpu.vector_load %arg7[%get3A_411] {strides = array<i32>} : memref<2048xf32, #tpu.memory_space<vmem>>, vector<16xf32>,
      %max3A_413 = arith.maximumf %max3A_410, %get3A_412 : vector<16xf32>
      %get3A_414 = arith.constant 1600 : index
      %get3A_415 = tpu.vector_load %arg7[%get3A_414] {strides = array<i32>} : memref<2048xf32, #tpu.memory_space<vmem>>, vector<16xf32>,
      %max3A_416 = arith.maximumf %max3A_413, %get3A_415 : vector<16xf32>
      %get3A_417 = arith.constant 1616 : index
      %get3A_418 = tpu.vector_load %arg7[%get3A_417] {strides = array<i32>} : memref<2048xf32, #tpu.memory_space<vmem>>, vector<16xf32>,
      %max3A_419 = arith.maximumf %max3A_416, %get3A_418 : vector<16xf32>
      %get3A_420 = arith.constant 1632 : index
      %get3A_421 = tpu.vector_load %arg7[%get3A_420] {strides = array<i32>} : memref<2048xf32, #tpu.memory_space<vmem>>, vector<16xf32>,
      %max3A_422 = arith.maximumf %max3A_419, %get3A_421 : vector<16xf32>
      %get3A_423 = arith.constant 1648 : index
      %get3A_424 = tpu.vector_load %arg7[%get3A_423] {strides = array<i32>} : memref<2048xf32, #tpu.memory_space<vmem>>, vector<16xf32>,
      %max3A_425 = arith.maximumf %max3A_422, %get3A_424 : vector<16xf32>
      %reduce_max3A_426 = arith.constant true
      %reduce_max3A_427 = vector.broadcast %reduce_max3A_426 : i1 to vector<16xi1>
      %reduce_max3A_428 = tpu.scan <max>, %max3A_425 masked %reduce_max3A_427 : vector<16xf32>, vector<16xi1> -> vector<16xf32>
      %reduce_max3A_429 = vector.extract %reduce_max3A_428[15] : f32 from vector<16xf32>
      %broadcast_in_dim3A_430 = vector.broadcast %reduce_max3A_429 : f32 to vector<16xf32>
      %select_n3A_431 = arith.select %eq3A_402, %broadcast_in_dim3A_430, %select_n3A_399 : vector<16xi1>, vector<16xf32>
      %eq3A_432 = arith.constant 13 : i32
      %eq3A_433 = vector.broadcast %eq3A_432 : i32 to vector<16xi32>
      %eq3A_434 = arith.cmpi eq, %iota3A, %eq3A_433 : vector<16xi32>
      %get3A_435 = arith.constant 1664 : index
      %get3A_436 = tpu.vector_load %arg7[%get3A_435] {strides = array<i32>} : memref<2048xf32, #tpu.memory_space<vmem>>, vector<16xf32>,
      %get3A_437 = arith.constant 1680 : index
      %get3A_438 = tpu.vector_load %arg7[%get3A_437] {strides = array<i32>} : memref<2048xf32, #tpu.memory_space<vmem>>, vector<16xf32>,
      %max3A_439 = arith.maximumf %get3A_436, %get3A_438 : vector<16xf32>
      %get3A_440 = arith.constant 1696 : index
      %get3A_441 = tpu.vector_load %arg7[%get3A_440] {strides = array<i32>} : memref<2048xf32, #tpu.memory_space<vmem>>, vector<16xf32>,
      %max3A_442 = arith.maximumf %max3A_439, %get3A_441 : vector<16xf32>
      %get3A_443 = arith.constant 1712 : index
      %get3A_444 = tpu.vector_load %arg7[%get3A_443] {strides = array<i32>} : memref<2048xf32, #tpu.memory_space<vmem>>, vector<16xf32>,
      %max3A_445 = arith.maximumf %max3A_442, %get3A_444 : vector<16xf32>
      %get3A_446 = arith.constant 1728 : index
      %get3A_447 = tpu.vector_load %arg7[%get3A_446] {strides = array<i32>} : memref<2048xf32, #tpu.memory_space<vmem>>, vector<16xf32>,
      %max3A_448 = arith.maximumf %max3A_445, %get3A_447 : vector<16xf32>
      %get3A_449 = arith.constant 1744 : index
      %get3A_450 = tpu.vector_load %arg7[%get3A_449] {strides = array<i32>} : memref<2048xf32, #tpu.memory_space<vmem>>, vector<16xf32>,
      %max3A_451 = arith.maximumf %max3A_448, %get3A_450 : vector<16xf32>
      %get3A_452 = arith.constant 1760 : index
      %get3A_453 = tpu.vector_load %arg7[%get3A_452] {strides = array<i32>} : memref<2048xf32, #tpu.memory_space<vmem>>, vector<16xf32>,
      %max3A_454 = arith.maximumf %max3A_451, %get3A_453 : vector<16xf32>
      %get3A_455 = arith.constant 1776 : index
      %get3A_456 = tpu.vector_load %arg7[%get3A_455] {strides = array<i32>} : memref<2048xf32, #tpu.memory_space<vmem>>, vector<16xf32>,
      %max3A_457 = arith.maximumf %max3A_454, %get3A_456 : vector<16xf32>
      %reduce_max3A_458 = arith.constant true
      %reduce_max3A_459 = vector.broadcast %reduce_max3A_458 : i1 to vector<16xi1>
      %reduce_max3A_460 = tpu.scan <max>, %max3A_457 masked %reduce_max3A_459 : vector<16xf32>, vector<16xi1> -> vector<16xf32>
      %reduce_max3A_461 = vector.extract %reduce_max3A_460[15] : f32 from vector<16xf32>
      %broadcast_in_dim3A_462 = vector.broadcast %reduce_max3A_461 : f32 to vector<16xf32>
      %select_n3A_463 = arith.select %eq3A_434, %broadcast_in_dim3A_462, %select_n3A_431 : vector<16xi1>, vector<16xf32>
      %eq3A_464 = arith.constant 14 : i32
      %eq3A_465 = vector.broadcast %eq3A_464 : i32 to vector<16xi32>
      %eq3A_466 = arith.cmpi eq, %iota3A, %eq3A_465 : vector<16xi32>
      %get3A_467 = arith.constant 1792 : index
      %get3A_468 = tpu.vector_load %arg7[%get3A_467] {strides = array<i32>} : memref<2048xf32, #tpu.memory_space<vmem>>, vector<16xf32>,
      %get3A_469 = arith.constant 1808 : index
      %get3A_470 = tpu.vector_load %arg7[%get3A_469] {strides = array<i32>} : memref<2048xf32, #tpu.memory_space<vmem>>, vector<16xf32>,
      %max3A_471 = arith.maximumf %get3A_468, %get3A_470 : vector<16xf32>
      %get3A_472 = arith.constant 1824 : index
      %get3A_473 = tpu.vector_load %arg7[%get3A_472] {strides = array<i32>} : memref<2048xf32, #tpu.memory_space<vmem>>, vector<16xf32>,
      %max3A_474 = arith.maximumf %max3A_471, %get3A_473 : vector<16xf32>
      %get3A_475 = arith.constant 1840 : index
      %get3A_476 = tpu.vector_load %arg7[%get3A_475] {strides = array<i32>} : memref<2048xf32, #tpu.memory_space<vmem>>, vector<16xf32>,
      %max3A_477 = arith.maximumf %max3A_474, %get3A_476 : vector<16xf32>
      %get3A_478 = arith.constant 1856 : index
      %get3A_479 = tpu.vector_load %arg7[%get3A_478] {strides = array<i32>} : memref<2048xf32, #tpu.memory_space<vmem>>, vector<16xf32>,
      %max3A_480 = arith.maximumf %max3A_477, %get3A_479 : vector<16xf32>
      %get3A_481 = arith.constant 1872 : index
      %get3A_482 = tpu.vector_load %arg7[%get3A_481] {strides = array<i32>} : memref<2048xf32, #tpu.memory_space<vmem>>, vector<16xf32>,
      %max3A_483 = arith.maximumf %max3A_480, %get3A_482 : vector<16xf32>
      %get3A_484 = arith.constant 1888 : index
      %get3A_485 = tpu.vector_load %arg7[%get3A_484] {strides = array<i32>} : memref<2048xf32, #tpu.memory_space<vmem>>, vector<16xf32>,
      %max3A_486 = arith.maximumf %max3A_483, %get3A_485 : vector<16xf32>
      %get3A_487 = arith.constant 1904 : index
      %get3A_488 = tpu.vector_load %arg7[%get3A_487] {strides = array<i32>} : memref<2048xf32, #tpu.memory_space<vmem>>, vector<16xf32>,
      %max3A_489 = arith.maximumf %max3A_486, %get3A_488 : vector<16xf32>
      %reduce_max3A_490 = arith.constant true
      %reduce_max3A_491 = vector.broadcast %reduce_max3A_490 : i1 to vector<16xi1>
      %reduce_max3A_492 = tpu.scan <max>, %max3A_489 masked %reduce_max3A_491 : vector<16xf32>, vector<16xi1> -> vector<16xf32>
      %reduce_max3A_493 = vector.extract %reduce_max3A_492[15] : f32 from vector<16xf32>
      %broadcast_in_dim3A_494 = vector.broadcast %reduce_max3A_493 : f32 to vector<16xf32>
      %select_n3A_495 = arith.select %eq3A_466, %broadcast_in_dim3A_494, %select_n3A_463 : vector<16xi1>, vector<16xf32>
      %eq3A_496 = arith.constant 15 : i32
      %eq3A_497 = vector.broadcast %eq3A_496 : i32 to vector<16xi32>
      %eq3A_498 = arith.cmpi eq, %iota3A, %eq3A_497 : vector<16xi32>
      %get3A_499 = arith.constant 1920 : index
      %get3A_500 = tpu.vector_load %arg7[%get3A_499] {strides = array<i32>} : memref<2048xf32, #tpu.memory_space<vmem>>, vector<16xf32>,
      %get3A_501 = arith.constant 1936 : index
      %get3A_502 = tpu.vector_load %arg7[%get3A_501] {strides = array<i32>} : memref<2048xf32, #tpu.memory_space<vmem>>, vector<16xf32>,
      %max3A_503 = arith.maximumf %get3A_500, %get3A_502 : vector<16xf32>
      %get3A_504 = arith.constant 1952 : index
      %get3A_505 = tpu.vector_load %arg7[%get3A_504] {strides = array<i32>} : memref<2048xf32, #tpu.memory_space<vmem>>, vector<16xf32>,
      %max3A_506 = arith.maximumf %max3A_503, %get3A_505 : vector<16xf32>
      %get3A_507 = arith.constant 1968 : index
      %get3A_508 = tpu.vector_load %arg7[%get3A_507] {strides = array<i32>} : memref<2048xf32, #tpu.memory_space<vmem>>, vector<16xf32>,
      %max3A_509 = arith.maximumf %max3A_506, %get3A_508 : vector<16xf32>
      %get3A_510 = arith.constant 1984 : index
      %get3A_511 = tpu.vector_load %arg7[%get3A_510] {strides = array<i32>} : memref<2048xf32, #tpu.memory_space<vmem>>, vector<16xf32>,
      %max3A_512 = arith.maximumf %max3A_509, %get3A_511 : vector<16xf32>
      %get3A_513 = arith.constant 2000 : index
      %get3A_514 = tpu.vector_load %arg7[%get3A_513] {strides = array<i32>} : memref<2048xf32, #tpu.memory_space<vmem>>, vector<16xf32>,
      %max3A_515 = arith.maximumf %max3A_512, %get3A_514 : vector<16xf32>
      %get3A_516 = arith.constant 2016 : index
      %get3A_517 = tpu.vector_load %arg7[%get3A_516] {strides = array<i32>} : memref<2048xf32, #tpu.memory_space<vmem>>, vector<16xf32>,
      %max3A_518 = arith.maximumf %max3A_515, %get3A_517 : vector<16xf32>
      %get3A_519 = arith.constant 2032 : index
      %get3A_520 = tpu.vector_load %arg7[%get3A_519] {strides = array<i32>} : memref<2048xf32, #tpu.memory_space<vmem>>, vector<16xf32>,
      %max3A_521 = arith.maximumf %max3A_518, %get3A_520 : vector<16xf32>
      %reduce_max3A_522 = arith.constant true
      %reduce_max3A_523 = vector.broadcast %reduce_max3A_522 : i1 to vector<16xi1>
      %reduce_max3A_524 = tpu.scan <max>, %max3A_521 masked %reduce_max3A_523 : vector<16xf32>, vector<16xi1> -> vector<16xf32>
      %reduce_max3A_525 = vector.extract %reduce_max3A_524[15] : f32 from vector<16xf32>
      %broadcast_in_dim3A_526 = vector.broadcast %reduce_max3A_525 : f32 to vector<16xf32>
      %select_n3A_527 = arith.select %eq3A_498, %broadcast_in_dim3A_526, %select_n3A_495 : vector<16xi1>, vector<16xf32>
      %scan3A_528 = arith.constant 0 : i32
      %scan3A_529 = arith.constant 50 : i32
      %scan3A_530 = arith.addi %scan3A_528, %scan3A_529 : i32
      %scan3A_531 = arith.constant 1 : i32
      %scan3A_532 = scf.for %scan3A_569 = %scan3A_528 to %scan3A_530 step %scan3A_531 iter_args(%scan3A_570 = %select_n3A_527) -> (vector<16xf32>)  : i32 {
        %reduce_max3A_571 = arith.constant true
        %reduce_max3A_572 = vector.broadcast %reduce_max3A_571 : i1 to vector<16xi1>
        %reduce_max3A_573 = tpu.scan <max>, %scan3A_570 masked %reduce_max3A_572 : vector<16xf32>, vector<16xi1> -> vector<16xf32>
        %reduce_max3A_574 = vector.extract %reduce_max3A_573[15] : f32 from vector<16xf32>
        %eq3A_575 = vector.broadcast %reduce_max3A_574 : f32 to vector<16xf32>
        %eq3A_576 = arith.cmpf oeq, %scan3A_570, %eq3A_575 : vector<16xf32>
        %jit3A = arith.constant 16 : i32
        %broadcast_in_dim3A_577 = vector.broadcast %jit3A : i32 to vector<16xi32>
        %select_n3A_578 = arith.select %eq3A_576, %iota3A, %broadcast_in_dim3A_577 : vector<16xi1>, vector<16xi32>
        %reduce_min3A = arith.constant true
        %reduce_min3A_579 = vector.broadcast %reduce_min3A : i1 to vector<16xi1>
        %reduce_min3A_580 = arith.constant -2147483648 : i32
        %reduce_min3A_581 = vector.broadcast %reduce_min3A_580 : i32 to vector<16xi32>
        %reduce_min3A_582 = arith.xori %select_n3A_578, %reduce_min3A_581 : vector<16xi32>
        %reduce_min3A_583 = tpu.scan <min>, %reduce_min3A_582 masked %reduce_min3A_579 : vector<16xi32>, vector<16xi1> -> vector<16xi32>
        %reduce_min3A_584 = arith.xori %reduce_min3A_583, %reduce_min3A_581 : vector<16xi32>
        %reduce_min3A_585 = vector.extract %reduce_min3A_584[15] : i32 from vector<16xi32>
        %mul3A_586 = arith.constant 128 : i32
        %mul3A_587 = arith.muli %reduce_min3A_585, %mul3A_586 : i32
        %broadcast_in_dim3A_588 = arith.constant -4.000000e+00 : f32
        %broadcast_in_dim3A_589 = vector.broadcast %broadcast_in_dim3A_588 : f32 to vector<16xf32>
        %add3A_590 = arith.constant 0 : i32
        %add3A_591 = arith.addi %mul3A_587, %add3A_590 : i32
        %get3A_592 = arith.index_cast %add3A_591 : i32 to index
        %get3A_593 = tpu.vector_load %arg7[%get3A_592] {strides = array<i32>} : memref<2048xf32, #tpu.memory_space<vmem>>, vector<16xf32>,
        %gt3A = arith.cmpf ogt, %get3A_593, %broadcast_in_dim3A_589 : vector<16xf32>
        %select_n3A_594 = arith.select %gt3A, %get3A_593, %broadcast_in_dim3A_589 : vector<16xi1>, vector<16xf32>
        %add3A_595 = arith.constant 0 : i32
        %add3A_596 = arith.addi %mul3A_587, %add3A_595 : i32
        %add3A_597 = vector.broadcast %add3A_596 : i32 to vector<16xi32>
        %add3A_598 = arith.addi %add3A_597, %iota3A : vector<16xi32>
        %select_n3A_599 = arith.select %gt3A, %add3A_598, %broadcast_in_dim3A_1 : vector<16xi1>, vector<16xi32>
        %add3A_600 = arith.constant 16 : i32
        %add3A_601 = arith.addi %mul3A_587, %add3A_600 : i32
        %get3A_602 = arith.index_cast %add3A_601 : i32 to index
        %get3A_603 = tpu.vector_load %arg7[%get3A_602] {strides = array<i32>} : memref<2048xf32, #tpu.memory_space<vmem>>, vector<16xf32>,
        %gt3A_604 = arith.cmpf ogt, %get3A_603, %select_n3A_594 : vector<16xf32>
        %select_n3A_605 = arith.select %gt3A_604, %get3A_603, %select_n3A_594 : vector<16xi1>, vector<16xf32>
        %add3A_606 = arith.constant 16 : i32
        %add3A_607 = arith.addi %mul3A_587, %add3A_606 : i32
        %add3A_608 = vector.broadcast %add3A_607 : i32 to vector<16xi32>
        %add3A_609 = arith.addi %add3A_608, %iota3A : vector<16xi32>
        %select_n3A_610 = arith.select %gt3A_604, %add3A_609, %select_n3A_599 : vector<16xi1>, vector<16xi32>
        %add3A_611 = arith.constant 32 : i32
        %add3A_612 = arith.addi %mul3A_587, %add3A_611 : i32
        %get3A_613 = arith.index_cast %add3A_612 : i32 to index
        %get3A_614 = tpu.vector_load %arg7[%get3A_613] {strides = array<i32>} : memref<2048xf32, #tpu.memory_space<vmem>>, vector<16xf32>,
        %gt3A_615 = arith.cmpf ogt, %get3A_614, %select_n3A_605 : vector<16xf32>
        %select_n3A_616 = arith.select %gt3A_615, %get3A_614, %select_n3A_605 : vector<16xi1>, vector<16xf32>
        %add3A_617 = arith.constant 32 : i32
        %add3A_618 = arith.addi %mul3A_587, %add3A_617 : i32
        %add3A_619 = vector.broadcast %add3A_618 : i32 to vector<16xi32>
        %add3A_620 = arith.addi %add3A_619, %iota3A : vector<16xi32>
        %select_n3A_621 = arith.select %gt3A_615, %add3A_620, %select_n3A_610 : vector<16xi1>, vector<16xi32>
        %add3A_622 = arith.constant 48 : i32
        %add3A_623 = arith.addi %mul3A_587, %add3A_622 : i32
        %get3A_624 = arith.index_cast %add3A_623 : i32 to index
        %get3A_625 = tpu.vector_load %arg7[%get3A_624] {strides = array<i32>} : memref<2048xf32, #tpu.memory_space<vmem>>, vector<16xf32>,
        %gt3A_626 = arith.cmpf ogt, %get3A_625, %select_n3A_616 : vector<16xf32>
        %select_n3A_627 = arith.select %gt3A_626, %get3A_625, %select_n3A_616 : vector<16xi1>, vector<16xf32>
        %add3A_628 = arith.constant 48 : i32
        %add3A_629 = arith.addi %mul3A_587, %add3A_628 : i32
        %add3A_630 = vector.broadcast %add3A_629 : i32 to vector<16xi32>
        %add3A_631 = arith.addi %add3A_630, %iota3A : vector<16xi32>
        %select_n3A_632 = arith.select %gt3A_626, %add3A_631, %select_n3A_621 : vector<16xi1>, vector<16xi32>
        %add3A_633 = arith.constant 64 : i32
        %add3A_634 = arith.addi %mul3A_587, %add3A_633 : i32
        %get3A_635 = arith.index_cast %add3A_634 : i32 to index
        %get3A_636 = tpu.vector_load %arg7[%get3A_635] {strides = array<i32>} : memref<2048xf32, #tpu.memory_space<vmem>>, vector<16xf32>,
        %gt3A_637 = arith.cmpf ogt, %get3A_636, %select_n3A_627 : vector<16xf32>
        %select_n3A_638 = arith.select %gt3A_637, %get3A_636, %select_n3A_627 : vector<16xi1>, vector<16xf32>
        %add3A_639 = arith.constant 64 : i32
        %add3A_640 = arith.addi %mul3A_587, %add3A_639 : i32
        %add3A_641 = vector.broadcast %add3A_640 : i32 to vector<16xi32>
        %add3A_642 = arith.addi %add3A_641, %iota3A : vector<16xi32>
        %select_n3A_643 = arith.select %gt3A_637, %add3A_642, %select_n3A_632 : vector<16xi1>, vector<16xi32>
        %add3A_644 = arith.constant 80 : i32
        %add3A_645 = arith.addi %mul3A_587, %add3A_644 : i32
        %get3A_646 = arith.index_cast %add3A_645 : i32 to index
        %get3A_647 = tpu.vector_load %arg7[%get3A_646] {strides = array<i32>} : memref<2048xf32, #tpu.memory_space<vmem>>, vector<16xf32>,
        %gt3A_648 = arith.cmpf ogt, %get3A_647, %select_n3A_638 : vector<16xf32>
        %select_n3A_649 = arith.select %gt3A_648, %get3A_647, %select_n3A_638 : vector<16xi1>, vector<16xf32>
        %add3A_650 = arith.constant 80 : i32
        %add3A_651 = arith.addi %mul3A_587, %add3A_650 : i32
        %add3A_652 = vector.broadcast %add3A_651 : i32 to vector<16xi32>
        %add3A_653 = arith.addi %add3A_652, %iota3A : vector<16xi32>
        %select_n3A_654 = arith.select %gt3A_648, %add3A_653, %select_n3A_643 : vector<16xi1>, vector<16xi32>
        %add3A_655 = arith.constant 96 : i32
        %add3A_656 = arith.addi %mul3A_587, %add3A_655 : i32
        %get3A_657 = arith.index_cast %add3A_656 : i32 to index
        %get3A_658 = tpu.vector_load %arg7[%get3A_657] {strides = array<i32>} : memref<2048xf32, #tpu.memory_space<vmem>>, vector<16xf32>,
        %gt3A_659 = arith.cmpf ogt, %get3A_658, %select_n3A_649 : vector<16xf32>
        %select_n3A_660 = arith.select %gt3A_659, %get3A_658, %select_n3A_649 : vector<16xi1>, vector<16xf32>
        %add3A_661 = arith.constant 96 : i32
        %add3A_662 = arith.addi %mul3A_587, %add3A_661 : i32
        %add3A_663 = vector.broadcast %add3A_662 : i32 to vector<16xi32>
        %add3A_664 = arith.addi %add3A_663, %iota3A : vector<16xi32>
        %select_n3A_665 = arith.select %gt3A_659, %add3A_664, %select_n3A_654 : vector<16xi1>, vector<16xi32>
        %add3A_666 = arith.constant 112 : i32
        %add3A_667 = arith.addi %mul3A_587, %add3A_666 : i32
        %get3A_668 = arith.index_cast %add3A_667 : i32 to index
        %get3A_669 = tpu.vector_load %arg7[%get3A_668] {strides = array<i32>} : memref<2048xf32, #tpu.memory_space<vmem>>, vector<16xf32>,
        %gt3A_670 = arith.cmpf ogt, %get3A_669, %select_n3A_660 : vector<16xf32>
        %select_n3A_671 = arith.select %gt3A_670, %get3A_669, %select_n3A_660 : vector<16xi1>, vector<16xf32>
        %add3A_672 = arith.constant 112 : i32
        %add3A_673 = arith.addi %mul3A_587, %add3A_672 : i32
        %add3A_674 = vector.broadcast %add3A_673 : i32 to vector<16xi32>
        %add3A_675 = arith.addi %add3A_674, %iota3A : vector<16xi32>
        %select_n3A_676 = arith.select %gt3A_670, %add3A_675, %select_n3A_665 : vector<16xi1>, vector<16xi32>
        %eq3A_677 = vector.broadcast %reduce_max3A_574 : f32 to vector<16xf32>
        %eq3A_678 = arith.cmpf oeq, %select_n3A_671, %eq3A_677 : vector<16xf32>
        %jit3A_679 = arith.constant 1073741824 : i32
        %broadcast_in_dim3A_680 = vector.broadcast %jit3A_679 : i32 to vector<16xi32>
        %select_n3A_681 = arith.select %eq3A_678, %select_n3A_676, %broadcast_in_dim3A_680 : vector<16xi1>, vector<16xi32>
        %reduce_min3A_682 = arith.constant true
        %reduce_min3A_683 = vector.broadcast %reduce_min3A_682 : i1 to vector<16xi1>
        %reduce_min3A_684 = arith.constant -2147483648 : i32
        %reduce_min3A_685 = vector.broadcast %reduce_min3A_684 : i32 to vector<16xi32>
        %reduce_min3A_686 = arith.xori %select_n3A_681, %reduce_min3A_685 : vector<16xi32>
        %reduce_min3A_687 = tpu.scan <min>, %reduce_min3A_686 masked %reduce_min3A_683 : vector<16xi32>, vector<16xi1> -> vector<16xi32>
        %reduce_min3A_688 = arith.xori %reduce_min3A_687, %reduce_min3A_685 : vector<16xi32>
        %reduce_min3A_689 = vector.extract %reduce_min3A_688[15] : i32 from vector<16xi32>
        %broadcast_in_dim3A_690 = vector.broadcast %scan3A_569 : i32 to vector<16xi32>
        %broadcast_in_dim3A_691 = vector.broadcast %reduce_min3A_689 : i32 to vector<16xi32>
        tpu.vector_store_idx %arg10[%broadcast_in_dim3A_690], %broadcast_in_dim3A_691 masked %eq3A_5 : memref<64xi32, #tpu.memory_space<vmem>>[vector<16xi32>], vector<16xi32>, vector<16xi1>
        %broadcast_in_dim3A_692 = vector.broadcast %reduce_min3A_689 : i32 to vector<16xi32>
        %broadcast_in_dim3A_693 = arith.constant -2.000000e+00 : f32
        %broadcast_in_dim3A_694 = vector.broadcast %broadcast_in_dim3A_693 : f32 to vector<16xf32>
        tpu.vector_store_idx %arg7[%broadcast_in_dim3A_692], %broadcast_in_dim3A_694 masked %eq3A_5 : memref<2048xf32, #tpu.memory_space<vmem>>[vector<16xi32>], vector<16xf32>, vector<16xi1>
        %eq3A_695 = vector.broadcast %reduce_min3A_585 : i32 to vector<16xi32>
        %eq3A_696 = arith.cmpi eq, %iota3A, %eq3A_695 : vector<16xi32>
        %get3A_697 = arith.index_cast %mul3A_587 : i32 to index
        %get3A_698 = tpu.vector_load %arg7[%get3A_697] {strides = array<i32>} : memref<2048xf32, #tpu.memory_space<vmem>>, vector<16xf32>,
        %add3A_699 = arith.constant 16 : i32
        %add3A_700 = arith.addi %mul3A_587, %add3A_699 : i32
        %get3A_701 = arith.index_cast %add3A_700 : i32 to index
        %get3A_702 = tpu.vector_load %arg7[%get3A_701] {strides = array<i32>} : memref<2048xf32, #tpu.memory_space<vmem>>, vector<16xf32>,
        %max3A_703 = arith.maximumf %get3A_698, %get3A_702 : vector<16xf32>
        %add3A_704 = arith.constant 32 : i32
        %add3A_705 = arith.addi %mul3A_587, %add3A_704 : i32
        %get3A_706 = arith.index_cast %add3A_705 : i32 to index
        %get3A_707 = tpu.vector_load %arg7[%get3A_706] {strides = array<i32>} : memref<2048xf32, #tpu.memory_space<vmem>>, vector<16xf32>,
        %max3A_708 = arith.maximumf %max3A_703, %get3A_707 : vector<16xf32>
        %add3A_709 = arith.constant 48 : i32
        %add3A_710 = arith.addi %mul3A_587, %add3A_709 : i32
        %get3A_711 = arith.index_cast %add3A_710 : i32 to index
        %get3A_712 = tpu.vector_load %arg7[%get3A_711] {strides = array<i32>} : memref<2048xf32, #tpu.memory_space<vmem>>, vector<16xf32>,
        %max3A_713 = arith.maximumf %max3A_708, %get3A_712 : vector<16xf32>
        %add3A_714 = arith.constant 64 : i32
        %add3A_715 = arith.addi %mul3A_587, %add3A_714 : i32
        %get3A_716 = arith.index_cast %add3A_715 : i32 to index
        %get3A_717 = tpu.vector_load %arg7[%get3A_716] {strides = array<i32>} : memref<2048xf32, #tpu.memory_space<vmem>>, vector<16xf32>,
        %max3A_718 = arith.maximumf %max3A_713, %get3A_717 : vector<16xf32>
        %add3A_719 = arith.constant 80 : i32
        %add3A_720 = arith.addi %mul3A_587, %add3A_719 : i32
        %get3A_721 = arith.index_cast %add3A_720 : i32 to index
        %get3A_722 = tpu.vector_load %arg7[%get3A_721] {strides = array<i32>} : memref<2048xf32, #tpu.memory_space<vmem>>, vector<16xf32>,
        %max3A_723 = arith.maximumf %max3A_718, %get3A_722 : vector<16xf32>
        %add3A_724 = arith.constant 96 : i32
        %add3A_725 = arith.addi %mul3A_587, %add3A_724 : i32
        %get3A_726 = arith.index_cast %add3A_725 : i32 to index
        %get3A_727 = tpu.vector_load %arg7[%get3A_726] {strides = array<i32>} : memref<2048xf32, #tpu.memory_space<vmem>>, vector<16xf32>,
        %max3A_728 = arith.maximumf %max3A_723, %get3A_727 : vector<16xf32>
        %add3A_729 = arith.constant 112 : i32
        %add3A_730 = arith.addi %mul3A_587, %add3A_729 : i32
        %get3A_731 = arith.index_cast %add3A_730 : i32 to index
        %get3A_732 = tpu.vector_load %arg7[%get3A_731] {strides = array<i32>} : memref<2048xf32, #tpu.memory_space<vmem>>, vector<16xf32>,
        %max3A_733 = arith.maximumf %max3A_728, %get3A_732 : vector<16xf32>
        %reduce_max3A_734 = arith.constant true
        %reduce_max3A_735 = vector.broadcast %reduce_max3A_734 : i1 to vector<16xi1>
        %reduce_max3A_736 = tpu.scan <max>, %max3A_733 masked %reduce_max3A_735 : vector<16xf32>, vector<16xi1> -> vector<16xf32>
        %reduce_max3A_737 = vector.extract %reduce_max3A_736[15] : f32 from vector<16xf32>
        %broadcast_in_dim3A_738 = vector.broadcast %reduce_max3A_737 : f32 to vector<16xf32>
        %select_n3A_739 = arith.select %eq3A_696, %broadcast_in_dim3A_738, %scan3A_570 : vector<16xi1>, vector<16xf32>
        scf.yield %select_n3A_739 : vector<16xf32>
      }
      %scan3A_533 = arith.constant 50 : i32
      %get3A_534 = arith.constant 0 : index
      %get3A_535 = tpu.vector_load %arg10[%get3A_534] {strides = array<i32>} : memref<64xi32, #tpu.memory_space<vmem>>, vector<16xi32>,
      %add3A_536 = arith.constant 0 : i32
      %add3A_537 = vector.broadcast %add3A_536 : i32 to vector<16xi32>
      %add3A_538 = arith.addi %add3A_537, %iota3A : vector<16xi32>
      %gather3A = tpu.vector_load_idx %arg8[%broadcast_in_dim3A_1, %get3A_535] : memref<2x2048xf32, #tpu.memory_space<vmem>>[vector<16xi32>, vector<16xi32>], vector<16xf32>,
      %gather3A_539 = tpu.vector_load_idx %arg8[%broadcast_in_dim3A_3, %get3A_535] : memref<2x2048xf32, #tpu.memory_space<vmem>>[vector<16xi32>, vector<16xi32>], vector<16xf32>,
      tpu.vector_store_idx %arg11[%add3A_538, %broadcast_in_dim3A_1], %gather3A : memref<64x2xf32, #tpu.memory_space<vmem>>[vector<16xi32>, vector<16xi32>], vector<16xf32>,
      tpu.vector_store_idx %arg11[%add3A_538, %broadcast_in_dim3A_3], %gather3A_539 : memref<64x2xf32, #tpu.memory_space<vmem>>[vector<16xi32>, vector<16xi32>], vector<16xf32>,
      %gather3A_540 = tpu.vector_load_idx %arg9[%broadcast_in_dim3A_1, %get3A_535] : memref<2x2048xf32, #tpu.memory_space<vmem>>[vector<16xi32>, vector<16xi32>], vector<16xf32>,
      %gather3A_541 = tpu.vector_load_idx %arg9[%broadcast_in_dim3A_3, %get3A_535] : memref<2x2048xf32, #tpu.memory_space<vmem>>[vector<16xi32>, vector<16xi32>], vector<16xf32>,
      tpu.vector_store_idx %arg12[%add3A_538, %broadcast_in_dim3A_1], %gather3A_540 : memref<64x2xf32, #tpu.memory_space<vmem>>[vector<16xi32>, vector<16xi32>], vector<16xf32>,
      tpu.vector_store_idx %arg12[%add3A_538, %broadcast_in_dim3A_3], %gather3A_541 : memref<64x2xf32, #tpu.memory_space<vmem>>[vector<16xi32>, vector<16xi32>], vector<16xf32>,
      %get3A_542 = arith.constant 16 : index
      %get3A_543 = tpu.vector_load %arg10[%get3A_542] {strides = array<i32>} : memref<64xi32, #tpu.memory_space<vmem>>, vector<16xi32>,
      %add3A_544 = arith.constant 16 : i32
      %add3A_545 = vector.broadcast %add3A_544 : i32 to vector<16xi32>
      %add3A_546 = arith.addi %add3A_545, %iota3A : vector<16xi32>
      %gather3A_547 = tpu.vector_load_idx %arg8[%broadcast_in_dim3A_1, %get3A_543] : memref<2x2048xf32, #tpu.memory_space<vmem>>[vector<16xi32>, vector<16xi32>], vector<16xf32>,
      %gather3A_548 = tpu.vector_load_idx %arg8[%broadcast_in_dim3A_3, %get3A_543] : memref<2x2048xf32, #tpu.memory_space<vmem>>[vector<16xi32>, vector<16xi32>], vector<16xf32>,
      tpu.vector_store_idx %arg11[%add3A_546, %broadcast_in_dim3A_1], %gather3A_547 : memref<64x2xf32, #tpu.memory_space<vmem>>[vector<16xi32>, vector<16xi32>], vector<16xf32>,
      tpu.vector_store_idx %arg11[%add3A_546, %broadcast_in_dim3A_3], %gather3A_548 : memref<64x2xf32, #tpu.memory_space<vmem>>[vector<16xi32>, vector<16xi32>], vector<16xf32>,
      %gather3A_549 = tpu.vector_load_idx %arg9[%broadcast_in_dim3A_1, %get3A_543] : memref<2x2048xf32, #tpu.memory_space<vmem>>[vector<16xi32>, vector<16xi32>], vector<16xf32>,
      %gather3A_550 = tpu.vector_load_idx %arg9[%broadcast_in_dim3A_3, %get3A_543] : memref<2x2048xf32, #tpu.memory_space<vmem>>[vector<16xi32>, vector<16xi32>], vector<16xf32>,
      tpu.vector_store_idx %arg12[%add3A_546, %broadcast_in_dim3A_1], %gather3A_549 : memref<64x2xf32, #tpu.memory_space<vmem>>[vector<16xi32>, vector<16xi32>], vector<16xf32>,
      tpu.vector_store_idx %arg12[%add3A_546, %broadcast_in_dim3A_3], %gather3A_550 : memref<64x2xf32, #tpu.memory_space<vmem>>[vector<16xi32>, vector<16xi32>], vector<16xf32>,
      %get3A_551 = arith.constant 32 : index
      %get3A_552 = tpu.vector_load %arg10[%get3A_551] {strides = array<i32>} : memref<64xi32, #tpu.memory_space<vmem>>, vector<16xi32>,
      %add3A_553 = arith.constant 32 : i32
      %add3A_554 = vector.broadcast %add3A_553 : i32 to vector<16xi32>
      %add3A_555 = arith.addi %add3A_554, %iota3A : vector<16xi32>
      %gather3A_556 = tpu.vector_load_idx %arg8[%broadcast_in_dim3A_1, %get3A_552] : memref<2x2048xf32, #tpu.memory_space<vmem>>[vector<16xi32>, vector<16xi32>], vector<16xf32>,
      %gather3A_557 = tpu.vector_load_idx %arg8[%broadcast_in_dim3A_3, %get3A_552] : memref<2x2048xf32, #tpu.memory_space<vmem>>[vector<16xi32>, vector<16xi32>], vector<16xf32>,
      tpu.vector_store_idx %arg11[%add3A_555, %broadcast_in_dim3A_1], %gather3A_556 : memref<64x2xf32, #tpu.memory_space<vmem>>[vector<16xi32>, vector<16xi32>], vector<16xf32>,
      tpu.vector_store_idx %arg11[%add3A_555, %broadcast_in_dim3A_3], %gather3A_557 : memref<64x2xf32, #tpu.memory_space<vmem>>[vector<16xi32>, vector<16xi32>], vector<16xf32>,
      %gather3A_558 = tpu.vector_load_idx %arg9[%broadcast_in_dim3A_1, %get3A_552] : memref<2x2048xf32, #tpu.memory_space<vmem>>[vector<16xi32>, vector<16xi32>], vector<16xf32>,
      %gather3A_559 = tpu.vector_load_idx %arg9[%broadcast_in_dim3A_3, %get3A_552] : memref<2x2048xf32, #tpu.memory_space<vmem>>[vector<16xi32>, vector<16xi32>], vector<16xf32>,
      tpu.vector_store_idx %arg12[%add3A_555, %broadcast_in_dim3A_1], %gather3A_558 : memref<64x2xf32, #tpu.memory_space<vmem>>[vector<16xi32>, vector<16xi32>], vector<16xf32>,
      tpu.vector_store_idx %arg12[%add3A_555, %broadcast_in_dim3A_3], %gather3A_559 : memref<64x2xf32, #tpu.memory_space<vmem>>[vector<16xi32>, vector<16xi32>], vector<16xf32>,
      %get3A_560 = arith.constant 48 : index
      %get3A_561 = tpu.vector_load %arg10[%get3A_560] {strides = array<i32>} : memref<64xi32, #tpu.memory_space<vmem>>, vector<16xi32>,
      %add3A_562 = arith.constant 48 : i32
      %add3A_563 = vector.broadcast %add3A_562 : i32 to vector<16xi32>
      %add3A_564 = arith.addi %add3A_563, %iota3A : vector<16xi32>
      %gather3A_565 = tpu.vector_load_idx %arg8[%broadcast_in_dim3A_1, %get3A_561] : memref<2x2048xf32, #tpu.memory_space<vmem>>[vector<16xi32>, vector<16xi32>], vector<16xf32>,
      %gather3A_566 = tpu.vector_load_idx %arg8[%broadcast_in_dim3A_3, %get3A_561] : memref<2x2048xf32, #tpu.memory_space<vmem>>[vector<16xi32>, vector<16xi32>], vector<16xf32>,
      tpu.vector_store_idx %arg11[%add3A_564, %broadcast_in_dim3A_1], %gather3A_565 : memref<64x2xf32, #tpu.memory_space<vmem>>[vector<16xi32>, vector<16xi32>], vector<16xf32>,
      tpu.vector_store_idx %arg11[%add3A_564, %broadcast_in_dim3A_3], %gather3A_566 : memref<64x2xf32, #tpu.memory_space<vmem>>[vector<16xi32>, vector<16xi32>], vector<16xf32>,
      %gather3A_567 = tpu.vector_load_idx %arg9[%broadcast_in_dim3A_1, %get3A_561] : memref<2x2048xf32, #tpu.memory_space<vmem>>[vector<16xi32>, vector<16xi32>], vector<16xf32>,
      %gather3A_568 = tpu.vector_load_idx %arg9[%broadcast_in_dim3A_3, %get3A_561] : memref<2x2048xf32, #tpu.memory_space<vmem>>[vector<16xi32>, vector<16xi32>], vector<16xf32>,
      tpu.vector_store_idx %arg12[%add3A_564, %broadcast_in_dim3A_1], %gather3A_567 : memref<64x2xf32, #tpu.memory_space<vmem>>[vector<16xi32>, vector<16xi32>], vector<16xf32>,
      tpu.vector_store_idx %arg12[%add3A_564, %broadcast_in_dim3A_3], %gather3A_568 : memref<64x2xf32, #tpu.memory_space<vmem>>[vector<16xi32>, vector<16xi32>], vector<16xf32>,
      "tpu.region"() ({
        %run_scoped3A = tpu.sem_alloc : memref<!tpu.dma_semaphore, #tpu.memory_space<semaphore_mem>>
        %dma_start3A = arith.constant 0 : i32
        %dma_start3A_569 = arith.constant 0 : i32
        %dma_start3A_570 = tpu.memref_slice %arg5[%add3A_14, %dma_start3A, %dma_start3A_569] : memref<128x64x2xf32, #tpu.memory_space<hbm>> -> memref<1x64x2xf32, #tpu.memory_space<hbm>>
        %dma_start3A_571 = tpu.memref_squeeze %dma_start3A_570 : memref<1x64x2xf32, #tpu.memory_space<hbm>> -> memref<64x2xf32, #tpu.memory_space<hbm>>
        %dma_start3A_572 = arith.constant 0 : i32
        %dma_start3A_573 = arith.constant 0 : i32
        %dma_start3A_574 = tpu.memref_slice %arg5[%add3A_14, %dma_start3A_572, %dma_start3A_573] : memref<128x64x2xf32, #tpu.memory_space<hbm>> -> memref<1x64x2xf32, #tpu.memory_space<hbm>>
        %dma_start3A_575 = tpu.memref_squeeze %dma_start3A_574 : memref<1x64x2xf32, #tpu.memory_space<hbm>> -> memref<64x2xf32, #tpu.memory_space<hbm>>
        tpu.enqueue_dma source(%arg11 : memref<64x2xf32, #tpu.memory_space<vmem>>) target(%dma_start3A_575 : memref<64x2xf32, #tpu.memory_space<hbm>>) target_semaphore(%run_scoped3A : memref<!tpu.dma_semaphore, #tpu.memory_space<semaphore_mem>>)
        %dma_wait3A = arith.constant 0 : i32
        %dma_wait3A_576 = arith.constant 0 : i32
        %dma_wait3A_577 = tpu.memref_slice %arg5[%add3A_14, %dma_wait3A, %dma_wait3A_576] : memref<128x64x2xf32, #tpu.memory_space<hbm>> -> memref<1x64x2xf32, #tpu.memory_space<hbm>>
        %dma_wait3A_578 = tpu.memref_squeeze %dma_wait3A_577 : memref<1x64x2xf32, #tpu.memory_space<hbm>> -> memref<64x2xf32, #tpu.memory_space<hbm>>
        %dma_wait3A_579 = arith.constant 0 : i32
        %dma_wait3A_580 = arith.constant 0 : i32
        %dma_wait3A_581 = tpu.memref_slice %arg5[%add3A_14, %dma_wait3A_579, %dma_wait3A_580] : memref<128x64x2xf32, #tpu.memory_space<hbm>> -> memref<1x64x2xf32, #tpu.memory_space<hbm>>
        %dma_wait3A_582 = tpu.memref_squeeze %dma_wait3A_581 : memref<1x64x2xf32, #tpu.memory_space<hbm>> -> memref<64x2xf32, #tpu.memory_space<hbm>>
        tpu.wait_dma2 semaphore(%run_scoped3A : memref<!tpu.dma_semaphore, #tpu.memory_space<semaphore_mem>>) src(%arg11 : memref<64x2xf32, #tpu.memory_space<vmem>>) dst(%dma_wait3A_582 : memref<64x2xf32, #tpu.memory_space<hbm>>)
        tpu.yield
      }) : () -> ()
      "tpu.region"() ({
        %run_scoped3A = tpu.sem_alloc : memref<!tpu.dma_semaphore, #tpu.memory_space<semaphore_mem>>
        %dma_start3A = arith.constant 0 : i32
        %dma_start3A_569 = arith.constant 0 : i32
        %dma_start3A_570 = tpu.memref_slice %arg6[%add3A_14, %dma_start3A, %dma_start3A_569] : memref<128x64x2xf32, #tpu.memory_space<hbm>> -> memref<1x64x2xf32, #tpu.memory_space<hbm>>
        %dma_start3A_571 = tpu.memref_squeeze %dma_start3A_570 : memref<1x64x2xf32, #tpu.memory_space<hbm>> -> memref<64x2xf32, #tpu.memory_space<hbm>>
        %dma_start3A_572 = arith.constant 0 : i32
        %dma_start3A_573 = arith.constant 0 : i32
        %dma_start3A_574 = tpu.memref_slice %arg6[%add3A_14, %dma_start3A_572, %dma_start3A_573] : memref<128x64x2xf32, #tpu.memory_space<hbm>> -> memref<1x64x2xf32, #tpu.memory_space<hbm>>
        %dma_start3A_575 = tpu.memref_squeeze %dma_start3A_574 : memref<1x64x2xf32, #tpu.memory_space<hbm>> -> memref<64x2xf32, #tpu.memory_space<hbm>>
        tpu.enqueue_dma source(%arg12 : memref<64x2xf32, #tpu.memory_space<vmem>>) target(%dma_start3A_575 : memref<64x2xf32, #tpu.memory_space<hbm>>) target_semaphore(%run_scoped3A : memref<!tpu.dma_semaphore, #tpu.memory_space<semaphore_mem>>)
        %dma_wait3A = arith.constant 0 : i32
        %dma_wait3A_576 = arith.constant 0 : i32
        %dma_wait3A_577 = tpu.memref_slice %arg6[%add3A_14, %dma_wait3A, %dma_wait3A_576] : memref<128x64x2xf32, #tpu.memory_space<hbm>> -> memref<1x64x2xf32, #tpu.memory_space<hbm>>
        %dma_wait3A_578 = tpu.memref_squeeze %dma_wait3A_577 : memref<1x64x2xf32, #tpu.memory_space<hbm>> -> memref<64x2xf32, #tpu.memory_space<hbm>>
        %dma_wait3A_579 = arith.constant 0 : i32
        %dma_wait3A_580 = arith.constant 0 : i32
        %dma_wait3A_581 = tpu.memref_slice %arg6[%add3A_14, %dma_wait3A_579, %dma_wait3A_580] : memref<128x64x2xf32, #tpu.memory_space<hbm>> -> memref<1x64x2xf32, #tpu.memory_space<hbm>>
        %dma_wait3A_582 = tpu.memref_squeeze %dma_wait3A_581 : memref<1x64x2xf32, #tpu.memory_space<hbm>> -> memref<64x2xf32, #tpu.memory_space<hbm>>
        tpu.wait_dma2 semaphore(%run_scoped3A : memref<!tpu.dma_semaphore, #tpu.memory_space<semaphore_mem>>) src(%arg12 : memref<64x2xf32, #tpu.memory_space<vmem>>) dst(%dma_wait3A_582 : memref<64x2xf32, #tpu.memory_space<hbm>>)
        tpu.yield
      }) : () -> ()
    }
    %scan3A_10 = arith.constant 4 : i32
    return
  }
}

module attributes {stable_mosaic.version = 14 : i64} {
  func.func @_score_body(%arg0: i32, %arg1: memref<8x64xf32, #tpu.memory_space<vmem>>, %arg2: memref<16x2048xf32, #tpu.memory_space<vmem>>, %arg3: memref<8x2048xf32, #tpu.memory_space<vmem>>, %arg4: memref<64x66xf32, #tpu.memory_space<vmem>>, %arg5: memref<64x1xf32, #tpu.memory_space<vmem>>, %arg6: memref<64x1xf32, #tpu.memory_space<vmem>>, %arg7: memref<64x1xf32, #tpu.memory_space<vmem>>, %arg8: memref<1x64xf32, #tpu.memory_space<vmem>>, %arg9: memref<1x1xf32, #tpu.memory_space<vmem>>, %arg10: memref<64x66xf32, #tpu.memory_space<vmem>>, %arg11: memref<64x1xf32, #tpu.memory_space<vmem>>, %arg12: memref<64x1xf32, #tpu.memory_space<vmem>>, %arg13: memref<64x1xf32, #tpu.memory_space<vmem>>, %arg14: memref<2x64xf32, #tpu.memory_space<vmem>>, %arg15: memref<2x1xf32, #tpu.memory_space<vmem>>, %arg16: memref<8x2048xf32, #tpu.memory_space<vmem>>, %arg17: memref<8x2x2048xf32, #tpu.memory_space<vmem>>) attributes {dimension_semantics = [#tpu.dimension_semantics<arbitrary>], iteration_bounds = array<i64: 16>, scalar_prefetch = 0 : i64, scratch_operands = 0 : i64, tpu.core_type = #tpu.core_type<tc>, window_params = [{transform_indices = @transform_0, window_bounds = array<i64: 8, 64>}, {transform_indices = @transform_1, window_bounds = array<i64: 16, 2048>}, {transform_indices = @transform_2, window_bounds = array<i64: 8, 2048>}, {pipeline_mode = #tpu.pipeline_mode<synchronous>, transform_indices = @transform_3, window_bounds = array<i64: 64, 66>}, {pipeline_mode = #tpu.pipeline_mode<synchronous>, transform_indices = @transform_4, window_bounds = array<i64: 64, 1>}, {pipeline_mode = #tpu.pipeline_mode<synchronous>, transform_indices = @transform_5, window_bounds = array<i64: 64, 1>}, {pipeline_mode = #tpu.pipeline_mode<synchronous>, transform_indices = @transform_6, window_bounds = array<i64: 64, 1>}, {pipeline_mode = #tpu.pipeline_mode<synchronous>, transform_indices = @transform_7, window_bounds = array<i64: 1, 64>}, {pipeline_mode = #tpu.pipeline_mode<synchronous>, transform_indices = @transform_8, window_bounds = array<i64: 1, 1>}, {pipeline_mode = #tpu.pipeline_mode<synchronous>, transform_indices = @transform_9, window_bounds = array<i64: 64, 66>}, {pipeline_mode = #tpu.pipeline_mode<synchronous>, transform_indices = @transform_10, window_bounds = array<i64: 64, 1>}, {pipeline_mode = #tpu.pipeline_mode<synchronous>, transform_indices = @transform_11, window_bounds = array<i64: 64, 1>}, {pipeline_mode = #tpu.pipeline_mode<synchronous>, transform_indices = @transform_12, window_bounds = array<i64: 64, 1>}, {pipeline_mode = #tpu.pipeline_mode<synchronous>, transform_indices = @transform_13, window_bounds = array<i64: 2, 64>}, {pipeline_mode = #tpu.pipeline_mode<synchronous>, transform_indices = @transform_14, window_bounds = array<i64: 2, 1>}, {transform_indices = @transform_15, window_bounds = array<i64: 8, 2048>}, {transform_indices = @transform_16, window_bounds = array<i64: 8, 2, 2048>}]} {
    %get3A = arith.constant 0 : index
    %get3A_0 = arith.constant 0 : index
    %get3A_1 = vector.load %arg4[%get3A, %get3A_0] : memref<64x66xf32, #tpu.memory_space<vmem>>, vector<64x66xf32>
    %convert_element_type3A = arith.truncf %get3A_1 : vector<64x66xf32> to vector<64x66xbf16>
    %get3A_2 = arith.constant 0 : index
    %get3A_3 = arith.constant 0 : index
    %get3A_4 = vector.load %arg10[%get3A_2, %get3A_3] : memref<64x66xf32, #tpu.memory_space<vmem>>, vector<64x66xf32>
    %convert_element_type3A_5 = arith.truncf %get3A_4 : vector<64x66xf32> to vector<64x66xbf16>
    %get3A_6 = arith.constant 0 : index
    %get3A_7 = arith.constant 0 : index
    %get3A_8 = vector.load %arg8[%get3A_6, %get3A_7] : memref<1x64xf32, #tpu.memory_space<vmem>>, vector<1x64xf32>
    %convert_element_type3A_9 = arith.truncf %get3A_8 : vector<1x64xf32> to vector<1x64xbf16>
    %get3A_10 = arith.constant 0 : index
    %get3A_11 = arith.constant 0 : index
    %get3A_12 = vector.load %arg14[%get3A_10, %get3A_11] : memref<2x64xf32, #tpu.memory_space<vmem>>, vector<2x64xf32>
    %convert_element_type3A_13 = arith.truncf %get3A_12 : vector<2x64xf32> to vector<2x64xbf16>
    %get3A_14 = arith.constant 0 : index
    %get3A_15 = arith.constant 0 : index
    %get3A_16 = vector.load %arg1[%get3A_14, %get3A_15] : memref<8x64xf32, #tpu.memory_space<vmem>>, vector<8x64xf32>
    %transpose3A = tpu.transpose %get3A_16, [1, 0] : vector<8x64xf32> -> vector<64x8xf32>
    %convert_element_type3A_17 = arith.truncf %transpose3A : vector<64x8xf32> to vector<64x8xbf16>
    %slice3A = vector.extract_strided_slice %convert_element_type3A {offsets = [0, 0], sizes = [64, 64], strides = [1, 1]} : vector<64x66xbf16> to vector<64x64xbf16>
    %dot_general3A = arith.constant dense<0.000000e+00> : vector<64x8xf32>
    %dot_general3A_18 = tpu.matmul %slice3A, %convert_element_type3A_17, %dot_general3A {dimension_numbers = #tpu.dot_dimension_numbers<[1], [0], [0], [1], [0, 0, 1, 1], [], []>, transpose_lhs_hint = false} : vector<64x64xbf16>, vector<64x8xbf16>, vector<64x8xf32> -> vector<64x8xf32>
    %get3A_19 = arith.constant 0 : index
    %get3A_20 = arith.constant 0 : index
    %get3A_21 = vector.load %arg5[%get3A_19, %get3A_20] : memref<64x1xf32, #tpu.memory_space<vmem>>, vector<64x1xf32>
    %add3A = vector.broadcast %get3A_21 : vector<64x1xf32> to vector<64x8xf32>
    %add3A_22 = arith.addf %dot_general3A_18, %add3A : vector<64x8xf32>
    %slice3A_23 = vector.extract_strided_slice %convert_element_type3A_5 {offsets = [0, 0], sizes = [64, 64], strides = [1, 1]} : vector<64x66xbf16> to vector<64x64xbf16>
    %dot_general3A_24 = arith.constant dense<0.000000e+00> : vector<64x8xf32>
    %dot_general3A_25 = tpu.matmul %slice3A_23, %convert_element_type3A_17, %dot_general3A_24 {dimension_numbers = #tpu.dot_dimension_numbers<[1], [0], [0], [1], [0, 0, 1, 1], [], []>, transpose_lhs_hint = false} : vector<64x64xbf16>, vector<64x8xbf16>, vector<64x8xf32> -> vector<64x8xf32>
    %get3A_26 = arith.constant 0 : index
    %get3A_27 = arith.constant 0 : index
    %get3A_28 = vector.load %arg11[%get3A_26, %get3A_27] : memref<64x1xf32, #tpu.memory_space<vmem>>, vector<64x1xf32>
    %add3A_29 = vector.broadcast %get3A_28 : vector<64x1xf32> to vector<64x8xf32>
    %add3A_30 = arith.addf %dot_general3A_25, %add3A_29 : vector<64x8xf32>
    %get3A_31 = arith.constant 0 : index
    %get3A_32 = arith.constant 0 : index
    %get3A_33 = vector.load %arg2[%get3A_31, %get3A_32] : memref<16x2048xf32, #tpu.memory_space<vmem>>, vector<2x2048xf32>
    %convert_element_type3A_34 = arith.truncf %get3A_33 : vector<2x2048xf32> to vector<2x2048xbf16>
    %slice3A_35 = vector.extract_strided_slice %add3A_22 {offsets = [0, 0], sizes = [64, 1], strides = [1, 1]} : vector<64x8xf32> to vector<64x1xf32>
    %slice3A_36 = vector.extract_strided_slice %convert_element_type3A {offsets = [0, 64], sizes = [64, 2], strides = [1, 1]} : vector<64x66xbf16> to vector<64x2xbf16>
    %dot_general3A_37 = arith.constant dense<0.000000e+00> : vector<64x2048xf32>
    %dot_general3A_38 = tpu.matmul %slice3A_36, %convert_element_type3A_34, %dot_general3A_37 {dimension_numbers = #tpu.dot_dimension_numbers<[1], [0], [0], [1], [0, 0, 1, 1], [], []>, transpose_lhs_hint = false} : vector<64x2xbf16>, vector<2x2048xbf16>, vector<64x2048xf32> -> vector<64x2048xf32>
    %add3A_39 = vector.broadcast %slice3A_35 : vector<64x1xf32> to vector<64x2048xf32>
    %add3A_40 = arith.addf %add3A_39, %dot_general3A_38 : vector<64x2048xf32>
    %slice3A_41 = vector.extract_strided_slice %add3A_40 {offsets = [0, 0], sizes = [8, 2048], strides = [1, 1]} : vector<64x2048xf32> to vector<8x2048xf32>
    %slice3A_42 = vector.extract_strided_slice %add3A_40 {offsets = [8, 0], sizes = [8, 2048], strides = [1, 1]} : vector<64x2048xf32> to vector<8x2048xf32>
    %add3A_43 = arith.addf %slice3A_41, %slice3A_42 : vector<8x2048xf32>
    %slice3A_44 = vector.extract_strided_slice %add3A_40 {offsets = [16, 0], sizes = [8, 2048], strides = [1, 1]} : vector<64x2048xf32> to vector<8x2048xf32>
    %add3A_45 = arith.addf %add3A_43, %slice3A_44 : vector<8x2048xf32>
    %slice3A_46 = vector.extract_strided_slice %add3A_40 {offsets = [24, 0], sizes = [8, 2048], strides = [1, 1]} : vector<64x2048xf32> to vector<8x2048xf32>
    %add3A_47 = arith.addf %add3A_45, %slice3A_46 : vector<8x2048xf32>
    %slice3A_48 = vector.extract_strided_slice %add3A_40 {offsets = [32, 0], sizes = [8, 2048], strides = [1, 1]} : vector<64x2048xf32> to vector<8x2048xf32>
    %add3A_49 = arith.addf %add3A_47, %slice3A_48 : vector<8x2048xf32>
    %slice3A_50 = vector.extract_strided_slice %add3A_40 {offsets = [40, 0], sizes = [8, 2048], strides = [1, 1]} : vector<64x2048xf32> to vector<8x2048xf32>
    %add3A_51 = arith.addf %add3A_49, %slice3A_50 : vector<8x2048xf32>
    %slice3A_52 = vector.extract_strided_slice %add3A_40 {offsets = [48, 0], sizes = [8, 2048], strides = [1, 1]} : vector<64x2048xf32> to vector<8x2048xf32>
    %add3A_53 = arith.addf %add3A_51, %slice3A_52 : vector<8x2048xf32>
    %slice3A_54 = vector.extract_strided_slice %add3A_40 {offsets = [56, 0], sizes = [8, 2048], strides = [1, 1]} : vector<64x2048xf32> to vector<8x2048xf32>
    %add3A_55 = arith.addf %add3A_53, %slice3A_54 : vector<8x2048xf32>
    %reduce_sum3A = arith.constant dense<0.000000e+00> : vector<2048xf32>
    %reduce_sum3A_56 = vector.multi_reduction <add>, %add3A_55, %reduce_sum3A [0] : vector<8x2048xf32> to vector<2048xf32>
    %broadcast_in_dim3A = vector.shape_cast %reduce_sum3A_56 : vector<2048xf32> to vector<1x2048xf32>
    %div3A = arith.constant 6.400000e+01 : f32
    %div3A_57 = vector.broadcast %div3A : f32 to vector<1x2048xf32>
    %div3A_58 = arith.divf %broadcast_in_dim3A, %div3A_57 : vector<1x2048xf32>
    %sub3A = vector.broadcast %div3A_58 : vector<1x2048xf32> to vector<64x2048xf32>
    %sub3A_59 = arith.subf %add3A_40, %sub3A : vector<64x2048xf32>
    %mul3A = arith.mulf %sub3A_59, %sub3A_59 : vector<64x2048xf32>
    %slice3A_60 = vector.extract_strided_slice %mul3A {offsets = [0, 0], sizes = [8, 2048], strides = [1, 1]} : vector<64x2048xf32> to vector<8x2048xf32>
    %slice3A_61 = vector.extract_strided_slice %mul3A {offsets = [8, 0], sizes = [8, 2048], strides = [1, 1]} : vector<64x2048xf32> to vector<8x2048xf32>
    %add3A_62 = arith.addf %slice3A_60, %slice3A_61 : vector<8x2048xf32>
    %slice3A_63 = vector.extract_strided_slice %mul3A {offsets = [16, 0], sizes = [8, 2048], strides = [1, 1]} : vector<64x2048xf32> to vector<8x2048xf32>
    %add3A_64 = arith.addf %add3A_62, %slice3A_63 : vector<8x2048xf32>
    %slice3A_65 = vector.extract_strided_slice %mul3A {offsets = [24, 0], sizes = [8, 2048], strides = [1, 1]} : vector<64x2048xf32> to vector<8x2048xf32>
    %add3A_66 = arith.addf %add3A_64, %slice3A_65 : vector<8x2048xf32>
    %slice3A_67 = vector.extract_strided_slice %mul3A {offsets = [32, 0], sizes = [8, 2048], strides = [1, 1]} : vector<64x2048xf32> to vector<8x2048xf32>
    %add3A_68 = arith.addf %add3A_66, %slice3A_67 : vector<8x2048xf32>
    %slice3A_69 = vector.extract_strided_slice %mul3A {offsets = [40, 0], sizes = [8, 2048], strides = [1, 1]} : vector<64x2048xf32> to vector<8x2048xf32>
    %add3A_70 = arith.addf %add3A_68, %slice3A_69 : vector<8x2048xf32>
    %slice3A_71 = vector.extract_strided_slice %mul3A {offsets = [48, 0], sizes = [8, 2048], strides = [1, 1]} : vector<64x2048xf32> to vector<8x2048xf32>
    %add3A_72 = arith.addf %add3A_70, %slice3A_71 : vector<8x2048xf32>
    %slice3A_73 = vector.extract_strided_slice %mul3A {offsets = [56, 0], sizes = [8, 2048], strides = [1, 1]} : vector<64x2048xf32> to vector<8x2048xf32>
    %add3A_74 = arith.addf %add3A_72, %slice3A_73 : vector<8x2048xf32>
    %reduce_sum3A_75 = arith.constant dense<0.000000e+00> : vector<2048xf32>
    %reduce_sum3A_76 = vector.multi_reduction <add>, %add3A_74, %reduce_sum3A_75 [0] : vector<8x2048xf32> to vector<2048xf32>
    %broadcast_in_dim3A_77 = vector.shape_cast %reduce_sum3A_76 : vector<2048xf32> to vector<1x2048xf32>
    %div3A_78 = arith.constant 6.400000e+01 : f32
    %div3A_79 = vector.broadcast %div3A_78 : f32 to vector<1x2048xf32>
    %div3A_80 = arith.divf %broadcast_in_dim3A_77, %div3A_79 : vector<1x2048xf32>
    %add3A_81 = arith.constant 9.99999974E-6 : f32
    %add3A_82 = vector.broadcast %add3A_81 : f32 to vector<1x2048xf32>
    %add3A_83 = arith.addf %div3A_80, %add3A_82 : vector<1x2048xf32>
    %sqrt3A = math.sqrt %add3A_83 : vector<1x2048xf32>
    %div3A_84 = vector.broadcast %sqrt3A : vector<1x2048xf32> to vector<64x2048xf32>
    %div3A_85 = arith.divf %sub3A_59, %div3A_84 : vector<64x2048xf32>
    %get3A_86 = arith.constant 0 : index
    %get3A_87 = arith.constant 0 : index
    %get3A_88 = vector.load %arg6[%get3A_86, %get3A_87] : memref<64x1xf32, #tpu.memory_space<vmem>>, vector<64x1xf32>
    %mul3A_89 = vector.broadcast %get3A_88 : vector<64x1xf32> to vector<64x2048xf32>
    %mul3A_90 = arith.mulf %div3A_85, %mul3A_89 : vector<64x2048xf32>
    %get3A_91 = arith.constant 0 : index
    %get3A_92 = arith.constant 0 : index
    %get3A_93 = vector.load %arg7[%get3A_91, %get3A_92] : memref<64x1xf32, #tpu.memory_space<vmem>>, vector<64x1xf32>
    %add3A_94 = vector.broadcast %get3A_93 : vector<64x1xf32> to vector<64x2048xf32>
    %add3A_95 = arith.addf %mul3A_90, %add3A_94 : vector<64x2048xf32>
    %max3A = arith.constant 0.000000e+00 : f32
    %max3A_96 = vector.broadcast %max3A : f32 to vector<64x2048xf32>
    %max3A_97 = arith.maximumf %add3A_95, %max3A_96 : vector<64x2048xf32>
    %convert_element_type3A_98 = arith.truncf %max3A_97 : vector<64x2048xf32> to vector<64x2048xbf16>
    %dot_general3A_99 = arith.constant dense<0.000000e+00> : vector<1x2048xf32>
    %dot_general3A_100 = tpu.matmul %convert_element_type3A_9, %convert_element_type3A_98, %dot_general3A_99 {dimension_numbers = #tpu.dot_dimension_numbers<[1], [0], [0], [1], [0, 0, 1, 1], [], []>, transpose_lhs_hint = false} : vector<1x64xbf16>, vector<64x2048xbf16>, vector<1x2048xf32> -> vector<1x2048xf32>
    %get3A_101 = arith.constant 0 : index
    %get3A_102 = arith.constant 0 : index
    %get3A_103 = vector.load %arg9[%get3A_101, %get3A_102] : memref<1x1xf32, #tpu.memory_space<vmem>>, vector<1x1xf32>
    %add3A_104 = vector.broadcast %get3A_103 : vector<1x1xf32> to vector<1x2048xf32>
    %add3A_105 = arith.addf %dot_general3A_100, %add3A_104 : vector<1x2048xf32>
    %get3A_106 = arith.constant 0 : index
    %get3A_107 = arith.constant 0 : index
    %get3A_108 = vector.load %arg3[%get3A_106, %get3A_107] : memref<8x2048xf32, #tpu.memory_space<vmem>>, vector<1x2048xf32>
    %gt3A = arith.constant 0.000000e+00 : f32
    %gt3A_109 = vector.broadcast %gt3A : f32 to vector<1x2048xf32>
    %gt3A_110 = arith.cmpf ogt, %get3A_108, %gt3A_109 : vector<1x2048xf32>
    %jit3A = arith.constant -9.99999995E+11 : f32
    %broadcast_in_dim3A_111 = vector.broadcast %jit3A : f32 to vector<1x2048xf32>
    %select_n3A = arith.select %gt3A_110, %add3A_105, %broadcast_in_dim3A_111 : vector<1x2048xi1>, vector<1x2048xf32>
    %reduce_max3A = vector.shape_cast %select_n3A : vector<1x2048xf32> to vector<1x1x2048xf32>
    %reduce_max3A_112 = arith.constant dense<0xFF800000> : vector<1xf32>
    %reduce_max3A_113 = vector.multi_reduction <maximumf>, %reduce_max3A, %reduce_max3A_112 [1, 2] : vector<1x1x2048xf32> to vector<1xf32>
    %reduce_max3A_114 = vector.shape_cast %reduce_max3A_113 : vector<1xf32> to vector<1x1x1xf32>
    %reduce_max3A_115 = vector.extract %reduce_max3A_114[0, 0, 0] : f32 from vector<1x1x1xf32>
    %sub3A_116 = vector.broadcast %reduce_max3A_115 : f32 to vector<1x2048xf32>
    %sub3A_117 = arith.subf %select_n3A, %sub3A_116 : vector<1x2048xf32>
    %exp3A = math.exp %sub3A_117 : vector<1x2048xf32>
    %reduce_sum3A_118 = vector.shape_cast %exp3A : vector<1x2048xf32> to vector<1x1x2048xf32>
    %reduce_sum3A_119 = arith.constant dense<0.000000e+00> : vector<1xf32>
    %reduce_sum3A_120 = vector.multi_reduction <add>, %reduce_sum3A_118, %reduce_sum3A_119 [1, 2] : vector<1x1x2048xf32> to vector<1xf32>
    %reduce_sum3A_121 = vector.shape_cast %reduce_sum3A_120 : vector<1xf32> to vector<1x1x1xf32>
    %reduce_sum3A_122 = vector.extract %reduce_sum3A_121[0, 0, 0] : f32 from vector<1x1x1xf32>
    %div3A_123 = vector.broadcast %reduce_sum3A_122 : f32 to vector<1x2048xf32>
    %div3A_124 = arith.divf %exp3A, %div3A_123 : vector<1x2048xf32>
    %swap3A = arith.constant 0 : index
    %swap3A_125 = arith.constant 0 : index
    %swap3A_126 = vector.load %arg16[%swap3A, %swap3A_125] : memref<8x2048xf32, #tpu.memory_space<vmem>>, vector<1x2048xf32>
    tpu.vector_store %arg16[%swap3A, %swap3A_125], %div3A_124 {strides = array<i32>} : memref<8x2048xf32, #tpu.memory_space<vmem>>, vector<1x2048xf32>,
    %slice3A_127 = vector.extract_strided_slice %add3A_30 {offsets = [0, 0], sizes = [64, 1], strides = [1, 1]} : vector<64x8xf32> to vector<64x1xf32>
    %slice3A_128 = vector.extract_strided_slice %convert_element_type3A_5 {offsets = [0, 64], sizes = [64, 2], strides = [1, 1]} : vector<64x66xbf16> to vector<64x2xbf16>
    %dot_general3A_129 = arith.constant dense<0.000000e+00> : vector<64x2048xf32>
    %dot_general3A_130 = tpu.matmul %slice3A_128, %convert_element_type3A_34, %dot_general3A_129 {dimension_numbers = #tpu.dot_dimension_numbers<[1], [0], [0], [1], [0, 0, 1, 1], [], []>, transpose_lhs_hint = false} : vector<64x2xbf16>, vector<2x2048xbf16>, vector<64x2048xf32> -> vector<64x2048xf32>
    %add3A_131 = vector.broadcast %slice3A_127 : vector<64x1xf32> to vector<64x2048xf32>
    %add3A_132 = arith.addf %add3A_131, %dot_general3A_130 : vector<64x2048xf32>
    %slice3A_133 = vector.extract_strided_slice %add3A_132 {offsets = [0, 0], sizes = [8, 2048], strides = [1, 1]} : vector<64x2048xf32> to vector<8x2048xf32>
    %slice3A_134 = vector.extract_strided_slice %add3A_132 {offsets = [8, 0], sizes = [8, 2048], strides = [1, 1]} : vector<64x2048xf32> to vector<8x2048xf32>
    %add3A_135 = arith.addf %slice3A_133, %slice3A_134 : vector<8x2048xf32>
    %slice3A_136 = vector.extract_strided_slice %add3A_132 {offsets = [16, 0], sizes = [8, 2048], strides = [1, 1]} : vector<64x2048xf32> to vector<8x2048xf32>
    %add3A_137 = arith.addf %add3A_135, %slice3A_136 : vector<8x2048xf32>
    %slice3A_138 = vector.extract_strided_slice %add3A_132 {offsets = [24, 0], sizes = [8, 2048], strides = [1, 1]} : vector<64x2048xf32> to vector<8x2048xf32>
    %add3A_139 = arith.addf %add3A_137, %slice3A_138 : vector<8x2048xf32>
    %slice3A_140 = vector.extract_strided_slice %add3A_132 {offsets = [32, 0], sizes = [8, 2048], strides = [1, 1]} : vector<64x2048xf32> to vector<8x2048xf32>
    %add3A_141 = arith.addf %add3A_139, %slice3A_140 : vector<8x2048xf32>
    %slice3A_142 = vector.extract_strided_slice %add3A_132 {offsets = [40, 0], sizes = [8, 2048], strides = [1, 1]} : vector<64x2048xf32> to vector<8x2048xf32>
    %add3A_143 = arith.addf %add3A_141, %slice3A_142 : vector<8x2048xf32>
    %slice3A_144 = vector.extract_strided_slice %add3A_132 {offsets = [48, 0], sizes = [8, 2048], strides = [1, 1]} : vector<64x2048xf32> to vector<8x2048xf32>
    %add3A_145 = arith.addf %add3A_143, %slice3A_144 : vector<8x2048xf32>
    %slice3A_146 = vector.extract_strided_slice %add3A_132 {offsets = [56, 0], sizes = [8, 2048], strides = [1, 1]} : vector<64x2048xf32> to vector<8x2048xf32>
    %add3A_147 = arith.addf %add3A_145, %slice3A_146 : vector<8x2048xf32>
    %reduce_sum3A_148 = arith.constant dense<0.000000e+00> : vector<2048xf32>
    %reduce_sum3A_149 = vector.multi_reduction <add>, %add3A_147, %reduce_sum3A_148 [0] : vector<8x2048xf32> to vector<2048xf32>
    %broadcast_in_dim3A_150 = vector.shape_cast %reduce_sum3A_149 : vector<2048xf32> to vector<1x2048xf32>
    %div3A_151 = arith.constant 6.400000e+01 : f32
    %div3A_152 = vector.broadcast %div3A_151 : f32 to vector<1x2048xf32>
    %div3A_153 = arith.divf %broadcast_in_dim3A_150, %div3A_152 : vector<1x2048xf32>
    %sub3A_154 = vector.broadcast %div3A_153 : vector<1x2048xf32> to vector<64x2048xf32>
    %sub3A_155 = arith.subf %add3A_132, %sub3A_154 : vector<64x2048xf32>
    %mul3A_156 = arith.mulf %sub3A_155, %sub3A_155 : vector<64x2048xf32>
    %slice3A_157 = vector.extract_strided_slice %mul3A_156 {offsets = [0, 0], sizes = [8, 2048], strides = [1, 1]} : vector<64x2048xf32> to vector<8x2048xf32>
    %slice3A_158 = vector.extract_strided_slice %mul3A_156 {offsets = [8, 0], sizes = [8, 2048], strides = [1, 1]} : vector<64x2048xf32> to vector<8x2048xf32>
    %add3A_159 = arith.addf %slice3A_157, %slice3A_158 : vector<8x2048xf32>
    %slice3A_160 = vector.extract_strided_slice %mul3A_156 {offsets = [16, 0], sizes = [8, 2048], strides = [1, 1]} : vector<64x2048xf32> to vector<8x2048xf32>
    %add3A_161 = arith.addf %add3A_159, %slice3A_160 : vector<8x2048xf32>
    %slice3A_162 = vector.extract_strided_slice %mul3A_156 {offsets = [24, 0], sizes = [8, 2048], strides = [1, 1]} : vector<64x2048xf32> to vector<8x2048xf32>
    %add3A_163 = arith.addf %add3A_161, %slice3A_162 : vector<8x2048xf32>
    %slice3A_164 = vector.extract_strided_slice %mul3A_156 {offsets = [32, 0], sizes = [8, 2048], strides = [1, 1]} : vector<64x2048xf32> to vector<8x2048xf32>
    %add3A_165 = arith.addf %add3A_163, %slice3A_164 : vector<8x2048xf32>
    %slice3A_166 = vector.extract_strided_slice %mul3A_156 {offsets = [40, 0], sizes = [8, 2048], strides = [1, 1]} : vector<64x2048xf32> to vector<8x2048xf32>
    %add3A_167 = arith.addf %add3A_165, %slice3A_166 : vector<8x2048xf32>
    %slice3A_168 = vector.extract_strided_slice %mul3A_156 {offsets = [48, 0], sizes = [8, 2048], strides = [1, 1]} : vector<64x2048xf32> to vector<8x2048xf32>
    %add3A_169 = arith.addf %add3A_167, %slice3A_168 : vector<8x2048xf32>
    %slice3A_170 = vector.extract_strided_slice %mul3A_156 {offsets = [56, 0], sizes = [8, 2048], strides = [1, 1]} : vector<64x2048xf32> to vector<8x2048xf32>
    %add3A_171 = arith.addf %add3A_169, %slice3A_170 : vector<8x2048xf32>
    %reduce_sum3A_172 = arith.constant dense<0.000000e+00> : vector<2048xf32>
    %reduce_sum3A_173 = vector.multi_reduction <add>, %add3A_171, %reduce_sum3A_172 [0] : vector<8x2048xf32> to vector<2048xf32>
    %broadcast_in_dim3A_174 = vector.shape_cast %reduce_sum3A_173 : vector<2048xf32> to vector<1x2048xf32>
    %div3A_175 = arith.constant 6.400000e+01 : f32
    %div3A_176 = vector.broadcast %div3A_175 : f32 to vector<1x2048xf32>
    %div3A_177 = arith.divf %broadcast_in_dim3A_174, %div3A_176 : vector<1x2048xf32>
    %add3A_178 = arith.constant 9.99999974E-6 : f32
    %add3A_179 = vector.broadcast %add3A_178 : f32 to vector<1x2048xf32>
    %add3A_180 = arith.addf %div3A_177, %add3A_179 : vector<1x2048xf32>
    %sqrt3A_181 = math.sqrt %add3A_180 : vector<1x2048xf32>
    %div3A_182 = vector.broadcast %sqrt3A_181 : vector<1x2048xf32> to vector<64x2048xf32>
    %div3A_183 = arith.divf %sub3A_155, %div3A_182 : vector<64x2048xf32>
    %get3A_184 = arith.constant 0 : index
    %get3A_185 = arith.constant 0 : index
    %get3A_186 = vector.load %arg12[%get3A_184, %get3A_185] : memref<64x1xf32, #tpu.memory_space<vmem>>, vector<64x1xf32>
    %mul3A_187 = vector.broadcast %get3A_186 : vector<64x1xf32> to vector<64x2048xf32>
    %mul3A_188 = arith.mulf %div3A_183, %mul3A_187 : vector<64x2048xf32>
    %get3A_189 = arith.constant 0 : index
    %get3A_190 = arith.constant 0 : index
    %get3A_191 = vector.load %arg13[%get3A_189, %get3A_190] : memref<64x1xf32, #tpu.memory_space<vmem>>, vector<64x1xf32>
    %add3A_192 = vector.broadcast %get3A_191 : vector<64x1xf32> to vector<64x2048xf32>
    %add3A_193 = arith.addf %mul3A_188, %add3A_192 : vector<64x2048xf32>
    %max3A_194 = arith.constant 0.000000e+00 : f32
    %max3A_195 = vector.broadcast %max3A_194 : f32 to vector<64x2048xf32>
    %max3A_196 = arith.maximumf %add3A_193, %max3A_195 : vector<64x2048xf32>
    %convert_element_type3A_197 = arith.truncf %max3A_196 : vector<64x2048xf32> to vector<64x2048xbf16>
    %dot_general3A_198 = arith.constant dense<0.000000e+00> : vector<2x2048xf32>
    %dot_general3A_199 = tpu.matmul %convert_element_type3A_13, %convert_element_type3A_197, %dot_general3A_198 {dimension_numbers = #tpu.dot_dimension_numbers<[1], [0], [0], [1], [0, 0, 1, 1], [], []>, transpose_lhs_hint = false} : vector<2x64xbf16>, vector<64x2048xbf16>, vector<2x2048xf32> -> vector<2x2048xf32>
    %get3A_200 = arith.constant 0 : index
    %get3A_201 = arith.constant 0 : index
    %get3A_202 = vector.load %arg15[%get3A_200, %get3A_201] : memref<2x1xf32, #tpu.memory_space<vmem>>, vector<2x1xf32>
    %add3A_203 = vector.broadcast %get3A_202 : vector<2x1xf32> to vector<2x2048xf32>
    %add3A_204 = arith.addf %dot_general3A_199, %add3A_203 : vector<2x2048xf32>
    %swap3A_205 = arith.constant 0 : index
    %swap3A_206 = arith.constant 0 : index
    %swap3A_207 = arith.constant 0 : index
    %swap3A_208 = vector.load %arg17[%swap3A_205, %swap3A_206, %swap3A_207] : memref<8x2x2048xf32, #tpu.memory_space<vmem>>, vector<1x2x2048xf32>
    %swap3A_209 = vector.shape_cast %swap3A_208 : vector<1x2x2048xf32> to vector<2x2048xf32>
    %swap3A_210 = vector.shape_cast %add3A_204 : vector<2x2048xf32> to vector<1x2x2048xf32>
    tpu.vector_store %arg17[%swap3A_205, %swap3A_206, %swap3A_207], %swap3A_210 {strides = array<i32>} : memref<8x2x2048xf32, #tpu.memory_space<vmem>>, vector<1x2x2048xf32>,
    %get3A_211 = arith.constant 2 : index
    %get3A_212 = arith.constant 0 : index
    %get3A_213 = vector.load %arg2[%get3A_211, %get3A_212] : memref<16x2048xf32, #tpu.memory_space<vmem>>, vector<2x2048xf32>
    %convert_element_type3A_214 = arith.truncf %get3A_213 : vector<2x2048xf32> to vector<2x2048xbf16>
    %slice3A_215 = vector.extract_strided_slice %add3A_22 {offsets = [0, 1], sizes = [64, 1], strides = [1, 1]} : vector<64x8xf32> to vector<64x1xf32>
    %slice3A_216 = vector.extract_strided_slice %convert_element_type3A {offsets = [0, 64], sizes = [64, 2], strides = [1, 1]} : vector<64x66xbf16> to vector<64x2xbf16>
    %dot_general3A_217 = arith.constant dense<0.000000e+00> : vector<64x2048xf32>
    %dot_general3A_218 = tpu.matmul %slice3A_216, %convert_element_type3A_214, %dot_general3A_217 {dimension_numbers = #tpu.dot_dimension_numbers<[1], [0], [0], [1], [0, 0, 1, 1], [], []>, transpose_lhs_hint = false} : vector<64x2xbf16>, vector<2x2048xbf16>, vector<64x2048xf32> -> vector<64x2048xf32>
    %add3A_219 = vector.broadcast %slice3A_215 : vector<64x1xf32> to vector<64x2048xf32>
    %add3A_220 = arith.addf %add3A_219, %dot_general3A_218 : vector<64x2048xf32>
    %slice3A_221 = vector.extract_strided_slice %add3A_220 {offsets = [0, 0], sizes = [8, 2048], strides = [1, 1]} : vector<64x2048xf32> to vector<8x2048xf32>
    %slice3A_222 = vector.extract_strided_slice %add3A_220 {offsets = [8, 0], sizes = [8, 2048], strides = [1, 1]} : vector<64x2048xf32> to vector<8x2048xf32>
    %add3A_223 = arith.addf %slice3A_221, %slice3A_222 : vector<8x2048xf32>
    %slice3A_224 = vector.extract_strided_slice %add3A_220 {offsets = [16, 0], sizes = [8, 2048], strides = [1, 1]} : vector<64x2048xf32> to vector<8x2048xf32>
    %add3A_225 = arith.addf %add3A_223, %slice3A_224 : vector<8x2048xf32>
    %slice3A_226 = vector.extract_strided_slice %add3A_220 {offsets = [24, 0], sizes = [8, 2048], strides = [1, 1]} : vector<64x2048xf32> to vector<8x2048xf32>
    %add3A_227 = arith.addf %add3A_225, %slice3A_226 : vector<8x2048xf32>
    %slice3A_228 = vector.extract_strided_slice %add3A_220 {offsets = [32, 0], sizes = [8, 2048], strides = [1, 1]} : vector<64x2048xf32> to vector<8x2048xf32>
    %add3A_229 = arith.addf %add3A_227, %slice3A_228 : vector<8x2048xf32>
    %slice3A_230 = vector.extract_strided_slice %add3A_220 {offsets = [40, 0], sizes = [8, 2048], strides = [1, 1]} : vector<64x2048xf32> to vector<8x2048xf32>
    %add3A_231 = arith.addf %add3A_229, %slice3A_230 : vector<8x2048xf32>
    %slice3A_232 = vector.extract_strided_slice %add3A_220 {offsets = [48, 0], sizes = [8, 2048], strides = [1, 1]} : vector<64x2048xf32> to vector<8x2048xf32>
    %add3A_233 = arith.addf %add3A_231, %slice3A_232 : vector<8x2048xf32>
    %slice3A_234 = vector.extract_strided_slice %add3A_220 {offsets = [56, 0], sizes = [8, 2048], strides = [1, 1]} : vector<64x2048xf32> to vector<8x2048xf32>
    %add3A_235 = arith.addf %add3A_233, %slice3A_234 : vector<8x2048xf32>
    %reduce_sum3A_236 = arith.constant dense<0.000000e+00> : vector<2048xf32>
    %reduce_sum3A_237 = vector.multi_reduction <add>, %add3A_235, %reduce_sum3A_236 [0] : vector<8x2048xf32> to vector<2048xf32>
    %broadcast_in_dim3A_238 = vector.shape_cast %reduce_sum3A_237 : vector<2048xf32> to vector<1x2048xf32>
    %div3A_239 = arith.constant 6.400000e+01 : f32
    %div3A_240 = vector.broadcast %div3A_239 : f32 to vector<1x2048xf32>
    %div3A_241 = arith.divf %broadcast_in_dim3A_238, %div3A_240 : vector<1x2048xf32>
    %sub3A_242 = vector.broadcast %div3A_241 : vector<1x2048xf32> to vector<64x2048xf32>
    %sub3A_243 = arith.subf %add3A_220, %sub3A_242 : vector<64x2048xf32>
    %mul3A_244 = arith.mulf %sub3A_243, %sub3A_243 : vector<64x2048xf32>
    %slice3A_245 = vector.extract_strided_slice %mul3A_244 {offsets = [0, 0], sizes = [8, 2048], strides = [1, 1]} : vector<64x2048xf32> to vector<8x2048xf32>
    %slice3A_246 = vector.extract_strided_slice %mul3A_244 {offsets = [8, 0], sizes = [8, 2048], strides = [1, 1]} : vector<64x2048xf32> to vector<8x2048xf32>
    %add3A_247 = arith.addf %slice3A_245, %slice3A_246 : vector<8x2048xf32>
    %slice3A_248 = vector.extract_strided_slice %mul3A_244 {offsets = [16, 0], sizes = [8, 2048], strides = [1, 1]} : vector<64x2048xf32> to vector<8x2048xf32>
    %add3A_249 = arith.addf %add3A_247, %slice3A_248 : vector<8x2048xf32>
    %slice3A_250 = vector.extract_strided_slice %mul3A_244 {offsets = [24, 0], sizes = [8, 2048], strides = [1, 1]} : vector<64x2048xf32> to vector<8x2048xf32>
    %add3A_251 = arith.addf %add3A_249, %slice3A_250 : vector<8x2048xf32>
    %slice3A_252 = vector.extract_strided_slice %mul3A_244 {offsets = [32, 0], sizes = [8, 2048], strides = [1, 1]} : vector<64x2048xf32> to vector<8x2048xf32>
    %add3A_253 = arith.addf %add3A_251, %slice3A_252 : vector<8x2048xf32>
    %slice3A_254 = vector.extract_strided_slice %mul3A_244 {offsets = [40, 0], sizes = [8, 2048], strides = [1, 1]} : vector<64x2048xf32> to vector<8x2048xf32>
    %add3A_255 = arith.addf %add3A_253, %slice3A_254 : vector<8x2048xf32>
    %slice3A_256 = vector.extract_strided_slice %mul3A_244 {offsets = [48, 0], sizes = [8, 2048], strides = [1, 1]} : vector<64x2048xf32> to vector<8x2048xf32>
    %add3A_257 = arith.addf %add3A_255, %slice3A_256 : vector<8x2048xf32>
    %slice3A_258 = vector.extract_strided_slice %mul3A_244 {offsets = [56, 0], sizes = [8, 2048], strides = [1, 1]} : vector<64x2048xf32> to vector<8x2048xf32>
    %add3A_259 = arith.addf %add3A_257, %slice3A_258 : vector<8x2048xf32>
    %reduce_sum3A_260 = arith.constant dense<0.000000e+00> : vector<2048xf32>
    %reduce_sum3A_261 = vector.multi_reduction <add>, %add3A_259, %reduce_sum3A_260 [0] : vector<8x2048xf32> to vector<2048xf32>
    %broadcast_in_dim3A_262 = vector.shape_cast %reduce_sum3A_261 : vector<2048xf32> to vector<1x2048xf32>
    %div3A_263 = arith.constant 6.400000e+01 : f32
    %div3A_264 = vector.broadcast %div3A_263 : f32 to vector<1x2048xf32>
    %div3A_265 = arith.divf %broadcast_in_dim3A_262, %div3A_264 : vector<1x2048xf32>
    %add3A_266 = arith.constant 9.99999974E-6 : f32
    %add3A_267 = vector.broadcast %add3A_266 : f32 to vector<1x2048xf32>
    %add3A_268 = arith.addf %div3A_265, %add3A_267 : vector<1x2048xf32>
    %sqrt3A_269 = math.sqrt %add3A_268 : vector<1x2048xf32>
    %div3A_270 = vector.broadcast %sqrt3A_269 : vector<1x2048xf32> to vector<64x2048xf32>
    %div3A_271 = arith.divf %sub3A_243, %div3A_270 : vector<64x2048xf32>
    %get3A_272 = arith.constant 0 : index
    %get3A_273 = arith.constant 0 : index
    %get3A_274 = vector.load %arg6[%get3A_272, %get3A_273] : memref<64x1xf32, #tpu.memory_space<vmem>>, vector<64x1xf32>
    %mul3A_275 = vector.broadcast %get3A_274 : vector<64x1xf32> to vector<64x2048xf32>
    %mul3A_276 = arith.mulf %div3A_271, %mul3A_275 : vector<64x2048xf32>
    %get3A_277 = arith.constant 0 : index
    %get3A_278 = arith.constant 0 : index
    %get3A_279 = vector.load %arg7[%get3A_277, %get3A_278] : memref<64x1xf32, #tpu.memory_space<vmem>>, vector<64x1xf32>
    %add3A_280 = vector.broadcast %get3A_279 : vector<64x1xf32> to vector<64x2048xf32>
    %add3A_281 = arith.addf %mul3A_276, %add3A_280 : vector<64x2048xf32>
    %max3A_282 = arith.constant 0.000000e+00 : f32
    %max3A_283 = vector.broadcast %max3A_282 : f32 to vector<64x2048xf32>
    %max3A_284 = arith.maximumf %add3A_281, %max3A_283 : vector<64x2048xf32>
    %convert_element_type3A_285 = arith.truncf %max3A_284 : vector<64x2048xf32> to vector<64x2048xbf16>
    %dot_general3A_286 = arith.constant dense<0.000000e+00> : vector<1x2048xf32>
    %dot_general3A_287 = tpu.matmul %convert_element_type3A_9, %convert_element_type3A_285, %dot_general3A_286 {dimension_numbers = #tpu.dot_dimension_numbers<[1], [0], [0], [1], [0, 0, 1, 1], [], []>, transpose_lhs_hint = false} : vector<1x64xbf16>, vector<64x2048xbf16>, vector<1x2048xf32> -> vector<1x2048xf32>
    %get3A_288 = arith.constant 0 : index
    %get3A_289 = arith.constant 0 : index
    %get3A_290 = vector.load %arg9[%get3A_288, %get3A_289] : memref<1x1xf32, #tpu.memory_space<vmem>>, vector<1x1xf32>
    %add3A_291 = vector.broadcast %get3A_290 : vector<1x1xf32> to vector<1x2048xf32>
    %add3A_292 = arith.addf %dot_general3A_287, %add3A_291 : vector<1x2048xf32>
    %get3A_293 = arith.constant 1 : index
    %get3A_294 = arith.constant 0 : index
    %get3A_295 = vector.load %arg3[%get3A_293, %get3A_294] : memref<8x2048xf32, #tpu.memory_space<vmem>>, vector<1x2048xf32>
    %gt3A_296 = arith.constant 0.000000e+00 : f32
    %gt3A_297 = vector.broadcast %gt3A_296 : f32 to vector<1x2048xf32>
    %gt3A_298 = arith.cmpf ogt, %get3A_295, %gt3A_297 : vector<1x2048xf32>
    %jit3A_299 = arith.constant -9.99999995E+11 : f32
    %broadcast_in_dim3A_300 = vector.broadcast %jit3A_299 : f32 to vector<1x2048xf32>
    %select_n3A_301 = arith.select %gt3A_298, %add3A_292, %broadcast_in_dim3A_300 : vector<1x2048xi1>, vector<1x2048xf32>
    %reduce_max3A_302 = vector.shape_cast %select_n3A_301 : vector<1x2048xf32> to vector<1x1x2048xf32>
    %reduce_max3A_303 = arith.constant dense<0xFF800000> : vector<1xf32>
    %reduce_max3A_304 = vector.multi_reduction <maximumf>, %reduce_max3A_302, %reduce_max3A_303 [1, 2] : vector<1x1x2048xf32> to vector<1xf32>
    %reduce_max3A_305 = vector.shape_cast %reduce_max3A_304 : vector<1xf32> to vector<1x1x1xf32>
    %reduce_max3A_306 = vector.extract %reduce_max3A_305[0, 0, 0] : f32 from vector<1x1x1xf32>
    %sub3A_307 = vector.broadcast %reduce_max3A_306 : f32 to vector<1x2048xf32>
    %sub3A_308 = arith.subf %select_n3A_301, %sub3A_307 : vector<1x2048xf32>
    %exp3A_309 = math.exp %sub3A_308 : vector<1x2048xf32>
    %reduce_sum3A_310 = vector.shape_cast %exp3A_309 : vector<1x2048xf32> to vector<1x1x2048xf32>
    %reduce_sum3A_311 = arith.constant dense<0.000000e+00> : vector<1xf32>
    %reduce_sum3A_312 = vector.multi_reduction <add>, %reduce_sum3A_310, %reduce_sum3A_311 [1, 2] : vector<1x1x2048xf32> to vector<1xf32>
    %reduce_sum3A_313 = vector.shape_cast %reduce_sum3A_312 : vector<1xf32> to vector<1x1x1xf32>
    %reduce_sum3A_314 = vector.extract %reduce_sum3A_313[0, 0, 0] : f32 from vector<1x1x1xf32>
    %div3A_315 = vector.broadcast %reduce_sum3A_314 : f32 to vector<1x2048xf32>
    %div3A_316 = arith.divf %exp3A_309, %div3A_315 : vector<1x2048xf32>
    %swap3A_317 = arith.constant 1 : index
    %swap3A_318 = arith.constant 0 : index
    %swap3A_319 = vector.load %arg16[%swap3A_317, %swap3A_318] : memref<8x2048xf32, #tpu.memory_space<vmem>>, vector<1x2048xf32>
    tpu.vector_store %arg16[%swap3A_317, %swap3A_318], %div3A_316 {strides = array<i32>} : memref<8x2048xf32, #tpu.memory_space<vmem>>, vector<1x2048xf32>,
    %slice3A_320 = vector.extract_strided_slice %add3A_30 {offsets = [0, 1], sizes = [64, 1], strides = [1, 1]} : vector<64x8xf32> to vector<64x1xf32>
    %slice3A_321 = vector.extract_strided_slice %convert_element_type3A_5 {offsets = [0, 64], sizes = [64, 2], strides = [1, 1]} : vector<64x66xbf16> to vector<64x2xbf16>
    %dot_general3A_322 = arith.constant dense<0.000000e+00> : vector<64x2048xf32>
    %dot_general3A_323 = tpu.matmul %slice3A_321, %convert_element_type3A_214, %dot_general3A_322 {dimension_numbers = #tpu.dot_dimension_numbers<[1], [0], [0], [1], [0, 0, 1, 1], [], []>, transpose_lhs_hint = false} : vector<64x2xbf16>, vector<2x2048xbf16>, vector<64x2048xf32> -> vector<64x2048xf32>
    %add3A_324 = vector.broadcast %slice3A_320 : vector<64x1xf32> to vector<64x2048xf32>
    %add3A_325 = arith.addf %add3A_324, %dot_general3A_323 : vector<64x2048xf32>
    %slice3A_326 = vector.extract_strided_slice %add3A_325 {offsets = [0, 0], sizes = [8, 2048], strides = [1, 1]} : vector<64x2048xf32> to vector<8x2048xf32>
    %slice3A_327 = vector.extract_strided_slice %add3A_325 {offsets = [8, 0], sizes = [8, 2048], strides = [1, 1]} : vector<64x2048xf32> to vector<8x2048xf32>
    %add3A_328 = arith.addf %slice3A_326, %slice3A_327 : vector<8x2048xf32>
    %slice3A_329 = vector.extract_strided_slice %add3A_325 {offsets = [16, 0], sizes = [8, 2048], strides = [1, 1]} : vector<64x2048xf32> to vector<8x2048xf32>
    %add3A_330 = arith.addf %add3A_328, %slice3A_329 : vector<8x2048xf32>
    %slice3A_331 = vector.extract_strided_slice %add3A_325 {offsets = [24, 0], sizes = [8, 2048], strides = [1, 1]} : vector<64x2048xf32> to vector<8x2048xf32>
    %add3A_332 = arith.addf %add3A_330, %slice3A_331 : vector<8x2048xf32>
    %slice3A_333 = vector.extract_strided_slice %add3A_325 {offsets = [32, 0], sizes = [8, 2048], strides = [1, 1]} : vector<64x2048xf32> to vector<8x2048xf32>
    %add3A_334 = arith.addf %add3A_332, %slice3A_333 : vector<8x2048xf32>
    %slice3A_335 = vector.extract_strided_slice %add3A_325 {offsets = [40, 0], sizes = [8, 2048], strides = [1, 1]} : vector<64x2048xf32> to vector<8x2048xf32>
    %add3A_336 = arith.addf %add3A_334, %slice3A_335 : vector<8x2048xf32>
    %slice3A_337 = vector.extract_strided_slice %add3A_325 {offsets = [48, 0], sizes = [8, 2048], strides = [1, 1]} : vector<64x2048xf32> to vector<8x2048xf32>
    %add3A_338 = arith.addf %add3A_336, %slice3A_337 : vector<8x2048xf32>
    %slice3A_339 = vector.extract_strided_slice %add3A_325 {offsets = [56, 0], sizes = [8, 2048], strides = [1, 1]} : vector<64x2048xf32> to vector<8x2048xf32>
    %add3A_340 = arith.addf %add3A_338, %slice3A_339 : vector<8x2048xf32>
    %reduce_sum3A_341 = arith.constant dense<0.000000e+00> : vector<2048xf32>
    %reduce_sum3A_342 = vector.multi_reduction <add>, %add3A_340, %reduce_sum3A_341 [0] : vector<8x2048xf32> to vector<2048xf32>
    %broadcast_in_dim3A_343 = vector.shape_cast %reduce_sum3A_342 : vector<2048xf32> to vector<1x2048xf32>
    %div3A_344 = arith.constant 6.400000e+01 : f32
    %div3A_345 = vector.broadcast %div3A_344 : f32 to vector<1x2048xf32>
    %div3A_346 = arith.divf %broadcast_in_dim3A_343, %div3A_345 : vector<1x2048xf32>
    %sub3A_347 = vector.broadcast %div3A_346 : vector<1x2048xf32> to vector<64x2048xf32>
    %sub3A_348 = arith.subf %add3A_325, %sub3A_347 : vector<64x2048xf32>
    %mul3A_349 = arith.mulf %sub3A_348, %sub3A_348 : vector<64x2048xf32>
    %slice3A_350 = vector.extract_strided_slice %mul3A_349 {offsets = [0, 0], sizes = [8, 2048], strides = [1, 1]} : vector<64x2048xf32> to vector<8x2048xf32>
    %slice3A_351 = vector.extract_strided_slice %mul3A_349 {offsets = [8, 0], sizes = [8, 2048], strides = [1, 1]} : vector<64x2048xf32> to vector<8x2048xf32>
    %add3A_352 = arith.addf %slice3A_350, %slice3A_351 : vector<8x2048xf32>
    %slice3A_353 = vector.extract_strided_slice %mul3A_349 {offsets = [16, 0], sizes = [8, 2048], strides = [1, 1]} : vector<64x2048xf32> to vector<8x2048xf32>
    %add3A_354 = arith.addf %add3A_352, %slice3A_353 : vector<8x2048xf32>
    %slice3A_355 = vector.extract_strided_slice %mul3A_349 {offsets = [24, 0], sizes = [8, 2048], strides = [1, 1]} : vector<64x2048xf32> to vector<8x2048xf32>
    %add3A_356 = arith.addf %add3A_354, %slice3A_355 : vector<8x2048xf32>
    %slice3A_357 = vector.extract_strided_slice %mul3A_349 {offsets = [32, 0], sizes = [8, 2048], strides = [1, 1]} : vector<64x2048xf32> to vector<8x2048xf32>
    %add3A_358 = arith.addf %add3A_356, %slice3A_357 : vector<8x2048xf32>
    %slice3A_359 = vector.extract_strided_slice %mul3A_349 {offsets = [40, 0], sizes = [8, 2048], strides = [1, 1]} : vector<64x2048xf32> to vector<8x2048xf32>
    %add3A_360 = arith.addf %add3A_358, %slice3A_359 : vector<8x2048xf32>
    %slice3A_361 = vector.extract_strided_slice %mul3A_349 {offsets = [48, 0], sizes = [8, 2048], strides = [1, 1]} : vector<64x2048xf32> to vector<8x2048xf32>
    %add3A_362 = arith.addf %add3A_360, %slice3A_361 : vector<8x2048xf32>
    %slice3A_363 = vector.extract_strided_slice %mul3A_349 {offsets = [56, 0], sizes = [8, 2048], strides = [1, 1]} : vector<64x2048xf32> to vector<8x2048xf32>
    %add3A_364 = arith.addf %add3A_362, %slice3A_363 : vector<8x2048xf32>
    %reduce_sum3A_365 = arith.constant dense<0.000000e+00> : vector<2048xf32>
    %reduce_sum3A_366 = vector.multi_reduction <add>, %add3A_364, %reduce_sum3A_365 [0] : vector<8x2048xf32> to vector<2048xf32>
    %broadcast_in_dim3A_367 = vector.shape_cast %reduce_sum3A_366 : vector<2048xf32> to vector<1x2048xf32>
    %div3A_368 = arith.constant 6.400000e+01 : f32
    %div3A_369 = vector.broadcast %div3A_368 : f32 to vector<1x2048xf32>
    %div3A_370 = arith.divf %broadcast_in_dim3A_367, %div3A_369 : vector<1x2048xf32>
    %add3A_371 = arith.constant 9.99999974E-6 : f32
    %add3A_372 = vector.broadcast %add3A_371 : f32 to vector<1x2048xf32>
    %add3A_373 = arith.addf %div3A_370, %add3A_372 : vector<1x2048xf32>
    %sqrt3A_374 = math.sqrt %add3A_373 : vector<1x2048xf32>
    %div3A_375 = vector.broadcast %sqrt3A_374 : vector<1x2048xf32> to vector<64x2048xf32>
    %div3A_376 = arith.divf %sub3A_348, %div3A_375 : vector<64x2048xf32>
    %get3A_377 = arith.constant 0 : index
    %get3A_378 = arith.constant 0 : index
    %get3A_379 = vector.load %arg12[%get3A_377, %get3A_378] : memref<64x1xf32, #tpu.memory_space<vmem>>, vector<64x1xf32>
    %mul3A_380 = vector.broadcast %get3A_379 : vector<64x1xf32> to vector<64x2048xf32>
    %mul3A_381 = arith.mulf %div3A_376, %mul3A_380 : vector<64x2048xf32>
    %get3A_382 = arith.constant 0 : index
    %get3A_383 = arith.constant 0 : index
    %get3A_384 = vector.load %arg13[%get3A_382, %get3A_383] : memref<64x1xf32, #tpu.memory_space<vmem>>, vector<64x1xf32>
    %add3A_385 = vector.broadcast %get3A_384 : vector<64x1xf32> to vector<64x2048xf32>
    %add3A_386 = arith.addf %mul3A_381, %add3A_385 : vector<64x2048xf32>
    %max3A_387 = arith.constant 0.000000e+00 : f32
    %max3A_388 = vector.broadcast %max3A_387 : f32 to vector<64x2048xf32>
    %max3A_389 = arith.maximumf %add3A_386, %max3A_388 : vector<64x2048xf32>
    %convert_element_type3A_390 = arith.truncf %max3A_389 : vector<64x2048xf32> to vector<64x2048xbf16>
    %dot_general3A_391 = arith.constant dense<0.000000e+00> : vector<2x2048xf32>
    %dot_general3A_392 = tpu.matmul %convert_element_type3A_13, %convert_element_type3A_390, %dot_general3A_391 {dimension_numbers = #tpu.dot_dimension_numbers<[1], [0], [0], [1], [0, 0, 1, 1], [], []>, transpose_lhs_hint = false} : vector<2x64xbf16>, vector<64x2048xbf16>, vector<2x2048xf32> -> vector<2x2048xf32>
    %get3A_393 = arith.constant 0 : index
    %get3A_394 = arith.constant 0 : index
    %get3A_395 = vector.load %arg15[%get3A_393, %get3A_394] : memref<2x1xf32, #tpu.memory_space<vmem>>, vector<2x1xf32>
    %add3A_396 = vector.broadcast %get3A_395 : vector<2x1xf32> to vector<2x2048xf32>
    %add3A_397 = arith.addf %dot_general3A_392, %add3A_396 : vector<2x2048xf32>
    %swap3A_398 = arith.constant 1 : index
    %swap3A_399 = arith.constant 0 : index
    %swap3A_400 = arith.constant 0 : index
    %swap3A_401 = vector.load %arg17[%swap3A_398, %swap3A_399, %swap3A_400] : memref<8x2x2048xf32, #tpu.memory_space<vmem>>, vector<1x2x2048xf32>
    %swap3A_402 = vector.shape_cast %swap3A_401 : vector<1x2x2048xf32> to vector<2x2048xf32>
    %swap3A_403 = vector.shape_cast %add3A_397 : vector<2x2048xf32> to vector<1x2x2048xf32>
    tpu.vector_store %arg17[%swap3A_398, %swap3A_399, %swap3A_400], %swap3A_403 {strides = array<i32>} : memref<8x2x2048xf32, #tpu.memory_space<vmem>>, vector<1x2x2048xf32>,
    %get3A_404 = arith.constant 4 : index
    %get3A_405 = arith.constant 0 : index
    %get3A_406 = vector.load %arg2[%get3A_404, %get3A_405] : memref<16x2048xf32, #tpu.memory_space<vmem>>, vector<2x2048xf32>
    %convert_element_type3A_407 = arith.truncf %get3A_406 : vector<2x2048xf32> to vector<2x2048xbf16>
    %slice3A_408 = vector.extract_strided_slice %add3A_22 {offsets = [0, 2], sizes = [64, 1], strides = [1, 1]} : vector<64x8xf32> to vector<64x1xf32>
    %slice3A_409 = vector.extract_strided_slice %convert_element_type3A {offsets = [0, 64], sizes = [64, 2], strides = [1, 1]} : vector<64x66xbf16> to vector<64x2xbf16>
    %dot_general3A_410 = arith.constant dense<0.000000e+00> : vector<64x2048xf32>
    %dot_general3A_411 = tpu.matmul %slice3A_409, %convert_element_type3A_407, %dot_general3A_410 {dimension_numbers = #tpu.dot_dimension_numbers<[1], [0], [0], [1], [0, 0, 1, 1], [], []>, transpose_lhs_hint = false} : vector<64x2xbf16>, vector<2x2048xbf16>, vector<64x2048xf32> -> vector<64x2048xf32>
    %add3A_412 = vector.broadcast %slice3A_408 : vector<64x1xf32> to vector<64x2048xf32>
    %add3A_413 = arith.addf %add3A_412, %dot_general3A_411 : vector<64x2048xf32>
    %slice3A_414 = vector.extract_strided_slice %add3A_413 {offsets = [0, 0], sizes = [8, 2048], strides = [1, 1]} : vector<64x2048xf32> to vector<8x2048xf32>
    %slice3A_415 = vector.extract_strided_slice %add3A_413 {offsets = [8, 0], sizes = [8, 2048], strides = [1, 1]} : vector<64x2048xf32> to vector<8x2048xf32>
    %add3A_416 = arith.addf %slice3A_414, %slice3A_415 : vector<8x2048xf32>
    %slice3A_417 = vector.extract_strided_slice %add3A_413 {offsets = [16, 0], sizes = [8, 2048], strides = [1, 1]} : vector<64x2048xf32> to vector<8x2048xf32>
    %add3A_418 = arith.addf %add3A_416, %slice3A_417 : vector<8x2048xf32>
    %slice3A_419 = vector.extract_strided_slice %add3A_413 {offsets = [24, 0], sizes = [8, 2048], strides = [1, 1]} : vector<64x2048xf32> to vector<8x2048xf32>
    %add3A_420 = arith.addf %add3A_418, %slice3A_419 : vector<8x2048xf32>
    %slice3A_421 = vector.extract_strided_slice %add3A_413 {offsets = [32, 0], sizes = [8, 2048], strides = [1, 1]} : vector<64x2048xf32> to vector<8x2048xf32>
    %add3A_422 = arith.addf %add3A_420, %slice3A_421 : vector<8x2048xf32>
    %slice3A_423 = vector.extract_strided_slice %add3A_413 {offsets = [40, 0], sizes = [8, 2048], strides = [1, 1]} : vector<64x2048xf32> to vector<8x2048xf32>
    %add3A_424 = arith.addf %add3A_422, %slice3A_423 : vector<8x2048xf32>
    %slice3A_425 = vector.extract_strided_slice %add3A_413 {offsets = [48, 0], sizes = [8, 2048], strides = [1, 1]} : vector<64x2048xf32> to vector<8x2048xf32>
    %add3A_426 = arith.addf %add3A_424, %slice3A_425 : vector<8x2048xf32>
    %slice3A_427 = vector.extract_strided_slice %add3A_413 {offsets = [56, 0], sizes = [8, 2048], strides = [1, 1]} : vector<64x2048xf32> to vector<8x2048xf32>
    %add3A_428 = arith.addf %add3A_426, %slice3A_427 : vector<8x2048xf32>
    %reduce_sum3A_429 = arith.constant dense<0.000000e+00> : vector<2048xf32>
    %reduce_sum3A_430 = vector.multi_reduction <add>, %add3A_428, %reduce_sum3A_429 [0] : vector<8x2048xf32> to vector<2048xf32>
    %broadcast_in_dim3A_431 = vector.shape_cast %reduce_sum3A_430 : vector<2048xf32> to vector<1x2048xf32>
    %div3A_432 = arith.constant 6.400000e+01 : f32
    %div3A_433 = vector.broadcast %div3A_432 : f32 to vector<1x2048xf32>
    %div3A_434 = arith.divf %broadcast_in_dim3A_431, %div3A_433 : vector<1x2048xf32>
    %sub3A_435 = vector.broadcast %div3A_434 : vector<1x2048xf32> to vector<64x2048xf32>
    %sub3A_436 = arith.subf %add3A_413, %sub3A_435 : vector<64x2048xf32>
    %mul3A_437 = arith.mulf %sub3A_436, %sub3A_436 : vector<64x2048xf32>
    %slice3A_438 = vector.extract_strided_slice %mul3A_437 {offsets = [0, 0], sizes = [8, 2048], strides = [1, 1]} : vector<64x2048xf32> to vector<8x2048xf32>
    %slice3A_439 = vector.extract_strided_slice %mul3A_437 {offsets = [8, 0], sizes = [8, 2048], strides = [1, 1]} : vector<64x2048xf32> to vector<8x2048xf32>
    %add3A_440 = arith.addf %slice3A_438, %slice3A_439 : vector<8x2048xf32>
    %slice3A_441 = vector.extract_strided_slice %mul3A_437 {offsets = [16, 0], sizes = [8, 2048], strides = [1, 1]} : vector<64x2048xf32> to vector<8x2048xf32>
    %add3A_442 = arith.addf %add3A_440, %slice3A_441 : vector<8x2048xf32>
    %slice3A_443 = vector.extract_strided_slice %mul3A_437 {offsets = [24, 0], sizes = [8, 2048], strides = [1, 1]} : vector<64x2048xf32> to vector<8x2048xf32>
    %add3A_444 = arith.addf %add3A_442, %slice3A_443 : vector<8x2048xf32>
    %slice3A_445 = vector.extract_strided_slice %mul3A_437 {offsets = [32, 0], sizes = [8, 2048], strides = [1, 1]} : vector<64x2048xf32> to vector<8x2048xf32>
    %add3A_446 = arith.addf %add3A_444, %slice3A_445 : vector<8x2048xf32>
    %slice3A_447 = vector.extract_strided_slice %mul3A_437 {offsets = [40, 0], sizes = [8, 2048], strides = [1, 1]} : vector<64x2048xf32> to vector<8x2048xf32>
    %add3A_448 = arith.addf %add3A_446, %slice3A_447 : vector<8x2048xf32>
    %slice3A_449 = vector.extract_strided_slice %mul3A_437 {offsets = [48, 0], sizes = [8, 2048], strides = [1, 1]} : vector<64x2048xf32> to vector<8x2048xf32>
    %add3A_450 = arith.addf %add3A_448, %slice3A_449 : vector<8x2048xf32>
    %slice3A_451 = vector.extract_strided_slice %mul3A_437 {offsets = [56, 0], sizes = [8, 2048], strides = [1, 1]} : vector<64x2048xf32> to vector<8x2048xf32>
    %add3A_452 = arith.addf %add3A_450, %slice3A_451 : vector<8x2048xf32>
    %reduce_sum3A_453 = arith.constant dense<0.000000e+00> : vector<2048xf32>
    %reduce_sum3A_454 = vector.multi_reduction <add>, %add3A_452, %reduce_sum3A_453 [0] : vector<8x2048xf32> to vector<2048xf32>
    %broadcast_in_dim3A_455 = vector.shape_cast %reduce_sum3A_454 : vector<2048xf32> to vector<1x2048xf32>
    %div3A_456 = arith.constant 6.400000e+01 : f32
    %div3A_457 = vector.broadcast %div3A_456 : f32 to vector<1x2048xf32>
    %div3A_458 = arith.divf %broadcast_in_dim3A_455, %div3A_457 : vector<1x2048xf32>
    %add3A_459 = arith.constant 9.99999974E-6 : f32
    %add3A_460 = vector.broadcast %add3A_459 : f32 to vector<1x2048xf32>
    %add3A_461 = arith.addf %div3A_458, %add3A_460 : vector<1x2048xf32>
    %sqrt3A_462 = math.sqrt %add3A_461 : vector<1x2048xf32>
    %div3A_463 = vector.broadcast %sqrt3A_462 : vector<1x2048xf32> to vector<64x2048xf32>
    %div3A_464 = arith.divf %sub3A_436, %div3A_463 : vector<64x2048xf32>
    %get3A_465 = arith.constant 0 : index
    %get3A_466 = arith.constant 0 : index
    %get3A_467 = vector.load %arg6[%get3A_465, %get3A_466] : memref<64x1xf32, #tpu.memory_space<vmem>>, vector<64x1xf32>
    %mul3A_468 = vector.broadcast %get3A_467 : vector<64x1xf32> to vector<64x2048xf32>
    %mul3A_469 = arith.mulf %div3A_464, %mul3A_468 : vector<64x2048xf32>
    %get3A_470 = arith.constant 0 : index
    %get3A_471 = arith.constant 0 : index
    %get3A_472 = vector.load %arg7[%get3A_470, %get3A_471] : memref<64x1xf32, #tpu.memory_space<vmem>>, vector<64x1xf32>
    %add3A_473 = vector.broadcast %get3A_472 : vector<64x1xf32> to vector<64x2048xf32>
    %add3A_474 = arith.addf %mul3A_469, %add3A_473 : vector<64x2048xf32>
    %max3A_475 = arith.constant 0.000000e+00 : f32
    %max3A_476 = vector.broadcast %max3A_475 : f32 to vector<64x2048xf32>
    %max3A_477 = arith.maximumf %add3A_474, %max3A_476 : vector<64x2048xf32>
    %convert_element_type3A_478 = arith.truncf %max3A_477 : vector<64x2048xf32> to vector<64x2048xbf16>
    %dot_general3A_479 = arith.constant dense<0.000000e+00> : vector<1x2048xf32>
    %dot_general3A_480 = tpu.matmul %convert_element_type3A_9, %convert_element_type3A_478, %dot_general3A_479 {dimension_numbers = #tpu.dot_dimension_numbers<[1], [0], [0], [1], [0, 0, 1, 1], [], []>, transpose_lhs_hint = false} : vector<1x64xbf16>, vector<64x2048xbf16>, vector<1x2048xf32> -> vector<1x2048xf32>
    %get3A_481 = arith.constant 0 : index
    %get3A_482 = arith.constant 0 : index
    %get3A_483 = vector.load %arg9[%get3A_481, %get3A_482] : memref<1x1xf32, #tpu.memory_space<vmem>>, vector<1x1xf32>
    %add3A_484 = vector.broadcast %get3A_483 : vector<1x1xf32> to vector<1x2048xf32>
    %add3A_485 = arith.addf %dot_general3A_480, %add3A_484 : vector<1x2048xf32>
    %get3A_486 = arith.constant 2 : index
    %get3A_487 = arith.constant 0 : index
    %get3A_488 = vector.load %arg3[%get3A_486, %get3A_487] : memref<8x2048xf32, #tpu.memory_space<vmem>>, vector<1x2048xf32>
    %gt3A_489 = arith.constant 0.000000e+00 : f32
    %gt3A_490 = vector.broadcast %gt3A_489 : f32 to vector<1x2048xf32>
    %gt3A_491 = arith.cmpf ogt, %get3A_488, %gt3A_490 : vector<1x2048xf32>
    %jit3A_492 = arith.constant -9.99999995E+11 : f32
    %broadcast_in_dim3A_493 = vector.broadcast %jit3A_492 : f32 to vector<1x2048xf32>
    %select_n3A_494 = arith.select %gt3A_491, %add3A_485, %broadcast_in_dim3A_493 : vector<1x2048xi1>, vector<1x2048xf32>
    %reduce_max3A_495 = vector.shape_cast %select_n3A_494 : vector<1x2048xf32> to vector<1x1x2048xf32>
    %reduce_max3A_496 = arith.constant dense<0xFF800000> : vector<1xf32>
    %reduce_max3A_497 = vector.multi_reduction <maximumf>, %reduce_max3A_495, %reduce_max3A_496 [1, 2] : vector<1x1x2048xf32> to vector<1xf32>
    %reduce_max3A_498 = vector.shape_cast %reduce_max3A_497 : vector<1xf32> to vector<1x1x1xf32>
    %reduce_max3A_499 = vector.extract %reduce_max3A_498[0, 0, 0] : f32 from vector<1x1x1xf32>
    %sub3A_500 = vector.broadcast %reduce_max3A_499 : f32 to vector<1x2048xf32>
    %sub3A_501 = arith.subf %select_n3A_494, %sub3A_500 : vector<1x2048xf32>
    %exp3A_502 = math.exp %sub3A_501 : vector<1x2048xf32>
    %reduce_sum3A_503 = vector.shape_cast %exp3A_502 : vector<1x2048xf32> to vector<1x1x2048xf32>
    %reduce_sum3A_504 = arith.constant dense<0.000000e+00> : vector<1xf32>
    %reduce_sum3A_505 = vector.multi_reduction <add>, %reduce_sum3A_503, %reduce_sum3A_504 [1, 2] : vector<1x1x2048xf32> to vector<1xf32>
    %reduce_sum3A_506 = vector.shape_cast %reduce_sum3A_505 : vector<1xf32> to vector<1x1x1xf32>
    %reduce_sum3A_507 = vector.extract %reduce_sum3A_506[0, 0, 0] : f32 from vector<1x1x1xf32>
    %div3A_508 = vector.broadcast %reduce_sum3A_507 : f32 to vector<1x2048xf32>
    %div3A_509 = arith.divf %exp3A_502, %div3A_508 : vector<1x2048xf32>
    %swap3A_510 = arith.constant 2 : index
    %swap3A_511 = arith.constant 0 : index
    %swap3A_512 = vector.load %arg16[%swap3A_510, %swap3A_511] : memref<8x2048xf32, #tpu.memory_space<vmem>>, vector<1x2048xf32>
    tpu.vector_store %arg16[%swap3A_510, %swap3A_511], %div3A_509 {strides = array<i32>} : memref<8x2048xf32, #tpu.memory_space<vmem>>, vector<1x2048xf32>,
    %slice3A_513 = vector.extract_strided_slice %add3A_30 {offsets = [0, 2], sizes = [64, 1], strides = [1, 1]} : vector<64x8xf32> to vector<64x1xf32>
    %slice3A_514 = vector.extract_strided_slice %convert_element_type3A_5 {offsets = [0, 64], sizes = [64, 2], strides = [1, 1]} : vector<64x66xbf16> to vector<64x2xbf16>
    %dot_general3A_515 = arith.constant dense<0.000000e+00> : vector<64x2048xf32>
    %dot_general3A_516 = tpu.matmul %slice3A_514, %convert_element_type3A_407, %dot_general3A_515 {dimension_numbers = #tpu.dot_dimension_numbers<[1], [0], [0], [1], [0, 0, 1, 1], [], []>, transpose_lhs_hint = false} : vector<64x2xbf16>, vector<2x2048xbf16>, vector<64x2048xf32> -> vector<64x2048xf32>
    %add3A_517 = vector.broadcast %slice3A_513 : vector<64x1xf32> to vector<64x2048xf32>
    %add3A_518 = arith.addf %add3A_517, %dot_general3A_516 : vector<64x2048xf32>
    %slice3A_519 = vector.extract_strided_slice %add3A_518 {offsets = [0, 0], sizes = [8, 2048], strides = [1, 1]} : vector<64x2048xf32> to vector<8x2048xf32>
    %slice3A_520 = vector.extract_strided_slice %add3A_518 {offsets = [8, 0], sizes = [8, 2048], strides = [1, 1]} : vector<64x2048xf32> to vector<8x2048xf32>
    %add3A_521 = arith.addf %slice3A_519, %slice3A_520 : vector<8x2048xf32>
    %slice3A_522 = vector.extract_strided_slice %add3A_518 {offsets = [16, 0], sizes = [8, 2048], strides = [1, 1]} : vector<64x2048xf32> to vector<8x2048xf32>
    %add3A_523 = arith.addf %add3A_521, %slice3A_522 : vector<8x2048xf32>
    %slice3A_524 = vector.extract_strided_slice %add3A_518 {offsets = [24, 0], sizes = [8, 2048], strides = [1, 1]} : vector<64x2048xf32> to vector<8x2048xf32>
    %add3A_525 = arith.addf %add3A_523, %slice3A_524 : vector<8x2048xf32>
    %slice3A_526 = vector.extract_strided_slice %add3A_518 {offsets = [32, 0], sizes = [8, 2048], strides = [1, 1]} : vector<64x2048xf32> to vector<8x2048xf32>
    %add3A_527 = arith.addf %add3A_525, %slice3A_526 : vector<8x2048xf32>
    %slice3A_528 = vector.extract_strided_slice %add3A_518 {offsets = [40, 0], sizes = [8, 2048], strides = [1, 1]} : vector<64x2048xf32> to vector<8x2048xf32>
    %add3A_529 = arith.addf %add3A_527, %slice3A_528 : vector<8x2048xf32>
    %slice3A_530 = vector.extract_strided_slice %add3A_518 {offsets = [48, 0], sizes = [8, 2048], strides = [1, 1]} : vector<64x2048xf32> to vector<8x2048xf32>
    %add3A_531 = arith.addf %add3A_529, %slice3A_530 : vector<8x2048xf32>
    %slice3A_532 = vector.extract_strided_slice %add3A_518 {offsets = [56, 0], sizes = [8, 2048], strides = [1, 1]} : vector<64x2048xf32> to vector<8x2048xf32>
    %add3A_533 = arith.addf %add3A_531, %slice3A_532 : vector<8x2048xf32>
    %reduce_sum3A_534 = arith.constant dense<0.000000e+00> : vector<2048xf32>
    %reduce_sum3A_535 = vector.multi_reduction <add>, %add3A_533, %reduce_sum3A_534 [0] : vector<8x2048xf32> to vector<2048xf32>
    %broadcast_in_dim3A_536 = vector.shape_cast %reduce_sum3A_535 : vector<2048xf32> to vector<1x2048xf32>
    %div3A_537 = arith.constant 6.400000e+01 : f32
    %div3A_538 = vector.broadcast %div3A_537 : f32 to vector<1x2048xf32>
    %div3A_539 = arith.divf %broadcast_in_dim3A_536, %div3A_538 : vector<1x2048xf32>
    %sub3A_540 = vector.broadcast %div3A_539 : vector<1x2048xf32> to vector<64x2048xf32>
    %sub3A_541 = arith.subf %add3A_518, %sub3A_540 : vector<64x2048xf32>
    %mul3A_542 = arith.mulf %sub3A_541, %sub3A_541 : vector<64x2048xf32>
    %slice3A_543 = vector.extract_strided_slice %mul3A_542 {offsets = [0, 0], sizes = [8, 2048], strides = [1, 1]} : vector<64x2048xf32> to vector<8x2048xf32>
    %slice3A_544 = vector.extract_strided_slice %mul3A_542 {offsets = [8, 0], sizes = [8, 2048], strides = [1, 1]} : vector<64x2048xf32> to vector<8x2048xf32>
    %add3A_545 = arith.addf %slice3A_543, %slice3A_544 : vector<8x2048xf32>
    %slice3A_546 = vector.extract_strided_slice %mul3A_542 {offsets = [16, 0], sizes = [8, 2048], strides = [1, 1]} : vector<64x2048xf32> to vector<8x2048xf32>
    %add3A_547 = arith.addf %add3A_545, %slice3A_546 : vector<8x2048xf32>
    %slice3A_548 = vector.extract_strided_slice %mul3A_542 {offsets = [24, 0], sizes = [8, 2048], strides = [1, 1]} : vector<64x2048xf32> to vector<8x2048xf32>
    %add3A_549 = arith.addf %add3A_547, %slice3A_548 : vector<8x2048xf32>
    %slice3A_550 = vector.extract_strided_slice %mul3A_542 {offsets = [32, 0], sizes = [8, 2048], strides = [1, 1]} : vector<64x2048xf32> to vector<8x2048xf32>
    %add3A_551 = arith.addf %add3A_549, %slice3A_550 : vector<8x2048xf32>
    %slice3A_552 = vector.extract_strided_slice %mul3A_542 {offsets = [40, 0], sizes = [8, 2048], strides = [1, 1]} : vector<64x2048xf32> to vector<8x2048xf32>
    %add3A_553 = arith.addf %add3A_551, %slice3A_552 : vector<8x2048xf32>
    %slice3A_554 = vector.extract_strided_slice %mul3A_542 {offsets = [48, 0], sizes = [8, 2048], strides = [1, 1]} : vector<64x2048xf32> to vector<8x2048xf32>
    %add3A_555 = arith.addf %add3A_553, %slice3A_554 : vector<8x2048xf32>
    %slice3A_556 = vector.extract_strided_slice %mul3A_542 {offsets = [56, 0], sizes = [8, 2048], strides = [1, 1]} : vector<64x2048xf32> to vector<8x2048xf32>
    %add3A_557 = arith.addf %add3A_555, %slice3A_556 : vector<8x2048xf32>
    %reduce_sum3A_558 = arith.constant dense<0.000000e+00> : vector<2048xf32>
    %reduce_sum3A_559 = vector.multi_reduction <add>, %add3A_557, %reduce_sum3A_558 [0] : vector<8x2048xf32> to vector<2048xf32>
    %broadcast_in_dim3A_560 = vector.shape_cast %reduce_sum3A_559 : vector<2048xf32> to vector<1x2048xf32>
    %div3A_561 = arith.constant 6.400000e+01 : f32
    %div3A_562 = vector.broadcast %div3A_561 : f32 to vector<1x2048xf32>
    %div3A_563 = arith.divf %broadcast_in_dim3A_560, %div3A_562 : vector<1x2048xf32>
    %add3A_564 = arith.constant 9.99999974E-6 : f32
    %add3A_565 = vector.broadcast %add3A_564 : f32 to vector<1x2048xf32>
    %add3A_566 = arith.addf %div3A_563, %add3A_565 : vector<1x2048xf32>
    %sqrt3A_567 = math.sqrt %add3A_566 : vector<1x2048xf32>
    %div3A_568 = vector.broadcast %sqrt3A_567 : vector<1x2048xf32> to vector<64x2048xf32>
    %div3A_569 = arith.divf %sub3A_541, %div3A_568 : vector<64x2048xf32>
    %get3A_570 = arith.constant 0 : index
    %get3A_571 = arith.constant 0 : index
    %get3A_572 = vector.load %arg12[%get3A_570, %get3A_571] : memref<64x1xf32, #tpu.memory_space<vmem>>, vector<64x1xf32>
    %mul3A_573 = vector.broadcast %get3A_572 : vector<64x1xf32> to vector<64x2048xf32>
    %mul3A_574 = arith.mulf %div3A_569, %mul3A_573 : vector<64x2048xf32>
    %get3A_575 = arith.constant 0 : index
    %get3A_576 = arith.constant 0 : index
    %get3A_577 = vector.load %arg13[%get3A_575, %get3A_576] : memref<64x1xf32, #tpu.memory_space<vmem>>, vector<64x1xf32>
    %add3A_578 = vector.broadcast %get3A_577 : vector<64x1xf32> to vector<64x2048xf32>
    %add3A_579 = arith.addf %mul3A_574, %add3A_578 : vector<64x2048xf32>
    %max3A_580 = arith.constant 0.000000e+00 : f32
    %max3A_581 = vector.broadcast %max3A_580 : f32 to vector<64x2048xf32>
    %max3A_582 = arith.maximumf %add3A_579, %max3A_581 : vector<64x2048xf32>
    %convert_element_type3A_583 = arith.truncf %max3A_582 : vector<64x2048xf32> to vector<64x2048xbf16>
    %dot_general3A_584 = arith.constant dense<0.000000e+00> : vector<2x2048xf32>
    %dot_general3A_585 = tpu.matmul %convert_element_type3A_13, %convert_element_type3A_583, %dot_general3A_584 {dimension_numbers = #tpu.dot_dimension_numbers<[1], [0], [0], [1], [0, 0, 1, 1], [], []>, transpose_lhs_hint = false} : vector<2x64xbf16>, vector<64x2048xbf16>, vector<2x2048xf32> -> vector<2x2048xf32>
    %get3A_586 = arith.constant 0 : index
    %get3A_587 = arith.constant 0 : index
    %get3A_588 = vector.load %arg15[%get3A_586, %get3A_587] : memref<2x1xf32, #tpu.memory_space<vmem>>, vector<2x1xf32>
    %add3A_589 = vector.broadcast %get3A_588 : vector<2x1xf32> to vector<2x2048xf32>
    %add3A_590 = arith.addf %dot_general3A_585, %add3A_589 : vector<2x2048xf32>
    %swap3A_591 = arith.constant 2 : index
    %swap3A_592 = arith.constant 0 : index
    %swap3A_593 = arith.constant 0 : index
    %swap3A_594 = vector.load %arg17[%swap3A_591, %swap3A_592, %swap3A_593] : memref<8x2x2048xf32, #tpu.memory_space<vmem>>, vector<1x2x2048xf32>
    %swap3A_595 = vector.shape_cast %swap3A_594 : vector<1x2x2048xf32> to vector<2x2048xf32>
    %swap3A_596 = vector.shape_cast %add3A_590 : vector<2x2048xf32> to vector<1x2x2048xf32>
    tpu.vector_store %arg17[%swap3A_591, %swap3A_592, %swap3A_593], %swap3A_596 {strides = array<i32>} : memref<8x2x2048xf32, #tpu.memory_space<vmem>>, vector<1x2x2048xf32>,
    %get3A_597 = arith.constant 6 : index
    %get3A_598 = arith.constant 0 : index
    %get3A_599 = vector.load %arg2[%get3A_597, %get3A_598] : memref<16x2048xf32, #tpu.memory_space<vmem>>, vector<2x2048xf32>
    %convert_element_type3A_600 = arith.truncf %get3A_599 : vector<2x2048xf32> to vector<2x2048xbf16>
    %slice3A_601 = vector.extract_strided_slice %add3A_22 {offsets = [0, 3], sizes = [64, 1], strides = [1, 1]} : vector<64x8xf32> to vector<64x1xf32>
    %slice3A_602 = vector.extract_strided_slice %convert_element_type3A {offsets = [0, 64], sizes = [64, 2], strides = [1, 1]} : vector<64x66xbf16> to vector<64x2xbf16>
    %dot_general3A_603 = arith.constant dense<0.000000e+00> : vector<64x2048xf32>
    %dot_general3A_604 = tpu.matmul %slice3A_602, %convert_element_type3A_600, %dot_general3A_603 {dimension_numbers = #tpu.dot_dimension_numbers<[1], [0], [0], [1], [0, 0, 1, 1], [], []>, transpose_lhs_hint = false} : vector<64x2xbf16>, vector<2x2048xbf16>, vector<64x2048xf32> -> vector<64x2048xf32>
    %add3A_605 = vector.broadcast %slice3A_601 : vector<64x1xf32> to vector<64x2048xf32>
    %add3A_606 = arith.addf %add3A_605, %dot_general3A_604 : vector<64x2048xf32>
    %slice3A_607 = vector.extract_strided_slice %add3A_606 {offsets = [0, 0], sizes = [8, 2048], strides = [1, 1]} : vector<64x2048xf32> to vector<8x2048xf32>
    %slice3A_608 = vector.extract_strided_slice %add3A_606 {offsets = [8, 0], sizes = [8, 2048], strides = [1, 1]} : vector<64x2048xf32> to vector<8x2048xf32>
    %add3A_609 = arith.addf %slice3A_607, %slice3A_608 : vector<8x2048xf32>
    %slice3A_610 = vector.extract_strided_slice %add3A_606 {offsets = [16, 0], sizes = [8, 2048], strides = [1, 1]} : vector<64x2048xf32> to vector<8x2048xf32>
    %add3A_611 = arith.addf %add3A_609, %slice3A_610 : vector<8x2048xf32>
    %slice3A_612 = vector.extract_strided_slice %add3A_606 {offsets = [24, 0], sizes = [8, 2048], strides = [1, 1]} : vector<64x2048xf32> to vector<8x2048xf32>
    %add3A_613 = arith.addf %add3A_611, %slice3A_612 : vector<8x2048xf32>
    %slice3A_614 = vector.extract_strided_slice %add3A_606 {offsets = [32, 0], sizes = [8, 2048], strides = [1, 1]} : vector<64x2048xf32> to vector<8x2048xf32>
    %add3A_615 = arith.addf %add3A_613, %slice3A_614 : vector<8x2048xf32>
    %slice3A_616 = vector.extract_strided_slice %add3A_606 {offsets = [40, 0], sizes = [8, 2048], strides = [1, 1]} : vector<64x2048xf32> to vector<8x2048xf32>
    %add3A_617 = arith.addf %add3A_615, %slice3A_616 : vector<8x2048xf32>
    %slice3A_618 = vector.extract_strided_slice %add3A_606 {offsets = [48, 0], sizes = [8, 2048], strides = [1, 1]} : vector<64x2048xf32> to vector<8x2048xf32>
    %add3A_619 = arith.addf %add3A_617, %slice3A_618 : vector<8x2048xf32>
    %slice3A_620 = vector.extract_strided_slice %add3A_606 {offsets = [56, 0], sizes = [8, 2048], strides = [1, 1]} : vector<64x2048xf32> to vector<8x2048xf32>
    %add3A_621 = arith.addf %add3A_619, %slice3A_620 : vector<8x2048xf32>
    %reduce_sum3A_622 = arith.constant dense<0.000000e+00> : vector<2048xf32>
    %reduce_sum3A_623 = vector.multi_reduction <add>, %add3A_621, %reduce_sum3A_622 [0] : vector<8x2048xf32> to vector<2048xf32>
    %broadcast_in_dim3A_624 = vector.shape_cast %reduce_sum3A_623 : vector<2048xf32> to vector<1x2048xf32>
    %div3A_625 = arith.constant 6.400000e+01 : f32
    %div3A_626 = vector.broadcast %div3A_625 : f32 to vector<1x2048xf32>
    %div3A_627 = arith.divf %broadcast_in_dim3A_624, %div3A_626 : vector<1x2048xf32>
    %sub3A_628 = vector.broadcast %div3A_627 : vector<1x2048xf32> to vector<64x2048xf32>
    %sub3A_629 = arith.subf %add3A_606, %sub3A_628 : vector<64x2048xf32>
    %mul3A_630 = arith.mulf %sub3A_629, %sub3A_629 : vector<64x2048xf32>
    %slice3A_631 = vector.extract_strided_slice %mul3A_630 {offsets = [0, 0], sizes = [8, 2048], strides = [1, 1]} : vector<64x2048xf32> to vector<8x2048xf32>
    %slice3A_632 = vector.extract_strided_slice %mul3A_630 {offsets = [8, 0], sizes = [8, 2048], strides = [1, 1]} : vector<64x2048xf32> to vector<8x2048xf32>
    %add3A_633 = arith.addf %slice3A_631, %slice3A_632 : vector<8x2048xf32>
    %slice3A_634 = vector.extract_strided_slice %mul3A_630 {offsets = [16, 0], sizes = [8, 2048], strides = [1, 1]} : vector<64x2048xf32> to vector<8x2048xf32>
    %add3A_635 = arith.addf %add3A_633, %slice3A_634 : vector<8x2048xf32>
    %slice3A_636 = vector.extract_strided_slice %mul3A_630 {offsets = [24, 0], sizes = [8, 2048], strides = [1, 1]} : vector<64x2048xf32> to vector<8x2048xf32>
    %add3A_637 = arith.addf %add3A_635, %slice3A_636 : vector<8x2048xf32>
    %slice3A_638 = vector.extract_strided_slice %mul3A_630 {offsets = [32, 0], sizes = [8, 2048], strides = [1, 1]} : vector<64x2048xf32> to vector<8x2048xf32>
    %add3A_639 = arith.addf %add3A_637, %slice3A_638 : vector<8x2048xf32>
    %slice3A_640 = vector.extract_strided_slice %mul3A_630 {offsets = [40, 0], sizes = [8, 2048], strides = [1, 1]} : vector<64x2048xf32> to vector<8x2048xf32>
    %add3A_641 = arith.addf %add3A_639, %slice3A_640 : vector<8x2048xf32>
    %slice3A_642 = vector.extract_strided_slice %mul3A_630 {offsets = [48, 0], sizes = [8, 2048], strides = [1, 1]} : vector<64x2048xf32> to vector<8x2048xf32>
    %add3A_643 = arith.addf %add3A_641, %slice3A_642 : vector<8x2048xf32>
    %slice3A_644 = vector.extract_strided_slice %mul3A_630 {offsets = [56, 0], sizes = [8, 2048], strides = [1, 1]} : vector<64x2048xf32> to vector<8x2048xf32>
    %add3A_645 = arith.addf %add3A_643, %slice3A_644 : vector<8x2048xf32>
    %reduce_sum3A_646 = arith.constant dense<0.000000e+00> : vector<2048xf32>
    %reduce_sum3A_647 = vector.multi_reduction <add>, %add3A_645, %reduce_sum3A_646 [0] : vector<8x2048xf32> to vector<2048xf32>
    %broadcast_in_dim3A_648 = vector.shape_cast %reduce_sum3A_647 : vector<2048xf32> to vector<1x2048xf32>
    %div3A_649 = arith.constant 6.400000e+01 : f32
    %div3A_650 = vector.broadcast %div3A_649 : f32 to vector<1x2048xf32>
    %div3A_651 = arith.divf %broadcast_in_dim3A_648, %div3A_650 : vector<1x2048xf32>
    %add3A_652 = arith.constant 9.99999974E-6 : f32
    %add3A_653 = vector.broadcast %add3A_652 : f32 to vector<1x2048xf32>
    %add3A_654 = arith.addf %div3A_651, %add3A_653 : vector<1x2048xf32>
    %sqrt3A_655 = math.sqrt %add3A_654 : vector<1x2048xf32>
    %div3A_656 = vector.broadcast %sqrt3A_655 : vector<1x2048xf32> to vector<64x2048xf32>
    %div3A_657 = arith.divf %sub3A_629, %div3A_656 : vector<64x2048xf32>
    %get3A_658 = arith.constant 0 : index
    %get3A_659 = arith.constant 0 : index
    %get3A_660 = vector.load %arg6[%get3A_658, %get3A_659] : memref<64x1xf32, #tpu.memory_space<vmem>>, vector<64x1xf32>
    %mul3A_661 = vector.broadcast %get3A_660 : vector<64x1xf32> to vector<64x2048xf32>
    %mul3A_662 = arith.mulf %div3A_657, %mul3A_661 : vector<64x2048xf32>
    %get3A_663 = arith.constant 0 : index
    %get3A_664 = arith.constant 0 : index
    %get3A_665 = vector.load %arg7[%get3A_663, %get3A_664] : memref<64x1xf32, #tpu.memory_space<vmem>>, vector<64x1xf32>
    %add3A_666 = vector.broadcast %get3A_665 : vector<64x1xf32> to vector<64x2048xf32>
    %add3A_667 = arith.addf %mul3A_662, %add3A_666 : vector<64x2048xf32>
    %max3A_668 = arith.constant 0.000000e+00 : f32
    %max3A_669 = vector.broadcast %max3A_668 : f32 to vector<64x2048xf32>
    %max3A_670 = arith.maximumf %add3A_667, %max3A_669 : vector<64x2048xf32>
    %convert_element_type3A_671 = arith.truncf %max3A_670 : vector<64x2048xf32> to vector<64x2048xbf16>
    %dot_general3A_672 = arith.constant dense<0.000000e+00> : vector<1x2048xf32>
    %dot_general3A_673 = tpu.matmul %convert_element_type3A_9, %convert_element_type3A_671, %dot_general3A_672 {dimension_numbers = #tpu.dot_dimension_numbers<[1], [0], [0], [1], [0, 0, 1, 1], [], []>, transpose_lhs_hint = false} : vector<1x64xbf16>, vector<64x2048xbf16>, vector<1x2048xf32> -> vector<1x2048xf32>
    %get3A_674 = arith.constant 0 : index
    %get3A_675 = arith.constant 0 : index
    %get3A_676 = vector.load %arg9[%get3A_674, %get3A_675] : memref<1x1xf32, #tpu.memory_space<vmem>>, vector<1x1xf32>
    %add3A_677 = vector.broadcast %get3A_676 : vector<1x1xf32> to vector<1x2048xf32>
    %add3A_678 = arith.addf %dot_general3A_673, %add3A_677 : vector<1x2048xf32>
    %get3A_679 = arith.constant 3 : index
    %get3A_680 = arith.constant 0 : index
    %get3A_681 = vector.load %arg3[%get3A_679, %get3A_680] : memref<8x2048xf32, #tpu.memory_space<vmem>>, vector<1x2048xf32>
    %gt3A_682 = arith.constant 0.000000e+00 : f32
    %gt3A_683 = vector.broadcast %gt3A_682 : f32 to vector<1x2048xf32>
    %gt3A_684 = arith.cmpf ogt, %get3A_681, %gt3A_683 : vector<1x2048xf32>
    %jit3A_685 = arith.constant -9.99999995E+11 : f32
    %broadcast_in_dim3A_686 = vector.broadcast %jit3A_685 : f32 to vector<1x2048xf32>
    %select_n3A_687 = arith.select %gt3A_684, %add3A_678, %broadcast_in_dim3A_686 : vector<1x2048xi1>, vector<1x2048xf32>
    %reduce_max3A_688 = vector.shape_cast %select_n3A_687 : vector<1x2048xf32> to vector<1x1x2048xf32>
    %reduce_max3A_689 = arith.constant dense<0xFF800000> : vector<1xf32>
    %reduce_max3A_690 = vector.multi_reduction <maximumf>, %reduce_max3A_688, %reduce_max3A_689 [1, 2] : vector<1x1x2048xf32> to vector<1xf32>
    %reduce_max3A_691 = vector.shape_cast %reduce_max3A_690 : vector<1xf32> to vector<1x1x1xf32>
    %reduce_max3A_692 = vector.extract %reduce_max3A_691[0, 0, 0] : f32 from vector<1x1x1xf32>
    %sub3A_693 = vector.broadcast %reduce_max3A_692 : f32 to vector<1x2048xf32>
    %sub3A_694 = arith.subf %select_n3A_687, %sub3A_693 : vector<1x2048xf32>
    %exp3A_695 = math.exp %sub3A_694 : vector<1x2048xf32>
    %reduce_sum3A_696 = vector.shape_cast %exp3A_695 : vector<1x2048xf32> to vector<1x1x2048xf32>
    %reduce_sum3A_697 = arith.constant dense<0.000000e+00> : vector<1xf32>
    %reduce_sum3A_698 = vector.multi_reduction <add>, %reduce_sum3A_696, %reduce_sum3A_697 [1, 2] : vector<1x1x2048xf32> to vector<1xf32>
    %reduce_sum3A_699 = vector.shape_cast %reduce_sum3A_698 : vector<1xf32> to vector<1x1x1xf32>
    %reduce_sum3A_700 = vector.extract %reduce_sum3A_699[0, 0, 0] : f32 from vector<1x1x1xf32>
    %div3A_701 = vector.broadcast %reduce_sum3A_700 : f32 to vector<1x2048xf32>
    %div3A_702 = arith.divf %exp3A_695, %div3A_701 : vector<1x2048xf32>
    %swap3A_703 = arith.constant 3 : index
    %swap3A_704 = arith.constant 0 : index
    %swap3A_705 = vector.load %arg16[%swap3A_703, %swap3A_704] : memref<8x2048xf32, #tpu.memory_space<vmem>>, vector<1x2048xf32>
    tpu.vector_store %arg16[%swap3A_703, %swap3A_704], %div3A_702 {strides = array<i32>} : memref<8x2048xf32, #tpu.memory_space<vmem>>, vector<1x2048xf32>,
    %slice3A_706 = vector.extract_strided_slice %add3A_30 {offsets = [0, 3], sizes = [64, 1], strides = [1, 1]} : vector<64x8xf32> to vector<64x1xf32>
    %slice3A_707 = vector.extract_strided_slice %convert_element_type3A_5 {offsets = [0, 64], sizes = [64, 2], strides = [1, 1]} : vector<64x66xbf16> to vector<64x2xbf16>
    %dot_general3A_708 = arith.constant dense<0.000000e+00> : vector<64x2048xf32>
    %dot_general3A_709 = tpu.matmul %slice3A_707, %convert_element_type3A_600, %dot_general3A_708 {dimension_numbers = #tpu.dot_dimension_numbers<[1], [0], [0], [1], [0, 0, 1, 1], [], []>, transpose_lhs_hint = false} : vector<64x2xbf16>, vector<2x2048xbf16>, vector<64x2048xf32> -> vector<64x2048xf32>
    %add3A_710 = vector.broadcast %slice3A_706 : vector<64x1xf32> to vector<64x2048xf32>
    %add3A_711 = arith.addf %add3A_710, %dot_general3A_709 : vector<64x2048xf32>
    %slice3A_712 = vector.extract_strided_slice %add3A_711 {offsets = [0, 0], sizes = [8, 2048], strides = [1, 1]} : vector<64x2048xf32> to vector<8x2048xf32>
    %slice3A_713 = vector.extract_strided_slice %add3A_711 {offsets = [8, 0], sizes = [8, 2048], strides = [1, 1]} : vector<64x2048xf32> to vector<8x2048xf32>
    %add3A_714 = arith.addf %slice3A_712, %slice3A_713 : vector<8x2048xf32>
    %slice3A_715 = vector.extract_strided_slice %add3A_711 {offsets = [16, 0], sizes = [8, 2048], strides = [1, 1]} : vector<64x2048xf32> to vector<8x2048xf32>
    %add3A_716 = arith.addf %add3A_714, %slice3A_715 : vector<8x2048xf32>
    %slice3A_717 = vector.extract_strided_slice %add3A_711 {offsets = [24, 0], sizes = [8, 2048], strides = [1, 1]} : vector<64x2048xf32> to vector<8x2048xf32>
    %add3A_718 = arith.addf %add3A_716, %slice3A_717 : vector<8x2048xf32>
    %slice3A_719 = vector.extract_strided_slice %add3A_711 {offsets = [32, 0], sizes = [8, 2048], strides = [1, 1]} : vector<64x2048xf32> to vector<8x2048xf32>
    %add3A_720 = arith.addf %add3A_718, %slice3A_719 : vector<8x2048xf32>
    %slice3A_721 = vector.extract_strided_slice %add3A_711 {offsets = [40, 0], sizes = [8, 2048], strides = [1, 1]} : vector<64x2048xf32> to vector<8x2048xf32>
    %add3A_722 = arith.addf %add3A_720, %slice3A_721 : vector<8x2048xf32>
    %slice3A_723 = vector.extract_strided_slice %add3A_711 {offsets = [48, 0], sizes = [8, 2048], strides = [1, 1]} : vector<64x2048xf32> to vector<8x2048xf32>
    %add3A_724 = arith.addf %add3A_722, %slice3A_723 : vector<8x2048xf32>
    %slice3A_725 = vector.extract_strided_slice %add3A_711 {offsets = [56, 0], sizes = [8, 2048], strides = [1, 1]} : vector<64x2048xf32> to vector<8x2048xf32>
    %add3A_726 = arith.addf %add3A_724, %slice3A_725 : vector<8x2048xf32>
    %reduce_sum3A_727 = arith.constant dense<0.000000e+00> : vector<2048xf32>
    %reduce_sum3A_728 = vector.multi_reduction <add>, %add3A_726, %reduce_sum3A_727 [0] : vector<8x2048xf32> to vector<2048xf32>
    %broadcast_in_dim3A_729 = vector.shape_cast %reduce_sum3A_728 : vector<2048xf32> to vector<1x2048xf32>
    %div3A_730 = arith.constant 6.400000e+01 : f32
    %div3A_731 = vector.broadcast %div3A_730 : f32 to vector<1x2048xf32>
    %div3A_732 = arith.divf %broadcast_in_dim3A_729, %div3A_731 : vector<1x2048xf32>
    %sub3A_733 = vector.broadcast %div3A_732 : vector<1x2048xf32> to vector<64x2048xf32>
    %sub3A_734 = arith.subf %add3A_711, %sub3A_733 : vector<64x2048xf32>
    %mul3A_735 = arith.mulf %sub3A_734, %sub3A_734 : vector<64x2048xf32>
    %slice3A_736 = vector.extract_strided_slice %mul3A_735 {offsets = [0, 0], sizes = [8, 2048], strides = [1, 1]} : vector<64x2048xf32> to vector<8x2048xf32>
    %slice3A_737 = vector.extract_strided_slice %mul3A_735 {offsets = [8, 0], sizes = [8, 2048], strides = [1, 1]} : vector<64x2048xf32> to vector<8x2048xf32>
    %add3A_738 = arith.addf %slice3A_736, %slice3A_737 : vector<8x2048xf32>
    %slice3A_739 = vector.extract_strided_slice %mul3A_735 {offsets = [16, 0], sizes = [8, 2048], strides = [1, 1]} : vector<64x2048xf32> to vector<8x2048xf32>
    %add3A_740 = arith.addf %add3A_738, %slice3A_739 : vector<8x2048xf32>
    %slice3A_741 = vector.extract_strided_slice %mul3A_735 {offsets = [24, 0], sizes = [8, 2048], strides = [1, 1]} : vector<64x2048xf32> to vector<8x2048xf32>
    %add3A_742 = arith.addf %add3A_740, %slice3A_741 : vector<8x2048xf32>
    %slice3A_743 = vector.extract_strided_slice %mul3A_735 {offsets = [32, 0], sizes = [8, 2048], strides = [1, 1]} : vector<64x2048xf32> to vector<8x2048xf32>
    %add3A_744 = arith.addf %add3A_742, %slice3A_743 : vector<8x2048xf32>
    %slice3A_745 = vector.extract_strided_slice %mul3A_735 {offsets = [40, 0], sizes = [8, 2048], strides = [1, 1]} : vector<64x2048xf32> to vector<8x2048xf32>
    %add3A_746 = arith.addf %add3A_744, %slice3A_745 : vector<8x2048xf32>
    %slice3A_747 = vector.extract_strided_slice %mul3A_735 {offsets = [48, 0], sizes = [8, 2048], strides = [1, 1]} : vector<64x2048xf32> to vector<8x2048xf32>
    %add3A_748 = arith.addf %add3A_746, %slice3A_747 : vector<8x2048xf32>
    %slice3A_749 = vector.extract_strided_slice %mul3A_735 {offsets = [56, 0], sizes = [8, 2048], strides = [1, 1]} : vector<64x2048xf32> to vector<8x2048xf32>
    %add3A_750 = arith.addf %add3A_748, %slice3A_749 : vector<8x2048xf32>
    %reduce_sum3A_751 = arith.constant dense<0.000000e+00> : vector<2048xf32>
    %reduce_sum3A_752 = vector.multi_reduction <add>, %add3A_750, %reduce_sum3A_751 [0] : vector<8x2048xf32> to vector<2048xf32>
    %broadcast_in_dim3A_753 = vector.shape_cast %reduce_sum3A_752 : vector<2048xf32> to vector<1x2048xf32>
    %div3A_754 = arith.constant 6.400000e+01 : f32
    %div3A_755 = vector.broadcast %div3A_754 : f32 to vector<1x2048xf32>
    %div3A_756 = arith.divf %broadcast_in_dim3A_753, %div3A_755 : vector<1x2048xf32>
    %add3A_757 = arith.constant 9.99999974E-6 : f32
    %add3A_758 = vector.broadcast %add3A_757 : f32 to vector<1x2048xf32>
    %add3A_759 = arith.addf %div3A_756, %add3A_758 : vector<1x2048xf32>
    %sqrt3A_760 = math.sqrt %add3A_759 : vector<1x2048xf32>
    %div3A_761 = vector.broadcast %sqrt3A_760 : vector<1x2048xf32> to vector<64x2048xf32>
    %div3A_762 = arith.divf %sub3A_734, %div3A_761 : vector<64x2048xf32>
    %get3A_763 = arith.constant 0 : index
    %get3A_764 = arith.constant 0 : index
    %get3A_765 = vector.load %arg12[%get3A_763, %get3A_764] : memref<64x1xf32, #tpu.memory_space<vmem>>, vector<64x1xf32>
    %mul3A_766 = vector.broadcast %get3A_765 : vector<64x1xf32> to vector<64x2048xf32>
    %mul3A_767 = arith.mulf %div3A_762, %mul3A_766 : vector<64x2048xf32>
    %get3A_768 = arith.constant 0 : index
    %get3A_769 = arith.constant 0 : index
    %get3A_770 = vector.load %arg13[%get3A_768, %get3A_769] : memref<64x1xf32, #tpu.memory_space<vmem>>, vector<64x1xf32>
    %add3A_771 = vector.broadcast %get3A_770 : vector<64x1xf32> to vector<64x2048xf32>
    %add3A_772 = arith.addf %mul3A_767, %add3A_771 : vector<64x2048xf32>
    %max3A_773 = arith.constant 0.000000e+00 : f32
    %max3A_774 = vector.broadcast %max3A_773 : f32 to vector<64x2048xf32>
    %max3A_775 = arith.maximumf %add3A_772, %max3A_774 : vector<64x2048xf32>
    %convert_element_type3A_776 = arith.truncf %max3A_775 : vector<64x2048xf32> to vector<64x2048xbf16>
    %dot_general3A_777 = arith.constant dense<0.000000e+00> : vector<2x2048xf32>
    %dot_general3A_778 = tpu.matmul %convert_element_type3A_13, %convert_element_type3A_776, %dot_general3A_777 {dimension_numbers = #tpu.dot_dimension_numbers<[1], [0], [0], [1], [0, 0, 1, 1], [], []>, transpose_lhs_hint = false} : vector<2x64xbf16>, vector<64x2048xbf16>, vector<2x2048xf32> -> vector<2x2048xf32>
    %get3A_779 = arith.constant 0 : index
    %get3A_780 = arith.constant 0 : index
    %get3A_781 = vector.load %arg15[%get3A_779, %get3A_780] : memref<2x1xf32, #tpu.memory_space<vmem>>, vector<2x1xf32>
    %add3A_782 = vector.broadcast %get3A_781 : vector<2x1xf32> to vector<2x2048xf32>
    %add3A_783 = arith.addf %dot_general3A_778, %add3A_782 : vector<2x2048xf32>
    %swap3A_784 = arith.constant 3 : index
    %swap3A_785 = arith.constant 0 : index
    %swap3A_786 = arith.constant 0 : index
    %swap3A_787 = vector.load %arg17[%swap3A_784, %swap3A_785, %swap3A_786] : memref<8x2x2048xf32, #tpu.memory_space<vmem>>, vector<1x2x2048xf32>
    %swap3A_788 = vector.shape_cast %swap3A_787 : vector<1x2x2048xf32> to vector<2x2048xf32>
    %swap3A_789 = vector.shape_cast %add3A_783 : vector<2x2048xf32> to vector<1x2x2048xf32>
    tpu.vector_store %arg17[%swap3A_784, %swap3A_785, %swap3A_786], %swap3A_789 {strides = array<i32>} : memref<8x2x2048xf32, #tpu.memory_space<vmem>>, vector<1x2x2048xf32>,
    %get3A_790 = arith.constant 8 : index
    %get3A_791 = arith.constant 0 : index
    %get3A_792 = vector.load %arg2[%get3A_790, %get3A_791] : memref<16x2048xf32, #tpu.memory_space<vmem>>, vector<2x2048xf32>
    %convert_element_type3A_793 = arith.truncf %get3A_792 : vector<2x2048xf32> to vector<2x2048xbf16>
    %slice3A_794 = vector.extract_strided_slice %add3A_22 {offsets = [0, 4], sizes = [64, 1], strides = [1, 1]} : vector<64x8xf32> to vector<64x1xf32>
    %slice3A_795 = vector.extract_strided_slice %convert_element_type3A {offsets = [0, 64], sizes = [64, 2], strides = [1, 1]} : vector<64x66xbf16> to vector<64x2xbf16>
    %dot_general3A_796 = arith.constant dense<0.000000e+00> : vector<64x2048xf32>
    %dot_general3A_797 = tpu.matmul %slice3A_795, %convert_element_type3A_793, %dot_general3A_796 {dimension_numbers = #tpu.dot_dimension_numbers<[1], [0], [0], [1], [0, 0, 1, 1], [], []>, transpose_lhs_hint = false} : vector<64x2xbf16>, vector<2x2048xbf16>, vector<64x2048xf32> -> vector<64x2048xf32>
    %add3A_798 = vector.broadcast %slice3A_794 : vector<64x1xf32> to vector<64x2048xf32>
    %add3A_799 = arith.addf %add3A_798, %dot_general3A_797 : vector<64x2048xf32>
    %slice3A_800 = vector.extract_strided_slice %add3A_799 {offsets = [0, 0], sizes = [8, 2048], strides = [1, 1]} : vector<64x2048xf32> to vector<8x2048xf32>
    %slice3A_801 = vector.extract_strided_slice %add3A_799 {offsets = [8, 0], sizes = [8, 2048], strides = [1, 1]} : vector<64x2048xf32> to vector<8x2048xf32>
    %add3A_802 = arith.addf %slice3A_800, %slice3A_801 : vector<8x2048xf32>
    %slice3A_803 = vector.extract_strided_slice %add3A_799 {offsets = [16, 0], sizes = [8, 2048], strides = [1, 1]} : vector<64x2048xf32> to vector<8x2048xf32>
    %add3A_804 = arith.addf %add3A_802, %slice3A_803 : vector<8x2048xf32>
    %slice3A_805 = vector.extract_strided_slice %add3A_799 {offsets = [24, 0], sizes = [8, 2048], strides = [1, 1]} : vector<64x2048xf32> to vector<8x2048xf32>
    %add3A_806 = arith.addf %add3A_804, %slice3A_805 : vector<8x2048xf32>
    %slice3A_807 = vector.extract_strided_slice %add3A_799 {offsets = [32, 0], sizes = [8, 2048], strides = [1, 1]} : vector<64x2048xf32> to vector<8x2048xf32>
    %add3A_808 = arith.addf %add3A_806, %slice3A_807 : vector<8x2048xf32>
    %slice3A_809 = vector.extract_strided_slice %add3A_799 {offsets = [40, 0], sizes = [8, 2048], strides = [1, 1]} : vector<64x2048xf32> to vector<8x2048xf32>
    %add3A_810 = arith.addf %add3A_808, %slice3A_809 : vector<8x2048xf32>
    %slice3A_811 = vector.extract_strided_slice %add3A_799 {offsets = [48, 0], sizes = [8, 2048], strides = [1, 1]} : vector<64x2048xf32> to vector<8x2048xf32>
    %add3A_812 = arith.addf %add3A_810, %slice3A_811 : vector<8x2048xf32>
    %slice3A_813 = vector.extract_strided_slice %add3A_799 {offsets = [56, 0], sizes = [8, 2048], strides = [1, 1]} : vector<64x2048xf32> to vector<8x2048xf32>
    %add3A_814 = arith.addf %add3A_812, %slice3A_813 : vector<8x2048xf32>
    %reduce_sum3A_815 = arith.constant dense<0.000000e+00> : vector<2048xf32>
    %reduce_sum3A_816 = vector.multi_reduction <add>, %add3A_814, %reduce_sum3A_815 [0] : vector<8x2048xf32> to vector<2048xf32>
    %broadcast_in_dim3A_817 = vector.shape_cast %reduce_sum3A_816 : vector<2048xf32> to vector<1x2048xf32>
    %div3A_818 = arith.constant 6.400000e+01 : f32
    %div3A_819 = vector.broadcast %div3A_818 : f32 to vector<1x2048xf32>
    %div3A_820 = arith.divf %broadcast_in_dim3A_817, %div3A_819 : vector<1x2048xf32>
    %sub3A_821 = vector.broadcast %div3A_820 : vector<1x2048xf32> to vector<64x2048xf32>
    %sub3A_822 = arith.subf %add3A_799, %sub3A_821 : vector<64x2048xf32>
    %mul3A_823 = arith.mulf %sub3A_822, %sub3A_822 : vector<64x2048xf32>
    %slice3A_824 = vector.extract_strided_slice %mul3A_823 {offsets = [0, 0], sizes = [8, 2048], strides = [1, 1]} : vector<64x2048xf32> to vector<8x2048xf32>
    %slice3A_825 = vector.extract_strided_slice %mul3A_823 {offsets = [8, 0], sizes = [8, 2048], strides = [1, 1]} : vector<64x2048xf32> to vector<8x2048xf32>
    %add3A_826 = arith.addf %slice3A_824, %slice3A_825 : vector<8x2048xf32>
    %slice3A_827 = vector.extract_strided_slice %mul3A_823 {offsets = [16, 0], sizes = [8, 2048], strides = [1, 1]} : vector<64x2048xf32> to vector<8x2048xf32>
    %add3A_828 = arith.addf %add3A_826, %slice3A_827 : vector<8x2048xf32>
    %slice3A_829 = vector.extract_strided_slice %mul3A_823 {offsets = [24, 0], sizes = [8, 2048], strides = [1, 1]} : vector<64x2048xf32> to vector<8x2048xf32>
    %add3A_830 = arith.addf %add3A_828, %slice3A_829 : vector<8x2048xf32>
    %slice3A_831 = vector.extract_strided_slice %mul3A_823 {offsets = [32, 0], sizes = [8, 2048], strides = [1, 1]} : vector<64x2048xf32> to vector<8x2048xf32>
    %add3A_832 = arith.addf %add3A_830, %slice3A_831 : vector<8x2048xf32>
    %slice3A_833 = vector.extract_strided_slice %mul3A_823 {offsets = [40, 0], sizes = [8, 2048], strides = [1, 1]} : vector<64x2048xf32> to vector<8x2048xf32>
    %add3A_834 = arith.addf %add3A_832, %slice3A_833 : vector<8x2048xf32>
    %slice3A_835 = vector.extract_strided_slice %mul3A_823 {offsets = [48, 0], sizes = [8, 2048], strides = [1, 1]} : vector<64x2048xf32> to vector<8x2048xf32>
    %add3A_836 = arith.addf %add3A_834, %slice3A_835 : vector<8x2048xf32>
    %slice3A_837 = vector.extract_strided_slice %mul3A_823 {offsets = [56, 0], sizes = [8, 2048], strides = [1, 1]} : vector<64x2048xf32> to vector<8x2048xf32>
    %add3A_838 = arith.addf %add3A_836, %slice3A_837 : vector<8x2048xf32>
    %reduce_sum3A_839 = arith.constant dense<0.000000e+00> : vector<2048xf32>
    %reduce_sum3A_840 = vector.multi_reduction <add>, %add3A_838, %reduce_sum3A_839 [0] : vector<8x2048xf32> to vector<2048xf32>
    %broadcast_in_dim3A_841 = vector.shape_cast %reduce_sum3A_840 : vector<2048xf32> to vector<1x2048xf32>
    %div3A_842 = arith.constant 6.400000e+01 : f32
    %div3A_843 = vector.broadcast %div3A_842 : f32 to vector<1x2048xf32>
    %div3A_844 = arith.divf %broadcast_in_dim3A_841, %div3A_843 : vector<1x2048xf32>
    %add3A_845 = arith.constant 9.99999974E-6 : f32
    %add3A_846 = vector.broadcast %add3A_845 : f32 to vector<1x2048xf32>
    %add3A_847 = arith.addf %div3A_844, %add3A_846 : vector<1x2048xf32>
    %sqrt3A_848 = math.sqrt %add3A_847 : vector<1x2048xf32>
    %div3A_849 = vector.broadcast %sqrt3A_848 : vector<1x2048xf32> to vector<64x2048xf32>
    %div3A_850 = arith.divf %sub3A_822, %div3A_849 : vector<64x2048xf32>
    %get3A_851 = arith.constant 0 : index
    %get3A_852 = arith.constant 0 : index
    %get3A_853 = vector.load %arg6[%get3A_851, %get3A_852] : memref<64x1xf32, #tpu.memory_space<vmem>>, vector<64x1xf32>
    %mul3A_854 = vector.broadcast %get3A_853 : vector<64x1xf32> to vector<64x2048xf32>
    %mul3A_855 = arith.mulf %div3A_850, %mul3A_854 : vector<64x2048xf32>
    %get3A_856 = arith.constant 0 : index
    %get3A_857 = arith.constant 0 : index
    %get3A_858 = vector.load %arg7[%get3A_856, %get3A_857] : memref<64x1xf32, #tpu.memory_space<vmem>>, vector<64x1xf32>
    %add3A_859 = vector.broadcast %get3A_858 : vector<64x1xf32> to vector<64x2048xf32>
    %add3A_860 = arith.addf %mul3A_855, %add3A_859 : vector<64x2048xf32>
    %max3A_861 = arith.constant 0.000000e+00 : f32
    %max3A_862 = vector.broadcast %max3A_861 : f32 to vector<64x2048xf32>
    %max3A_863 = arith.maximumf %add3A_860, %max3A_862 : vector<64x2048xf32>
    %convert_element_type3A_864 = arith.truncf %max3A_863 : vector<64x2048xf32> to vector<64x2048xbf16>
    %dot_general3A_865 = arith.constant dense<0.000000e+00> : vector<1x2048xf32>
    %dot_general3A_866 = tpu.matmul %convert_element_type3A_9, %convert_element_type3A_864, %dot_general3A_865 {dimension_numbers = #tpu.dot_dimension_numbers<[1], [0], [0], [1], [0, 0, 1, 1], [], []>, transpose_lhs_hint = false} : vector<1x64xbf16>, vector<64x2048xbf16>, vector<1x2048xf32> -> vector<1x2048xf32>
    %get3A_867 = arith.constant 0 : index
    %get3A_868 = arith.constant 0 : index
    %get3A_869 = vector.load %arg9[%get3A_867, %get3A_868] : memref<1x1xf32, #tpu.memory_space<vmem>>, vector<1x1xf32>
    %add3A_870 = vector.broadcast %get3A_869 : vector<1x1xf32> to vector<1x2048xf32>
    %add3A_871 = arith.addf %dot_general3A_866, %add3A_870 : vector<1x2048xf32>
    %get3A_872 = arith.constant 4 : index
    %get3A_873 = arith.constant 0 : index
    %get3A_874 = vector.load %arg3[%get3A_872, %get3A_873] : memref<8x2048xf32, #tpu.memory_space<vmem>>, vector<1x2048xf32>
    %gt3A_875 = arith.constant 0.000000e+00 : f32
    %gt3A_876 = vector.broadcast %gt3A_875 : f32 to vector<1x2048xf32>
    %gt3A_877 = arith.cmpf ogt, %get3A_874, %gt3A_876 : vector<1x2048xf32>
    %jit3A_878 = arith.constant -9.99999995E+11 : f32
    %broadcast_in_dim3A_879 = vector.broadcast %jit3A_878 : f32 to vector<1x2048xf32>
    %select_n3A_880 = arith.select %gt3A_877, %add3A_871, %broadcast_in_dim3A_879 : vector<1x2048xi1>, vector<1x2048xf32>
    %reduce_max3A_881 = vector.shape_cast %select_n3A_880 : vector<1x2048xf32> to vector<1x1x2048xf32>
    %reduce_max3A_882 = arith.constant dense<0xFF800000> : vector<1xf32>
    %reduce_max3A_883 = vector.multi_reduction <maximumf>, %reduce_max3A_881, %reduce_max3A_882 [1, 2] : vector<1x1x2048xf32> to vector<1xf32>
    %reduce_max3A_884 = vector.shape_cast %reduce_max3A_883 : vector<1xf32> to vector<1x1x1xf32>
    %reduce_max3A_885 = vector.extract %reduce_max3A_884[0, 0, 0] : f32 from vector<1x1x1xf32>
    %sub3A_886 = vector.broadcast %reduce_max3A_885 : f32 to vector<1x2048xf32>
    %sub3A_887 = arith.subf %select_n3A_880, %sub3A_886 : vector<1x2048xf32>
    %exp3A_888 = math.exp %sub3A_887 : vector<1x2048xf32>
    %reduce_sum3A_889 = vector.shape_cast %exp3A_888 : vector<1x2048xf32> to vector<1x1x2048xf32>
    %reduce_sum3A_890 = arith.constant dense<0.000000e+00> : vector<1xf32>
    %reduce_sum3A_891 = vector.multi_reduction <add>, %reduce_sum3A_889, %reduce_sum3A_890 [1, 2] : vector<1x1x2048xf32> to vector<1xf32>
    %reduce_sum3A_892 = vector.shape_cast %reduce_sum3A_891 : vector<1xf32> to vector<1x1x1xf32>
    %reduce_sum3A_893 = vector.extract %reduce_sum3A_892[0, 0, 0] : f32 from vector<1x1x1xf32>
    %div3A_894 = vector.broadcast %reduce_sum3A_893 : f32 to vector<1x2048xf32>
    %div3A_895 = arith.divf %exp3A_888, %div3A_894 : vector<1x2048xf32>
    %swap3A_896 = arith.constant 4 : index
    %swap3A_897 = arith.constant 0 : index
    %swap3A_898 = vector.load %arg16[%swap3A_896, %swap3A_897] : memref<8x2048xf32, #tpu.memory_space<vmem>>, vector<1x2048xf32>
    tpu.vector_store %arg16[%swap3A_896, %swap3A_897], %div3A_895 {strides = array<i32>} : memref<8x2048xf32, #tpu.memory_space<vmem>>, vector<1x2048xf32>,
    %slice3A_899 = vector.extract_strided_slice %add3A_30 {offsets = [0, 4], sizes = [64, 1], strides = [1, 1]} : vector<64x8xf32> to vector<64x1xf32>
    %slice3A_900 = vector.extract_strided_slice %convert_element_type3A_5 {offsets = [0, 64], sizes = [64, 2], strides = [1, 1]} : vector<64x66xbf16> to vector<64x2xbf16>
    %dot_general3A_901 = arith.constant dense<0.000000e+00> : vector<64x2048xf32>
    %dot_general3A_902 = tpu.matmul %slice3A_900, %convert_element_type3A_793, %dot_general3A_901 {dimension_numbers = #tpu.dot_dimension_numbers<[1], [0], [0], [1], [0, 0, 1, 1], [], []>, transpose_lhs_hint = false} : vector<64x2xbf16>, vector<2x2048xbf16>, vector<64x2048xf32> -> vector<64x2048xf32>
    %add3A_903 = vector.broadcast %slice3A_899 : vector<64x1xf32> to vector<64x2048xf32>
    %add3A_904 = arith.addf %add3A_903, %dot_general3A_902 : vector<64x2048xf32>
    %slice3A_905 = vector.extract_strided_slice %add3A_904 {offsets = [0, 0], sizes = [8, 2048], strides = [1, 1]} : vector<64x2048xf32> to vector<8x2048xf32>
    %slice3A_906 = vector.extract_strided_slice %add3A_904 {offsets = [8, 0], sizes = [8, 2048], strides = [1, 1]} : vector<64x2048xf32> to vector<8x2048xf32>
    %add3A_907 = arith.addf %slice3A_905, %slice3A_906 : vector<8x2048xf32>
    %slice3A_908 = vector.extract_strided_slice %add3A_904 {offsets = [16, 0], sizes = [8, 2048], strides = [1, 1]} : vector<64x2048xf32> to vector<8x2048xf32>
    %add3A_909 = arith.addf %add3A_907, %slice3A_908 : vector<8x2048xf32>
    %slice3A_910 = vector.extract_strided_slice %add3A_904 {offsets = [24, 0], sizes = [8, 2048], strides = [1, 1]} : vector<64x2048xf32> to vector<8x2048xf32>
    %add3A_911 = arith.addf %add3A_909, %slice3A_910 : vector<8x2048xf32>
    %slice3A_912 = vector.extract_strided_slice %add3A_904 {offsets = [32, 0], sizes = [8, 2048], strides = [1, 1]} : vector<64x2048xf32> to vector<8x2048xf32>
    %add3A_913 = arith.addf %add3A_911, %slice3A_912 : vector<8x2048xf32>
    %slice3A_914 = vector.extract_strided_slice %add3A_904 {offsets = [40, 0], sizes = [8, 2048], strides = [1, 1]} : vector<64x2048xf32> to vector<8x2048xf32>
    %add3A_915 = arith.addf %add3A_913, %slice3A_914 : vector<8x2048xf32>
    %slice3A_916 = vector.extract_strided_slice %add3A_904 {offsets = [48, 0], sizes = [8, 2048], strides = [1, 1]} : vector<64x2048xf32> to vector<8x2048xf32>
    %add3A_917 = arith.addf %add3A_915, %slice3A_916 : vector<8x2048xf32>
    %slice3A_918 = vector.extract_strided_slice %add3A_904 {offsets = [56, 0], sizes = [8, 2048], strides = [1, 1]} : vector<64x2048xf32> to vector<8x2048xf32>
    %add3A_919 = arith.addf %add3A_917, %slice3A_918 : vector<8x2048xf32>
    %reduce_sum3A_920 = arith.constant dense<0.000000e+00> : vector<2048xf32>
    %reduce_sum3A_921 = vector.multi_reduction <add>, %add3A_919, %reduce_sum3A_920 [0] : vector<8x2048xf32> to vector<2048xf32>
    %broadcast_in_dim3A_922 = vector.shape_cast %reduce_sum3A_921 : vector<2048xf32> to vector<1x2048xf32>
    %div3A_923 = arith.constant 6.400000e+01 : f32
    %div3A_924 = vector.broadcast %div3A_923 : f32 to vector<1x2048xf32>
    %div3A_925 = arith.divf %broadcast_in_dim3A_922, %div3A_924 : vector<1x2048xf32>
    %sub3A_926 = vector.broadcast %div3A_925 : vector<1x2048xf32> to vector<64x2048xf32>
    %sub3A_927 = arith.subf %add3A_904, %sub3A_926 : vector<64x2048xf32>
    %mul3A_928 = arith.mulf %sub3A_927, %sub3A_927 : vector<64x2048xf32>
    %slice3A_929 = vector.extract_strided_slice %mul3A_928 {offsets = [0, 0], sizes = [8, 2048], strides = [1, 1]} : vector<64x2048xf32> to vector<8x2048xf32>
    %slice3A_930 = vector.extract_strided_slice %mul3A_928 {offsets = [8, 0], sizes = [8, 2048], strides = [1, 1]} : vector<64x2048xf32> to vector<8x2048xf32>
    %add3A_931 = arith.addf %slice3A_929, %slice3A_930 : vector<8x2048xf32>
    %slice3A_932 = vector.extract_strided_slice %mul3A_928 {offsets = [16, 0], sizes = [8, 2048], strides = [1, 1]} : vector<64x2048xf32> to vector<8x2048xf32>
    %add3A_933 = arith.addf %add3A_931, %slice3A_932 : vector<8x2048xf32>
    %slice3A_934 = vector.extract_strided_slice %mul3A_928 {offsets = [24, 0], sizes = [8, 2048], strides = [1, 1]} : vector<64x2048xf32> to vector<8x2048xf32>
    %add3A_935 = arith.addf %add3A_933, %slice3A_934 : vector<8x2048xf32>
    %slice3A_936 = vector.extract_strided_slice %mul3A_928 {offsets = [32, 0], sizes = [8, 2048], strides = [1, 1]} : vector<64x2048xf32> to vector<8x2048xf32>
    %add3A_937 = arith.addf %add3A_935, %slice3A_936 : vector<8x2048xf32>
    %slice3A_938 = vector.extract_strided_slice %mul3A_928 {offsets = [40, 0], sizes = [8, 2048], strides = [1, 1]} : vector<64x2048xf32> to vector<8x2048xf32>
    %add3A_939 = arith.addf %add3A_937, %slice3A_938 : vector<8x2048xf32>
    %slice3A_940 = vector.extract_strided_slice %mul3A_928 {offsets = [48, 0], sizes = [8, 2048], strides = [1, 1]} : vector<64x2048xf32> to vector<8x2048xf32>
    %add3A_941 = arith.addf %add3A_939, %slice3A_940 : vector<8x2048xf32>
    %slice3A_942 = vector.extract_strided_slice %mul3A_928 {offsets = [56, 0], sizes = [8, 2048], strides = [1, 1]} : vector<64x2048xf32> to vector<8x2048xf32>
    %add3A_943 = arith.addf %add3A_941, %slice3A_942 : vector<8x2048xf32>
    %reduce_sum3A_944 = arith.constant dense<0.000000e+00> : vector<2048xf32>
    %reduce_sum3A_945 = vector.multi_reduction <add>, %add3A_943, %reduce_sum3A_944 [0] : vector<8x2048xf32> to vector<2048xf32>
    %broadcast_in_dim3A_946 = vector.shape_cast %reduce_sum3A_945 : vector<2048xf32> to vector<1x2048xf32>
    %div3A_947 = arith.constant 6.400000e+01 : f32
    %div3A_948 = vector.broadcast %div3A_947 : f32 to vector<1x2048xf32>
    %div3A_949 = arith.divf %broadcast_in_dim3A_946, %div3A_948 : vector<1x2048xf32>
    %add3A_950 = arith.constant 9.99999974E-6 : f32
    %add3A_951 = vector.broadcast %add3A_950 : f32 to vector<1x2048xf32>
    %add3A_952 = arith.addf %div3A_949, %add3A_951 : vector<1x2048xf32>
    %sqrt3A_953 = math.sqrt %add3A_952 : vector<1x2048xf32>
    %div3A_954 = vector.broadcast %sqrt3A_953 : vector<1x2048xf32> to vector<64x2048xf32>
    %div3A_955 = arith.divf %sub3A_927, %div3A_954 : vector<64x2048xf32>
    %get3A_956 = arith.constant 0 : index
    %get3A_957 = arith.constant 0 : index
    %get3A_958 = vector.load %arg12[%get3A_956, %get3A_957] : memref<64x1xf32, #tpu.memory_space<vmem>>, vector<64x1xf32>
    %mul3A_959 = vector.broadcast %get3A_958 : vector<64x1xf32> to vector<64x2048xf32>
    %mul3A_960 = arith.mulf %div3A_955, %mul3A_959 : vector<64x2048xf32>
    %get3A_961 = arith.constant 0 : index
    %get3A_962 = arith.constant 0 : index
    %get3A_963 = vector.load %arg13[%get3A_961, %get3A_962] : memref<64x1xf32, #tpu.memory_space<vmem>>, vector<64x1xf32>
    %add3A_964 = vector.broadcast %get3A_963 : vector<64x1xf32> to vector<64x2048xf32>
    %add3A_965 = arith.addf %mul3A_960, %add3A_964 : vector<64x2048xf32>
    %max3A_966 = arith.constant 0.000000e+00 : f32
    %max3A_967 = vector.broadcast %max3A_966 : f32 to vector<64x2048xf32>
    %max3A_968 = arith.maximumf %add3A_965, %max3A_967 : vector<64x2048xf32>
    %convert_element_type3A_969 = arith.truncf %max3A_968 : vector<64x2048xf32> to vector<64x2048xbf16>
    %dot_general3A_970 = arith.constant dense<0.000000e+00> : vector<2x2048xf32>
    %dot_general3A_971 = tpu.matmul %convert_element_type3A_13, %convert_element_type3A_969, %dot_general3A_970 {dimension_numbers = #tpu.dot_dimension_numbers<[1], [0], [0], [1], [0, 0, 1, 1], [], []>, transpose_lhs_hint = false} : vector<2x64xbf16>, vector<64x2048xbf16>, vector<2x2048xf32> -> vector<2x2048xf32>
    %get3A_972 = arith.constant 0 : index
    %get3A_973 = arith.constant 0 : index
    %get3A_974 = vector.load %arg15[%get3A_972, %get3A_973] : memref<2x1xf32, #tpu.memory_space<vmem>>, vector<2x1xf32>
    %add3A_975 = vector.broadcast %get3A_974 : vector<2x1xf32> to vector<2x2048xf32>
    %add3A_976 = arith.addf %dot_general3A_971, %add3A_975 : vector<2x2048xf32>
    %swap3A_977 = arith.constant 4 : index
    %swap3A_978 = arith.constant 0 : index
    %swap3A_979 = arith.constant 0 : index
    %swap3A_980 = vector.load %arg17[%swap3A_977, %swap3A_978, %swap3A_979] : memref<8x2x2048xf32, #tpu.memory_space<vmem>>, vector<1x2x2048xf32>
    %swap3A_981 = vector.shape_cast %swap3A_980 : vector<1x2x2048xf32> to vector<2x2048xf32>
    %swap3A_982 = vector.shape_cast %add3A_976 : vector<2x2048xf32> to vector<1x2x2048xf32>
    tpu.vector_store %arg17[%swap3A_977, %swap3A_978, %swap3A_979], %swap3A_982 {strides = array<i32>} : memref<8x2x2048xf32, #tpu.memory_space<vmem>>, vector<1x2x2048xf32>,
    %get3A_983 = arith.constant 10 : index
    %get3A_984 = arith.constant 0 : index
    %get3A_985 = vector.load %arg2[%get3A_983, %get3A_984] : memref<16x2048xf32, #tpu.memory_space<vmem>>, vector<2x2048xf32>
    %convert_element_type3A_986 = arith.truncf %get3A_985 : vector<2x2048xf32> to vector<2x2048xbf16>
    %slice3A_987 = vector.extract_strided_slice %add3A_22 {offsets = [0, 5], sizes = [64, 1], strides = [1, 1]} : vector<64x8xf32> to vector<64x1xf32>
    %slice3A_988 = vector.extract_strided_slice %convert_element_type3A {offsets = [0, 64], sizes = [64, 2], strides = [1, 1]} : vector<64x66xbf16> to vector<64x2xbf16>
    %dot_general3A_989 = arith.constant dense<0.000000e+00> : vector<64x2048xf32>
    %dot_general3A_990 = tpu.matmul %slice3A_988, %convert_element_type3A_986, %dot_general3A_989 {dimension_numbers = #tpu.dot_dimension_numbers<[1], [0], [0], [1], [0, 0, 1, 1], [], []>, transpose_lhs_hint = false} : vector<64x2xbf16>, vector<2x2048xbf16>, vector<64x2048xf32> -> vector<64x2048xf32>
    %add3A_991 = vector.broadcast %slice3A_987 : vector<64x1xf32> to vector<64x2048xf32>
    %add3A_992 = arith.addf %add3A_991, %dot_general3A_990 : vector<64x2048xf32>
    %slice3A_993 = vector.extract_strided_slice %add3A_992 {offsets = [0, 0], sizes = [8, 2048], strides = [1, 1]} : vector<64x2048xf32> to vector<8x2048xf32>
    %slice3A_994 = vector.extract_strided_slice %add3A_992 {offsets = [8, 0], sizes = [8, 2048], strides = [1, 1]} : vector<64x2048xf32> to vector<8x2048xf32>
    %add3A_995 = arith.addf %slice3A_993, %slice3A_994 : vector<8x2048xf32>
    %slice3A_996 = vector.extract_strided_slice %add3A_992 {offsets = [16, 0], sizes = [8, 2048], strides = [1, 1]} : vector<64x2048xf32> to vector<8x2048xf32>
    %add3A_997 = arith.addf %add3A_995, %slice3A_996 : vector<8x2048xf32>
    %slice3A_998 = vector.extract_strided_slice %add3A_992 {offsets = [24, 0], sizes = [8, 2048], strides = [1, 1]} : vector<64x2048xf32> to vector<8x2048xf32>
    %add3A_999 = arith.addf %add3A_997, %slice3A_998 : vector<8x2048xf32>
    %slice3A_1000 = vector.extract_strided_slice %add3A_992 {offsets = [32, 0], sizes = [8, 2048], strides = [1, 1]} : vector<64x2048xf32> to vector<8x2048xf32>
    %add3A_1001 = arith.addf %add3A_999, %slice3A_1000 : vector<8x2048xf32>
    %slice3A_1002 = vector.extract_strided_slice %add3A_992 {offsets = [40, 0], sizes = [8, 2048], strides = [1, 1]} : vector<64x2048xf32> to vector<8x2048xf32>
    %add3A_1003 = arith.addf %add3A_1001, %slice3A_1002 : vector<8x2048xf32>
    %slice3A_1004 = vector.extract_strided_slice %add3A_992 {offsets = [48, 0], sizes = [8, 2048], strides = [1, 1]} : vector<64x2048xf32> to vector<8x2048xf32>
    %add3A_1005 = arith.addf %add3A_1003, %slice3A_1004 : vector<8x2048xf32>
    %slice3A_1006 = vector.extract_strided_slice %add3A_992 {offsets = [56, 0], sizes = [8, 2048], strides = [1, 1]} : vector<64x2048xf32> to vector<8x2048xf32>
    %add3A_1007 = arith.addf %add3A_1005, %slice3A_1006 : vector<8x2048xf32>
    %reduce_sum3A_1008 = arith.constant dense<0.000000e+00> : vector<2048xf32>
    %reduce_sum3A_1009 = vector.multi_reduction <add>, %add3A_1007, %reduce_sum3A_1008 [0] : vector<8x2048xf32> to vector<2048xf32>
    %broadcast_in_dim3A_1010 = vector.shape_cast %reduce_sum3A_1009 : vector<2048xf32> to vector<1x2048xf32>
    %div3A_1011 = arith.constant 6.400000e+01 : f32
    %div3A_1012 = vector.broadcast %div3A_1011 : f32 to vector<1x2048xf32>
    %div3A_1013 = arith.divf %broadcast_in_dim3A_1010, %div3A_1012 : vector<1x2048xf32>
    %sub3A_1014 = vector.broadcast %div3A_1013 : vector<1x2048xf32> to vector<64x2048xf32>
    %sub3A_1015 = arith.subf %add3A_992, %sub3A_1014 : vector<64x2048xf32>
    %mul3A_1016 = arith.mulf %sub3A_1015, %sub3A_1015 : vector<64x2048xf32>
    %slice3A_1017 = vector.extract_strided_slice %mul3A_1016 {offsets = [0, 0], sizes = [8, 2048], strides = [1, 1]} : vector<64x2048xf32> to vector<8x2048xf32>
    %slice3A_1018 = vector.extract_strided_slice %mul3A_1016 {offsets = [8, 0], sizes = [8, 2048], strides = [1, 1]} : vector<64x2048xf32> to vector<8x2048xf32>
    %add3A_1019 = arith.addf %slice3A_1017, %slice3A_1018 : vector<8x2048xf32>
    %slice3A_1020 = vector.extract_strided_slice %mul3A_1016 {offsets = [16, 0], sizes = [8, 2048], strides = [1, 1]} : vector<64x2048xf32> to vector<8x2048xf32>
    %add3A_1021 = arith.addf %add3A_1019, %slice3A_1020 : vector<8x2048xf32>
    %slice3A_1022 = vector.extract_strided_slice %mul3A_1016 {offsets = [24, 0], sizes = [8, 2048], strides = [1, 1]} : vector<64x2048xf32> to vector<8x2048xf32>
    %add3A_1023 = arith.addf %add3A_1021, %slice3A_1022 : vector<8x2048xf32>
    %slice3A_1024 = vector.extract_strided_slice %mul3A_1016 {offsets = [32, 0], sizes = [8, 2048], strides = [1, 1]} : vector<64x2048xf32> to vector<8x2048xf32>
    %add3A_1025 = arith.addf %add3A_1023, %slice3A_1024 : vector<8x2048xf32>
    %slice3A_1026 = vector.extract_strided_slice %mul3A_1016 {offsets = [40, 0], sizes = [8, 2048], strides = [1, 1]} : vector<64x2048xf32> to vector<8x2048xf32>
    %add3A_1027 = arith.addf %add3A_1025, %slice3A_1026 : vector<8x2048xf32>
    %slice3A_1028 = vector.extract_strided_slice %mul3A_1016 {offsets = [48, 0], sizes = [8, 2048], strides = [1, 1]} : vector<64x2048xf32> to vector<8x2048xf32>
    %add3A_1029 = arith.addf %add3A_1027, %slice3A_1028 : vector<8x2048xf32>
    %slice3A_1030 = vector.extract_strided_slice %mul3A_1016 {offsets = [56, 0], sizes = [8, 2048], strides = [1, 1]} : vector<64x2048xf32> to vector<8x2048xf32>
    %add3A_1031 = arith.addf %add3A_1029, %slice3A_1030 : vector<8x2048xf32>
    %reduce_sum3A_1032 = arith.constant dense<0.000000e+00> : vector<2048xf32>
    %reduce_sum3A_1033 = vector.multi_reduction <add>, %add3A_1031, %reduce_sum3A_1032 [0] : vector<8x2048xf32> to vector<2048xf32>
    %broadcast_in_dim3A_1034 = vector.shape_cast %reduce_sum3A_1033 : vector<2048xf32> to vector<1x2048xf32>
    %div3A_1035 = arith.constant 6.400000e+01 : f32
    %div3A_1036 = vector.broadcast %div3A_1035 : f32 to vector<1x2048xf32>
    %div3A_1037 = arith.divf %broadcast_in_dim3A_1034, %div3A_1036 : vector<1x2048xf32>
    %add3A_1038 = arith.constant 9.99999974E-6 : f32
    %add3A_1039 = vector.broadcast %add3A_1038 : f32 to vector<1x2048xf32>
    %add3A_1040 = arith.addf %div3A_1037, %add3A_1039 : vector<1x2048xf32>
    %sqrt3A_1041 = math.sqrt %add3A_1040 : vector<1x2048xf32>
    %div3A_1042 = vector.broadcast %sqrt3A_1041 : vector<1x2048xf32> to vector<64x2048xf32>
    %div3A_1043 = arith.divf %sub3A_1015, %div3A_1042 : vector<64x2048xf32>
    %get3A_1044 = arith.constant 0 : index
    %get3A_1045 = arith.constant 0 : index
    %get3A_1046 = vector.load %arg6[%get3A_1044, %get3A_1045] : memref<64x1xf32, #tpu.memory_space<vmem>>, vector<64x1xf32>
    %mul3A_1047 = vector.broadcast %get3A_1046 : vector<64x1xf32> to vector<64x2048xf32>
    %mul3A_1048 = arith.mulf %div3A_1043, %mul3A_1047 : vector<64x2048xf32>
    %get3A_1049 = arith.constant 0 : index
    %get3A_1050 = arith.constant 0 : index
    %get3A_1051 = vector.load %arg7[%get3A_1049, %get3A_1050] : memref<64x1xf32, #tpu.memory_space<vmem>>, vector<64x1xf32>
    %add3A_1052 = vector.broadcast %get3A_1051 : vector<64x1xf32> to vector<64x2048xf32>
    %add3A_1053 = arith.addf %mul3A_1048, %add3A_1052 : vector<64x2048xf32>
    %max3A_1054 = arith.constant 0.000000e+00 : f32
    %max3A_1055 = vector.broadcast %max3A_1054 : f32 to vector<64x2048xf32>
    %max3A_1056 = arith.maximumf %add3A_1053, %max3A_1055 : vector<64x2048xf32>
    %convert_element_type3A_1057 = arith.truncf %max3A_1056 : vector<64x2048xf32> to vector<64x2048xbf16>
    %dot_general3A_1058 = arith.constant dense<0.000000e+00> : vector<1x2048xf32>
    %dot_general3A_1059 = tpu.matmul %convert_element_type3A_9, %convert_element_type3A_1057, %dot_general3A_1058 {dimension_numbers = #tpu.dot_dimension_numbers<[1], [0], [0], [1], [0, 0, 1, 1], [], []>, transpose_lhs_hint = false} : vector<1x64xbf16>, vector<64x2048xbf16>, vector<1x2048xf32> -> vector<1x2048xf32>
    %get3A_1060 = arith.constant 0 : index
    %get3A_1061 = arith.constant 0 : index
    %get3A_1062 = vector.load %arg9[%get3A_1060, %get3A_1061] : memref<1x1xf32, #tpu.memory_space<vmem>>, vector<1x1xf32>
    %add3A_1063 = vector.broadcast %get3A_1062 : vector<1x1xf32> to vector<1x2048xf32>
    %add3A_1064 = arith.addf %dot_general3A_1059, %add3A_1063 : vector<1x2048xf32>
    %get3A_1065 = arith.constant 5 : index
    %get3A_1066 = arith.constant 0 : index
    %get3A_1067 = vector.load %arg3[%get3A_1065, %get3A_1066] : memref<8x2048xf32, #tpu.memory_space<vmem>>, vector<1x2048xf32>
    %gt3A_1068 = arith.constant 0.000000e+00 : f32
    %gt3A_1069 = vector.broadcast %gt3A_1068 : f32 to vector<1x2048xf32>
    %gt3A_1070 = arith.cmpf ogt, %get3A_1067, %gt3A_1069 : vector<1x2048xf32>
    %jit3A_1071 = arith.constant -9.99999995E+11 : f32
    %broadcast_in_dim3A_1072 = vector.broadcast %jit3A_1071 : f32 to vector<1x2048xf32>
    %select_n3A_1073 = arith.select %gt3A_1070, %add3A_1064, %broadcast_in_dim3A_1072 : vector<1x2048xi1>, vector<1x2048xf32>
    %reduce_max3A_1074 = vector.shape_cast %select_n3A_1073 : vector<1x2048xf32> to vector<1x1x2048xf32>
    %reduce_max3A_1075 = arith.constant dense<0xFF800000> : vector<1xf32>
    %reduce_max3A_1076 = vector.multi_reduction <maximumf>, %reduce_max3A_1074, %reduce_max3A_1075 [1, 2] : vector<1x1x2048xf32> to vector<1xf32>
    %reduce_max3A_1077 = vector.shape_cast %reduce_max3A_1076 : vector<1xf32> to vector<1x1x1xf32>
    %reduce_max3A_1078 = vector.extract %reduce_max3A_1077[0, 0, 0] : f32 from vector<1x1x1xf32>
    %sub3A_1079 = vector.broadcast %reduce_max3A_1078 : f32 to vector<1x2048xf32>
    %sub3A_1080 = arith.subf %select_n3A_1073, %sub3A_1079 : vector<1x2048xf32>
    %exp3A_1081 = math.exp %sub3A_1080 : vector<1x2048xf32>
    %reduce_sum3A_1082 = vector.shape_cast %exp3A_1081 : vector<1x2048xf32> to vector<1x1x2048xf32>
    %reduce_sum3A_1083 = arith.constant dense<0.000000e+00> : vector<1xf32>
    %reduce_sum3A_1084 = vector.multi_reduction <add>, %reduce_sum3A_1082, %reduce_sum3A_1083 [1, 2] : vector<1x1x2048xf32> to vector<1xf32>
    %reduce_sum3A_1085 = vector.shape_cast %reduce_sum3A_1084 : vector<1xf32> to vector<1x1x1xf32>
    %reduce_sum3A_1086 = vector.extract %reduce_sum3A_1085[0, 0, 0] : f32 from vector<1x1x1xf32>
    %div3A_1087 = vector.broadcast %reduce_sum3A_1086 : f32 to vector<1x2048xf32>
    %div3A_1088 = arith.divf %exp3A_1081, %div3A_1087 : vector<1x2048xf32>
    %swap3A_1089 = arith.constant 5 : index
    %swap3A_1090 = arith.constant 0 : index
    %swap3A_1091 = vector.load %arg16[%swap3A_1089, %swap3A_1090] : memref<8x2048xf32, #tpu.memory_space<vmem>>, vector<1x2048xf32>
    tpu.vector_store %arg16[%swap3A_1089, %swap3A_1090], %div3A_1088 {strides = array<i32>} : memref<8x2048xf32, #tpu.memory_space<vmem>>, vector<1x2048xf32>,
    %slice3A_1092 = vector.extract_strided_slice %add3A_30 {offsets = [0, 5], sizes = [64, 1], strides = [1, 1]} : vector<64x8xf32> to vector<64x1xf32>
    %slice3A_1093 = vector.extract_strided_slice %convert_element_type3A_5 {offsets = [0, 64], sizes = [64, 2], strides = [1, 1]} : vector<64x66xbf16> to vector<64x2xbf16>
    %dot_general3A_1094 = arith.constant dense<0.000000e+00> : vector<64x2048xf32>
    %dot_general3A_1095 = tpu.matmul %slice3A_1093, %convert_element_type3A_986, %dot_general3A_1094 {dimension_numbers = #tpu.dot_dimension_numbers<[1], [0], [0], [1], [0, 0, 1, 1], [], []>, transpose_lhs_hint = false} : vector<64x2xbf16>, vector<2x2048xbf16>, vector<64x2048xf32> -> vector<64x2048xf32>
    %add3A_1096 = vector.broadcast %slice3A_1092 : vector<64x1xf32> to vector<64x2048xf32>
    %add3A_1097 = arith.addf %add3A_1096, %dot_general3A_1095 : vector<64x2048xf32>
    %slice3A_1098 = vector.extract_strided_slice %add3A_1097 {offsets = [0, 0], sizes = [8, 2048], strides = [1, 1]} : vector<64x2048xf32> to vector<8x2048xf32>
    %slice3A_1099 = vector.extract_strided_slice %add3A_1097 {offsets = [8, 0], sizes = [8, 2048], strides = [1, 1]} : vector<64x2048xf32> to vector<8x2048xf32>
    %add3A_1100 = arith.addf %slice3A_1098, %slice3A_1099 : vector<8x2048xf32>
    %slice3A_1101 = vector.extract_strided_slice %add3A_1097 {offsets = [16, 0], sizes = [8, 2048], strides = [1, 1]} : vector<64x2048xf32> to vector<8x2048xf32>
    %add3A_1102 = arith.addf %add3A_1100, %slice3A_1101 : vector<8x2048xf32>
    %slice3A_1103 = vector.extract_strided_slice %add3A_1097 {offsets = [24, 0], sizes = [8, 2048], strides = [1, 1]} : vector<64x2048xf32> to vector<8x2048xf32>
    %add3A_1104 = arith.addf %add3A_1102, %slice3A_1103 : vector<8x2048xf32>
    %slice3A_1105 = vector.extract_strided_slice %add3A_1097 {offsets = [32, 0], sizes = [8, 2048], strides = [1, 1]} : vector<64x2048xf32> to vector<8x2048xf32>
    %add3A_1106 = arith.addf %add3A_1104, %slice3A_1105 : vector<8x2048xf32>
    %slice3A_1107 = vector.extract_strided_slice %add3A_1097 {offsets = [40, 0], sizes = [8, 2048], strides = [1, 1]} : vector<64x2048xf32> to vector<8x2048xf32>
    %add3A_1108 = arith.addf %add3A_1106, %slice3A_1107 : vector<8x2048xf32>
    %slice3A_1109 = vector.extract_strided_slice %add3A_1097 {offsets = [48, 0], sizes = [8, 2048], strides = [1, 1]} : vector<64x2048xf32> to vector<8x2048xf32>
    %add3A_1110 = arith.addf %add3A_1108, %slice3A_1109 : vector<8x2048xf32>
    %slice3A_1111 = vector.extract_strided_slice %add3A_1097 {offsets = [56, 0], sizes = [8, 2048], strides = [1, 1]} : vector<64x2048xf32> to vector<8x2048xf32>
    %add3A_1112 = arith.addf %add3A_1110, %slice3A_1111 : vector<8x2048xf32>
    %reduce_sum3A_1113 = arith.constant dense<0.000000e+00> : vector<2048xf32>
    %reduce_sum3A_1114 = vector.multi_reduction <add>, %add3A_1112, %reduce_sum3A_1113 [0] : vector<8x2048xf32> to vector<2048xf32>
    %broadcast_in_dim3A_1115 = vector.shape_cast %reduce_sum3A_1114 : vector<2048xf32> to vector<1x2048xf32>
    %div3A_1116 = arith.constant 6.400000e+01 : f32
    %div3A_1117 = vector.broadcast %div3A_1116 : f32 to vector<1x2048xf32>
    %div3A_1118 = arith.divf %broadcast_in_dim3A_1115, %div3A_1117 : vector<1x2048xf32>
    %sub3A_1119 = vector.broadcast %div3A_1118 : vector<1x2048xf32> to vector<64x2048xf32>
    %sub3A_1120 = arith.subf %add3A_1097, %sub3A_1119 : vector<64x2048xf32>
    %mul3A_1121 = arith.mulf %sub3A_1120, %sub3A_1120 : vector<64x2048xf32>
    %slice3A_1122 = vector.extract_strided_slice %mul3A_1121 {offsets = [0, 0], sizes = [8, 2048], strides = [1, 1]} : vector<64x2048xf32> to vector<8x2048xf32>
    %slice3A_1123 = vector.extract_strided_slice %mul3A_1121 {offsets = [8, 0], sizes = [8, 2048], strides = [1, 1]} : vector<64x2048xf32> to vector<8x2048xf32>
    %add3A_1124 = arith.addf %slice3A_1122, %slice3A_1123 : vector<8x2048xf32>
    %slice3A_1125 = vector.extract_strided_slice %mul3A_1121 {offsets = [16, 0], sizes = [8, 2048], strides = [1, 1]} : vector<64x2048xf32> to vector<8x2048xf32>
    %add3A_1126 = arith.addf %add3A_1124, %slice3A_1125 : vector<8x2048xf32>
    %slice3A_1127 = vector.extract_strided_slice %mul3A_1121 {offsets = [24, 0], sizes = [8, 2048], strides = [1, 1]} : vector<64x2048xf32> to vector<8x2048xf32>
    %add3A_1128 = arith.addf %add3A_1126, %slice3A_1127 : vector<8x2048xf32>
    %slice3A_1129 = vector.extract_strided_slice %mul3A_1121 {offsets = [32, 0], sizes = [8, 2048], strides = [1, 1]} : vector<64x2048xf32> to vector<8x2048xf32>
    %add3A_1130 = arith.addf %add3A_1128, %slice3A_1129 : vector<8x2048xf32>
    %slice3A_1131 = vector.extract_strided_slice %mul3A_1121 {offsets = [40, 0], sizes = [8, 2048], strides = [1, 1]} : vector<64x2048xf32> to vector<8x2048xf32>
    %add3A_1132 = arith.addf %add3A_1130, %slice3A_1131 : vector<8x2048xf32>
    %slice3A_1133 = vector.extract_strided_slice %mul3A_1121 {offsets = [48, 0], sizes = [8, 2048], strides = [1, 1]} : vector<64x2048xf32> to vector<8x2048xf32>
    %add3A_1134 = arith.addf %add3A_1132, %slice3A_1133 : vector<8x2048xf32>
    %slice3A_1135 = vector.extract_strided_slice %mul3A_1121 {offsets = [56, 0], sizes = [8, 2048], strides = [1, 1]} : vector<64x2048xf32> to vector<8x2048xf32>
    %add3A_1136 = arith.addf %add3A_1134, %slice3A_1135 : vector<8x2048xf32>
    %reduce_sum3A_1137 = arith.constant dense<0.000000e+00> : vector<2048xf32>
    %reduce_sum3A_1138 = vector.multi_reduction <add>, %add3A_1136, %reduce_sum3A_1137 [0] : vector<8x2048xf32> to vector<2048xf32>
    %broadcast_in_dim3A_1139 = vector.shape_cast %reduce_sum3A_1138 : vector<2048xf32> to vector<1x2048xf32>
    %div3A_1140 = arith.constant 6.400000e+01 : f32
    %div3A_1141 = vector.broadcast %div3A_1140 : f32 to vector<1x2048xf32>
    %div3A_1142 = arith.divf %broadcast_in_dim3A_1139, %div3A_1141 : vector<1x2048xf32>
    %add3A_1143 = arith.constant 9.99999974E-6 : f32
    %add3A_1144 = vector.broadcast %add3A_1143 : f32 to vector<1x2048xf32>
    %add3A_1145 = arith.addf %div3A_1142, %add3A_1144 : vector<1x2048xf32>
    %sqrt3A_1146 = math.sqrt %add3A_1145 : vector<1x2048xf32>
    %div3A_1147 = vector.broadcast %sqrt3A_1146 : vector<1x2048xf32> to vector<64x2048xf32>
    %div3A_1148 = arith.divf %sub3A_1120, %div3A_1147 : vector<64x2048xf32>
    %get3A_1149 = arith.constant 0 : index
    %get3A_1150 = arith.constant 0 : index
    %get3A_1151 = vector.load %arg12[%get3A_1149, %get3A_1150] : memref<64x1xf32, #tpu.memory_space<vmem>>, vector<64x1xf32>
    %mul3A_1152 = vector.broadcast %get3A_1151 : vector<64x1xf32> to vector<64x2048xf32>
    %mul3A_1153 = arith.mulf %div3A_1148, %mul3A_1152 : vector<64x2048xf32>
    %get3A_1154 = arith.constant 0 : index
    %get3A_1155 = arith.constant 0 : index
    %get3A_1156 = vector.load %arg13[%get3A_1154, %get3A_1155] : memref<64x1xf32, #tpu.memory_space<vmem>>, vector<64x1xf32>
    %add3A_1157 = vector.broadcast %get3A_1156 : vector<64x1xf32> to vector<64x2048xf32>
    %add3A_1158 = arith.addf %mul3A_1153, %add3A_1157 : vector<64x2048xf32>
    %max3A_1159 = arith.constant 0.000000e+00 : f32
    %max3A_1160 = vector.broadcast %max3A_1159 : f32 to vector<64x2048xf32>
    %max3A_1161 = arith.maximumf %add3A_1158, %max3A_1160 : vector<64x2048xf32>
    %convert_element_type3A_1162 = arith.truncf %max3A_1161 : vector<64x2048xf32> to vector<64x2048xbf16>
    %dot_general3A_1163 = arith.constant dense<0.000000e+00> : vector<2x2048xf32>
    %dot_general3A_1164 = tpu.matmul %convert_element_type3A_13, %convert_element_type3A_1162, %dot_general3A_1163 {dimension_numbers = #tpu.dot_dimension_numbers<[1], [0], [0], [1], [0, 0, 1, 1], [], []>, transpose_lhs_hint = false} : vector<2x64xbf16>, vector<64x2048xbf16>, vector<2x2048xf32> -> vector<2x2048xf32>
    %get3A_1165 = arith.constant 0 : index
    %get3A_1166 = arith.constant 0 : index
    %get3A_1167 = vector.load %arg15[%get3A_1165, %get3A_1166] : memref<2x1xf32, #tpu.memory_space<vmem>>, vector<2x1xf32>
    %add3A_1168 = vector.broadcast %get3A_1167 : vector<2x1xf32> to vector<2x2048xf32>
    %add3A_1169 = arith.addf %dot_general3A_1164, %add3A_1168 : vector<2x2048xf32>
    %swap3A_1170 = arith.constant 5 : index
    %swap3A_1171 = arith.constant 0 : index
    %swap3A_1172 = arith.constant 0 : index
    %swap3A_1173 = vector.load %arg17[%swap3A_1170, %swap3A_1171, %swap3A_1172] : memref<8x2x2048xf32, #tpu.memory_space<vmem>>, vector<1x2x2048xf32>
    %swap3A_1174 = vector.shape_cast %swap3A_1173 : vector<1x2x2048xf32> to vector<2x2048xf32>
    %swap3A_1175 = vector.shape_cast %add3A_1169 : vector<2x2048xf32> to vector<1x2x2048xf32>
    tpu.vector_store %arg17[%swap3A_1170, %swap3A_1171, %swap3A_1172], %swap3A_1175 {strides = array<i32>} : memref<8x2x2048xf32, #tpu.memory_space<vmem>>, vector<1x2x2048xf32>,
    %get3A_1176 = arith.constant 12 : index
    %get3A_1177 = arith.constant 0 : index
    %get3A_1178 = vector.load %arg2[%get3A_1176, %get3A_1177] : memref<16x2048xf32, #tpu.memory_space<vmem>>, vector<2x2048xf32>
    %convert_element_type3A_1179 = arith.truncf %get3A_1178 : vector<2x2048xf32> to vector<2x2048xbf16>
    %slice3A_1180 = vector.extract_strided_slice %add3A_22 {offsets = [0, 6], sizes = [64, 1], strides = [1, 1]} : vector<64x8xf32> to vector<64x1xf32>
    %slice3A_1181 = vector.extract_strided_slice %convert_element_type3A {offsets = [0, 64], sizes = [64, 2], strides = [1, 1]} : vector<64x66xbf16> to vector<64x2xbf16>
    %dot_general3A_1182 = arith.constant dense<0.000000e+00> : vector<64x2048xf32>
    %dot_general3A_1183 = tpu.matmul %slice3A_1181, %convert_element_type3A_1179, %dot_general3A_1182 {dimension_numbers = #tpu.dot_dimension_numbers<[1], [0], [0], [1], [0, 0, 1, 1], [], []>, transpose_lhs_hint = false} : vector<64x2xbf16>, vector<2x2048xbf16>, vector<64x2048xf32> -> vector<64x2048xf32>
    %add3A_1184 = vector.broadcast %slice3A_1180 : vector<64x1xf32> to vector<64x2048xf32>
    %add3A_1185 = arith.addf %add3A_1184, %dot_general3A_1183 : vector<64x2048xf32>
    %slice3A_1186 = vector.extract_strided_slice %add3A_1185 {offsets = [0, 0], sizes = [8, 2048], strides = [1, 1]} : vector<64x2048xf32> to vector<8x2048xf32>
    %slice3A_1187 = vector.extract_strided_slice %add3A_1185 {offsets = [8, 0], sizes = [8, 2048], strides = [1, 1]} : vector<64x2048xf32> to vector<8x2048xf32>
    %add3A_1188 = arith.addf %slice3A_1186, %slice3A_1187 : vector<8x2048xf32>
    %slice3A_1189 = vector.extract_strided_slice %add3A_1185 {offsets = [16, 0], sizes = [8, 2048], strides = [1, 1]} : vector<64x2048xf32> to vector<8x2048xf32>
    %add3A_1190 = arith.addf %add3A_1188, %slice3A_1189 : vector<8x2048xf32>
    %slice3A_1191 = vector.extract_strided_slice %add3A_1185 {offsets = [24, 0], sizes = [8, 2048], strides = [1, 1]} : vector<64x2048xf32> to vector<8x2048xf32>
    %add3A_1192 = arith.addf %add3A_1190, %slice3A_1191 : vector<8x2048xf32>
    %slice3A_1193 = vector.extract_strided_slice %add3A_1185 {offsets = [32, 0], sizes = [8, 2048], strides = [1, 1]} : vector<64x2048xf32> to vector<8x2048xf32>
    %add3A_1194 = arith.addf %add3A_1192, %slice3A_1193 : vector<8x2048xf32>
    %slice3A_1195 = vector.extract_strided_slice %add3A_1185 {offsets = [40, 0], sizes = [8, 2048], strides = [1, 1]} : vector<64x2048xf32> to vector<8x2048xf32>
    %add3A_1196 = arith.addf %add3A_1194, %slice3A_1195 : vector<8x2048xf32>
    %slice3A_1197 = vector.extract_strided_slice %add3A_1185 {offsets = [48, 0], sizes = [8, 2048], strides = [1, 1]} : vector<64x2048xf32> to vector<8x2048xf32>
    %add3A_1198 = arith.addf %add3A_1196, %slice3A_1197 : vector<8x2048xf32>
    %slice3A_1199 = vector.extract_strided_slice %add3A_1185 {offsets = [56, 0], sizes = [8, 2048], strides = [1, 1]} : vector<64x2048xf32> to vector<8x2048xf32>
    %add3A_1200 = arith.addf %add3A_1198, %slice3A_1199 : vector<8x2048xf32>
    %reduce_sum3A_1201 = arith.constant dense<0.000000e+00> : vector<2048xf32>
    %reduce_sum3A_1202 = vector.multi_reduction <add>, %add3A_1200, %reduce_sum3A_1201 [0] : vector<8x2048xf32> to vector<2048xf32>
    %broadcast_in_dim3A_1203 = vector.shape_cast %reduce_sum3A_1202 : vector<2048xf32> to vector<1x2048xf32>
    %div3A_1204 = arith.constant 6.400000e+01 : f32
    %div3A_1205 = vector.broadcast %div3A_1204 : f32 to vector<1x2048xf32>
    %div3A_1206 = arith.divf %broadcast_in_dim3A_1203, %div3A_1205 : vector<1x2048xf32>
    %sub3A_1207 = vector.broadcast %div3A_1206 : vector<1x2048xf32> to vector<64x2048xf32>
    %sub3A_1208 = arith.subf %add3A_1185, %sub3A_1207 : vector<64x2048xf32>
    %mul3A_1209 = arith.mulf %sub3A_1208, %sub3A_1208 : vector<64x2048xf32>
    %slice3A_1210 = vector.extract_strided_slice %mul3A_1209 {offsets = [0, 0], sizes = [8, 2048], strides = [1, 1]} : vector<64x2048xf32> to vector<8x2048xf32>
    %slice3A_1211 = vector.extract_strided_slice %mul3A_1209 {offsets = [8, 0], sizes = [8, 2048], strides = [1, 1]} : vector<64x2048xf32> to vector<8x2048xf32>
    %add3A_1212 = arith.addf %slice3A_1210, %slice3A_1211 : vector<8x2048xf32>
    %slice3A_1213 = vector.extract_strided_slice %mul3A_1209 {offsets = [16, 0], sizes = [8, 2048], strides = [1, 1]} : vector<64x2048xf32> to vector<8x2048xf32>
    %add3A_1214 = arith.addf %add3A_1212, %slice3A_1213 : vector<8x2048xf32>
    %slice3A_1215 = vector.extract_strided_slice %mul3A_1209 {offsets = [24, 0], sizes = [8, 2048], strides = [1, 1]} : vector<64x2048xf32> to vector<8x2048xf32>
    %add3A_1216 = arith.addf %add3A_1214, %slice3A_1215 : vector<8x2048xf32>
    %slice3A_1217 = vector.extract_strided_slice %mul3A_1209 {offsets = [32, 0], sizes = [8, 2048], strides = [1, 1]} : vector<64x2048xf32> to vector<8x2048xf32>
    %add3A_1218 = arith.addf %add3A_1216, %slice3A_1217 : vector<8x2048xf32>
    %slice3A_1219 = vector.extract_strided_slice %mul3A_1209 {offsets = [40, 0], sizes = [8, 2048], strides = [1, 1]} : vector<64x2048xf32> to vector<8x2048xf32>
    %add3A_1220 = arith.addf %add3A_1218, %slice3A_1219 : vector<8x2048xf32>
    %slice3A_1221 = vector.extract_strided_slice %mul3A_1209 {offsets = [48, 0], sizes = [8, 2048], strides = [1, 1]} : vector<64x2048xf32> to vector<8x2048xf32>
    %add3A_1222 = arith.addf %add3A_1220, %slice3A_1221 : vector<8x2048xf32>
    %slice3A_1223 = vector.extract_strided_slice %mul3A_1209 {offsets = [56, 0], sizes = [8, 2048], strides = [1, 1]} : vector<64x2048xf32> to vector<8x2048xf32>
    %add3A_1224 = arith.addf %add3A_1222, %slice3A_1223 : vector<8x2048xf32>
    %reduce_sum3A_1225 = arith.constant dense<0.000000e+00> : vector<2048xf32>
    %reduce_sum3A_1226 = vector.multi_reduction <add>, %add3A_1224, %reduce_sum3A_1225 [0] : vector<8x2048xf32> to vector<2048xf32>
    %broadcast_in_dim3A_1227 = vector.shape_cast %reduce_sum3A_1226 : vector<2048xf32> to vector<1x2048xf32>
    %div3A_1228 = arith.constant 6.400000e+01 : f32
    %div3A_1229 = vector.broadcast %div3A_1228 : f32 to vector<1x2048xf32>
    %div3A_1230 = arith.divf %broadcast_in_dim3A_1227, %div3A_1229 : vector<1x2048xf32>
    %add3A_1231 = arith.constant 9.99999974E-6 : f32
    %add3A_1232 = vector.broadcast %add3A_1231 : f32 to vector<1x2048xf32>
    %add3A_1233 = arith.addf %div3A_1230, %add3A_1232 : vector<1x2048xf32>
    %sqrt3A_1234 = math.sqrt %add3A_1233 : vector<1x2048xf32>
    %div3A_1235 = vector.broadcast %sqrt3A_1234 : vector<1x2048xf32> to vector<64x2048xf32>
    %div3A_1236 = arith.divf %sub3A_1208, %div3A_1235 : vector<64x2048xf32>
    %get3A_1237 = arith.constant 0 : index
    %get3A_1238 = arith.constant 0 : index
    %get3A_1239 = vector.load %arg6[%get3A_1237, %get3A_1238] : memref<64x1xf32, #tpu.memory_space<vmem>>, vector<64x1xf32>
    %mul3A_1240 = vector.broadcast %get3A_1239 : vector<64x1xf32> to vector<64x2048xf32>
    %mul3A_1241 = arith.mulf %div3A_1236, %mul3A_1240 : vector<64x2048xf32>
    %get3A_1242 = arith.constant 0 : index
    %get3A_1243 = arith.constant 0 : index
    %get3A_1244 = vector.load %arg7[%get3A_1242, %get3A_1243] : memref<64x1xf32, #tpu.memory_space<vmem>>, vector<64x1xf32>
    %add3A_1245 = vector.broadcast %get3A_1244 : vector<64x1xf32> to vector<64x2048xf32>
    %add3A_1246 = arith.addf %mul3A_1241, %add3A_1245 : vector<64x2048xf32>
    %max3A_1247 = arith.constant 0.000000e+00 : f32
    %max3A_1248 = vector.broadcast %max3A_1247 : f32 to vector<64x2048xf32>
    %max3A_1249 = arith.maximumf %add3A_1246, %max3A_1248 : vector<64x2048xf32>
    %convert_element_type3A_1250 = arith.truncf %max3A_1249 : vector<64x2048xf32> to vector<64x2048xbf16>
    %dot_general3A_1251 = arith.constant dense<0.000000e+00> : vector<1x2048xf32>
    %dot_general3A_1252 = tpu.matmul %convert_element_type3A_9, %convert_element_type3A_1250, %dot_general3A_1251 {dimension_numbers = #tpu.dot_dimension_numbers<[1], [0], [0], [1], [0, 0, 1, 1], [], []>, transpose_lhs_hint = false} : vector<1x64xbf16>, vector<64x2048xbf16>, vector<1x2048xf32> -> vector<1x2048xf32>
    %get3A_1253 = arith.constant 0 : index
    %get3A_1254 = arith.constant 0 : index
    %get3A_1255 = vector.load %arg9[%get3A_1253, %get3A_1254] : memref<1x1xf32, #tpu.memory_space<vmem>>, vector<1x1xf32>
    %add3A_1256 = vector.broadcast %get3A_1255 : vector<1x1xf32> to vector<1x2048xf32>
    %add3A_1257 = arith.addf %dot_general3A_1252, %add3A_1256 : vector<1x2048xf32>
    %get3A_1258 = arith.constant 6 : index
    %get3A_1259 = arith.constant 0 : index
    %get3A_1260 = vector.load %arg3[%get3A_1258, %get3A_1259] : memref<8x2048xf32, #tpu.memory_space<vmem>>, vector<1x2048xf32>
    %gt3A_1261 = arith.constant 0.000000e+00 : f32
    %gt3A_1262 = vector.broadcast %gt3A_1261 : f32 to vector<1x2048xf32>
    %gt3A_1263 = arith.cmpf ogt, %get3A_1260, %gt3A_1262 : vector<1x2048xf32>
    %jit3A_1264 = arith.constant -9.99999995E+11 : f32
    %broadcast_in_dim3A_1265 = vector.broadcast %jit3A_1264 : f32 to vector<1x2048xf32>
    %select_n3A_1266 = arith.select %gt3A_1263, %add3A_1257, %broadcast_in_dim3A_1265 : vector<1x2048xi1>, vector<1x2048xf32>
    %reduce_max3A_1267 = vector.shape_cast %select_n3A_1266 : vector<1x2048xf32> to vector<1x1x2048xf32>
    %reduce_max3A_1268 = arith.constant dense<0xFF800000> : vector<1xf32>
    %reduce_max3A_1269 = vector.multi_reduction <maximumf>, %reduce_max3A_1267, %reduce_max3A_1268 [1, 2] : vector<1x1x2048xf32> to vector<1xf32>
    %reduce_max3A_1270 = vector.shape_cast %reduce_max3A_1269 : vector<1xf32> to vector<1x1x1xf32>
    %reduce_max3A_1271 = vector.extract %reduce_max3A_1270[0, 0, 0] : f32 from vector<1x1x1xf32>
    %sub3A_1272 = vector.broadcast %reduce_max3A_1271 : f32 to vector<1x2048xf32>
    %sub3A_1273 = arith.subf %select_n3A_1266, %sub3A_1272 : vector<1x2048xf32>
    %exp3A_1274 = math.exp %sub3A_1273 : vector<1x2048xf32>
    %reduce_sum3A_1275 = vector.shape_cast %exp3A_1274 : vector<1x2048xf32> to vector<1x1x2048xf32>
    %reduce_sum3A_1276 = arith.constant dense<0.000000e+00> : vector<1xf32>
    %reduce_sum3A_1277 = vector.multi_reduction <add>, %reduce_sum3A_1275, %reduce_sum3A_1276 [1, 2] : vector<1x1x2048xf32> to vector<1xf32>
    %reduce_sum3A_1278 = vector.shape_cast %reduce_sum3A_1277 : vector<1xf32> to vector<1x1x1xf32>
    %reduce_sum3A_1279 = vector.extract %reduce_sum3A_1278[0, 0, 0] : f32 from vector<1x1x1xf32>
    %div3A_1280 = vector.broadcast %reduce_sum3A_1279 : f32 to vector<1x2048xf32>
    %div3A_1281 = arith.divf %exp3A_1274, %div3A_1280 : vector<1x2048xf32>
    %swap3A_1282 = arith.constant 6 : index
    %swap3A_1283 = arith.constant 0 : index
    %swap3A_1284 = vector.load %arg16[%swap3A_1282, %swap3A_1283] : memref<8x2048xf32, #tpu.memory_space<vmem>>, vector<1x2048xf32>
    tpu.vector_store %arg16[%swap3A_1282, %swap3A_1283], %div3A_1281 {strides = array<i32>} : memref<8x2048xf32, #tpu.memory_space<vmem>>, vector<1x2048xf32>,
    %slice3A_1285 = vector.extract_strided_slice %add3A_30 {offsets = [0, 6], sizes = [64, 1], strides = [1, 1]} : vector<64x8xf32> to vector<64x1xf32>
    %slice3A_1286 = vector.extract_strided_slice %convert_element_type3A_5 {offsets = [0, 64], sizes = [64, 2], strides = [1, 1]} : vector<64x66xbf16> to vector<64x2xbf16>
    %dot_general3A_1287 = arith.constant dense<0.000000e+00> : vector<64x2048xf32>
    %dot_general3A_1288 = tpu.matmul %slice3A_1286, %convert_element_type3A_1179, %dot_general3A_1287 {dimension_numbers = #tpu.dot_dimension_numbers<[1], [0], [0], [1], [0, 0, 1, 1], [], []>, transpose_lhs_hint = false} : vector<64x2xbf16>, vector<2x2048xbf16>, vector<64x2048xf32> -> vector<64x2048xf32>
    %add3A_1289 = vector.broadcast %slice3A_1285 : vector<64x1xf32> to vector<64x2048xf32>
    %add3A_1290 = arith.addf %add3A_1289, %dot_general3A_1288 : vector<64x2048xf32>
    %slice3A_1291 = vector.extract_strided_slice %add3A_1290 {offsets = [0, 0], sizes = [8, 2048], strides = [1, 1]} : vector<64x2048xf32> to vector<8x2048xf32>
    %slice3A_1292 = vector.extract_strided_slice %add3A_1290 {offsets = [8, 0], sizes = [8, 2048], strides = [1, 1]} : vector<64x2048xf32> to vector<8x2048xf32>
    %add3A_1293 = arith.addf %slice3A_1291, %slice3A_1292 : vector<8x2048xf32>
    %slice3A_1294 = vector.extract_strided_slice %add3A_1290 {offsets = [16, 0], sizes = [8, 2048], strides = [1, 1]} : vector<64x2048xf32> to vector<8x2048xf32>
    %add3A_1295 = arith.addf %add3A_1293, %slice3A_1294 : vector<8x2048xf32>
    %slice3A_1296 = vector.extract_strided_slice %add3A_1290 {offsets = [24, 0], sizes = [8, 2048], strides = [1, 1]} : vector<64x2048xf32> to vector<8x2048xf32>
    %add3A_1297 = arith.addf %add3A_1295, %slice3A_1296 : vector<8x2048xf32>
    %slice3A_1298 = vector.extract_strided_slice %add3A_1290 {offsets = [32, 0], sizes = [8, 2048], strides = [1, 1]} : vector<64x2048xf32> to vector<8x2048xf32>
    %add3A_1299 = arith.addf %add3A_1297, %slice3A_1298 : vector<8x2048xf32>
    %slice3A_1300 = vector.extract_strided_slice %add3A_1290 {offsets = [40, 0], sizes = [8, 2048], strides = [1, 1]} : vector<64x2048xf32> to vector<8x2048xf32>
    %add3A_1301 = arith.addf %add3A_1299, %slice3A_1300 : vector<8x2048xf32>
    %slice3A_1302 = vector.extract_strided_slice %add3A_1290 {offsets = [48, 0], sizes = [8, 2048], strides = [1, 1]} : vector<64x2048xf32> to vector<8x2048xf32>
    %add3A_1303 = arith.addf %add3A_1301, %slice3A_1302 : vector<8x2048xf32>
    %slice3A_1304 = vector.extract_strided_slice %add3A_1290 {offsets = [56, 0], sizes = [8, 2048], strides = [1, 1]} : vector<64x2048xf32> to vector<8x2048xf32>
    %add3A_1305 = arith.addf %add3A_1303, %slice3A_1304 : vector<8x2048xf32>
    %reduce_sum3A_1306 = arith.constant dense<0.000000e+00> : vector<2048xf32>
    %reduce_sum3A_1307 = vector.multi_reduction <add>, %add3A_1305, %reduce_sum3A_1306 [0] : vector<8x2048xf32> to vector<2048xf32>
    %broadcast_in_dim3A_1308 = vector.shape_cast %reduce_sum3A_1307 : vector<2048xf32> to vector<1x2048xf32>
    %div3A_1309 = arith.constant 6.400000e+01 : f32
    %div3A_1310 = vector.broadcast %div3A_1309 : f32 to vector<1x2048xf32>
    %div3A_1311 = arith.divf %broadcast_in_dim3A_1308, %div3A_1310 : vector<1x2048xf32>
    %sub3A_1312 = vector.broadcast %div3A_1311 : vector<1x2048xf32> to vector<64x2048xf32>
    %sub3A_1313 = arith.subf %add3A_1290, %sub3A_1312 : vector<64x2048xf32>
    %mul3A_1314 = arith.mulf %sub3A_1313, %sub3A_1313 : vector<64x2048xf32>
    %slice3A_1315 = vector.extract_strided_slice %mul3A_1314 {offsets = [0, 0], sizes = [8, 2048], strides = [1, 1]} : vector<64x2048xf32> to vector<8x2048xf32>
    %slice3A_1316 = vector.extract_strided_slice %mul3A_1314 {offsets = [8, 0], sizes = [8, 2048], strides = [1, 1]} : vector<64x2048xf32> to vector<8x2048xf32>
    %add3A_1317 = arith.addf %slice3A_1315, %slice3A_1316 : vector<8x2048xf32>
    %slice3A_1318 = vector.extract_strided_slice %mul3A_1314 {offsets = [16, 0], sizes = [8, 2048], strides = [1, 1]} : vector<64x2048xf32> to vector<8x2048xf32>
    %add3A_1319 = arith.addf %add3A_1317, %slice3A_1318 : vector<8x2048xf32>
    %slice3A_1320 = vector.extract_strided_slice %mul3A_1314 {offsets = [24, 0], sizes = [8, 2048], strides = [1, 1]} : vector<64x2048xf32> to vector<8x2048xf32>
    %add3A_1321 = arith.addf %add3A_1319, %slice3A_1320 : vector<8x2048xf32>
    %slice3A_1322 = vector.extract_strided_slice %mul3A_1314 {offsets = [32, 0], sizes = [8, 2048], strides = [1, 1]} : vector<64x2048xf32> to vector<8x2048xf32>
    %add3A_1323 = arith.addf %add3A_1321, %slice3A_1322 : vector<8x2048xf32>
    %slice3A_1324 = vector.extract_strided_slice %mul3A_1314 {offsets = [40, 0], sizes = [8, 2048], strides = [1, 1]} : vector<64x2048xf32> to vector<8x2048xf32>
    %add3A_1325 = arith.addf %add3A_1323, %slice3A_1324 : vector<8x2048xf32>
    %slice3A_1326 = vector.extract_strided_slice %mul3A_1314 {offsets = [48, 0], sizes = [8, 2048], strides = [1, 1]} : vector<64x2048xf32> to vector<8x2048xf32>
    %add3A_1327 = arith.addf %add3A_1325, %slice3A_1326 : vector<8x2048xf32>
    %slice3A_1328 = vector.extract_strided_slice %mul3A_1314 {offsets = [56, 0], sizes = [8, 2048], strides = [1, 1]} : vector<64x2048xf32> to vector<8x2048xf32>
    %add3A_1329 = arith.addf %add3A_1327, %slice3A_1328 : vector<8x2048xf32>
    %reduce_sum3A_1330 = arith.constant dense<0.000000e+00> : vector<2048xf32>
    %reduce_sum3A_1331 = vector.multi_reduction <add>, %add3A_1329, %reduce_sum3A_1330 [0] : vector<8x2048xf32> to vector<2048xf32>
    %broadcast_in_dim3A_1332 = vector.shape_cast %reduce_sum3A_1331 : vector<2048xf32> to vector<1x2048xf32>
    %div3A_1333 = arith.constant 6.400000e+01 : f32
    %div3A_1334 = vector.broadcast %div3A_1333 : f32 to vector<1x2048xf32>
    %div3A_1335 = arith.divf %broadcast_in_dim3A_1332, %div3A_1334 : vector<1x2048xf32>
    %add3A_1336 = arith.constant 9.99999974E-6 : f32
    %add3A_1337 = vector.broadcast %add3A_1336 : f32 to vector<1x2048xf32>
    %add3A_1338 = arith.addf %div3A_1335, %add3A_1337 : vector<1x2048xf32>
    %sqrt3A_1339 = math.sqrt %add3A_1338 : vector<1x2048xf32>
    %div3A_1340 = vector.broadcast %sqrt3A_1339 : vector<1x2048xf32> to vector<64x2048xf32>
    %div3A_1341 = arith.divf %sub3A_1313, %div3A_1340 : vector<64x2048xf32>
    %get3A_1342 = arith.constant 0 : index
    %get3A_1343 = arith.constant 0 : index
    %get3A_1344 = vector.load %arg12[%get3A_1342, %get3A_1343] : memref<64x1xf32, #tpu.memory_space<vmem>>, vector<64x1xf32>
    %mul3A_1345 = vector.broadcast %get3A_1344 : vector<64x1xf32> to vector<64x2048xf32>
    %mul3A_1346 = arith.mulf %div3A_1341, %mul3A_1345 : vector<64x2048xf32>
    %get3A_1347 = arith.constant 0 : index
    %get3A_1348 = arith.constant 0 : index
    %get3A_1349 = vector.load %arg13[%get3A_1347, %get3A_1348] : memref<64x1xf32, #tpu.memory_space<vmem>>, vector<64x1xf32>
    %add3A_1350 = vector.broadcast %get3A_1349 : vector<64x1xf32> to vector<64x2048xf32>
    %add3A_1351 = arith.addf %mul3A_1346, %add3A_1350 : vector<64x2048xf32>
    %max3A_1352 = arith.constant 0.000000e+00 : f32
    %max3A_1353 = vector.broadcast %max3A_1352 : f32 to vector<64x2048xf32>
    %max3A_1354 = arith.maximumf %add3A_1351, %max3A_1353 : vector<64x2048xf32>
    %convert_element_type3A_1355 = arith.truncf %max3A_1354 : vector<64x2048xf32> to vector<64x2048xbf16>
    %dot_general3A_1356 = arith.constant dense<0.000000e+00> : vector<2x2048xf32>
    %dot_general3A_1357 = tpu.matmul %convert_element_type3A_13, %convert_element_type3A_1355, %dot_general3A_1356 {dimension_numbers = #tpu.dot_dimension_numbers<[1], [0], [0], [1], [0, 0, 1, 1], [], []>, transpose_lhs_hint = false} : vector<2x64xbf16>, vector<64x2048xbf16>, vector<2x2048xf32> -> vector<2x2048xf32>
    %get3A_1358 = arith.constant 0 : index
    %get3A_1359 = arith.constant 0 : index
    %get3A_1360 = vector.load %arg15[%get3A_1358, %get3A_1359] : memref<2x1xf32, #tpu.memory_space<vmem>>, vector<2x1xf32>
    %add3A_1361 = vector.broadcast %get3A_1360 : vector<2x1xf32> to vector<2x2048xf32>
    %add3A_1362 = arith.addf %dot_general3A_1357, %add3A_1361 : vector<2x2048xf32>
    %swap3A_1363 = arith.constant 6 : index
    %swap3A_1364 = arith.constant 0 : index
    %swap3A_1365 = arith.constant 0 : index
    %swap3A_1366 = vector.load %arg17[%swap3A_1363, %swap3A_1364, %swap3A_1365] : memref<8x2x2048xf32, #tpu.memory_space<vmem>>, vector<1x2x2048xf32>
    %swap3A_1367 = vector.shape_cast %swap3A_1366 : vector<1x2x2048xf32> to vector<2x2048xf32>
    %swap3A_1368 = vector.shape_cast %add3A_1362 : vector<2x2048xf32> to vector<1x2x2048xf32>
    tpu.vector_store %arg17[%swap3A_1363, %swap3A_1364, %swap3A_1365], %swap3A_1368 {strides = array<i32>} : memref<8x2x2048xf32, #tpu.memory_space<vmem>>, vector<1x2x2048xf32>,
    %get3A_1369 = arith.constant 14 : index
    %get3A_1370 = arith.constant 0 : index
    %get3A_1371 = vector.load %arg2[%get3A_1369, %get3A_1370] : memref<16x2048xf32, #tpu.memory_space<vmem>>, vector<2x2048xf32>
    %convert_element_type3A_1372 = arith.truncf %get3A_1371 : vector<2x2048xf32> to vector<2x2048xbf16>
    %slice3A_1373 = vector.extract_strided_slice %add3A_22 {offsets = [0, 7], sizes = [64, 1], strides = [1, 1]} : vector<64x8xf32> to vector<64x1xf32>
    %slice3A_1374 = vector.extract_strided_slice %convert_element_type3A {offsets = [0, 64], sizes = [64, 2], strides = [1, 1]} : vector<64x66xbf16> to vector<64x2xbf16>
    %dot_general3A_1375 = arith.constant dense<0.000000e+00> : vector<64x2048xf32>
    %dot_general3A_1376 = tpu.matmul %slice3A_1374, %convert_element_type3A_1372, %dot_general3A_1375 {dimension_numbers = #tpu.dot_dimension_numbers<[1], [0], [0], [1], [0, 0, 1, 1], [], []>, transpose_lhs_hint = false} : vector<64x2xbf16>, vector<2x2048xbf16>, vector<64x2048xf32> -> vector<64x2048xf32>
    %add3A_1377 = vector.broadcast %slice3A_1373 : vector<64x1xf32> to vector<64x2048xf32>
    %add3A_1378 = arith.addf %add3A_1377, %dot_general3A_1376 : vector<64x2048xf32>
    %slice3A_1379 = vector.extract_strided_slice %add3A_1378 {offsets = [0, 0], sizes = [8, 2048], strides = [1, 1]} : vector<64x2048xf32> to vector<8x2048xf32>
    %slice3A_1380 = vector.extract_strided_slice %add3A_1378 {offsets = [8, 0], sizes = [8, 2048], strides = [1, 1]} : vector<64x2048xf32> to vector<8x2048xf32>
    %add3A_1381 = arith.addf %slice3A_1379, %slice3A_1380 : vector<8x2048xf32>
    %slice3A_1382 = vector.extract_strided_slice %add3A_1378 {offsets = [16, 0], sizes = [8, 2048], strides = [1, 1]} : vector<64x2048xf32> to vector<8x2048xf32>
    %add3A_1383 = arith.addf %add3A_1381, %slice3A_1382 : vector<8x2048xf32>
    %slice3A_1384 = vector.extract_strided_slice %add3A_1378 {offsets = [24, 0], sizes = [8, 2048], strides = [1, 1]} : vector<64x2048xf32> to vector<8x2048xf32>
    %add3A_1385 = arith.addf %add3A_1383, %slice3A_1384 : vector<8x2048xf32>
    %slice3A_1386 = vector.extract_strided_slice %add3A_1378 {offsets = [32, 0], sizes = [8, 2048], strides = [1, 1]} : vector<64x2048xf32> to vector<8x2048xf32>
    %add3A_1387 = arith.addf %add3A_1385, %slice3A_1386 : vector<8x2048xf32>
    %slice3A_1388 = vector.extract_strided_slice %add3A_1378 {offsets = [40, 0], sizes = [8, 2048], strides = [1, 1]} : vector<64x2048xf32> to vector<8x2048xf32>
    %add3A_1389 = arith.addf %add3A_1387, %slice3A_1388 : vector<8x2048xf32>
    %slice3A_1390 = vector.extract_strided_slice %add3A_1378 {offsets = [48, 0], sizes = [8, 2048], strides = [1, 1]} : vector<64x2048xf32> to vector<8x2048xf32>
    %add3A_1391 = arith.addf %add3A_1389, %slice3A_1390 : vector<8x2048xf32>
    %slice3A_1392 = vector.extract_strided_slice %add3A_1378 {offsets = [56, 0], sizes = [8, 2048], strides = [1, 1]} : vector<64x2048xf32> to vector<8x2048xf32>
    %add3A_1393 = arith.addf %add3A_1391, %slice3A_1392 : vector<8x2048xf32>
    %reduce_sum3A_1394 = arith.constant dense<0.000000e+00> : vector<2048xf32>
    %reduce_sum3A_1395 = vector.multi_reduction <add>, %add3A_1393, %reduce_sum3A_1394 [0] : vector<8x2048xf32> to vector<2048xf32>
    %broadcast_in_dim3A_1396 = vector.shape_cast %reduce_sum3A_1395 : vector<2048xf32> to vector<1x2048xf32>
    %div3A_1397 = arith.constant 6.400000e+01 : f32
    %div3A_1398 = vector.broadcast %div3A_1397 : f32 to vector<1x2048xf32>
    %div3A_1399 = arith.divf %broadcast_in_dim3A_1396, %div3A_1398 : vector<1x2048xf32>
    %sub3A_1400 = vector.broadcast %div3A_1399 : vector<1x2048xf32> to vector<64x2048xf32>
    %sub3A_1401 = arith.subf %add3A_1378, %sub3A_1400 : vector<64x2048xf32>
    %mul3A_1402 = arith.mulf %sub3A_1401, %sub3A_1401 : vector<64x2048xf32>
    %slice3A_1403 = vector.extract_strided_slice %mul3A_1402 {offsets = [0, 0], sizes = [8, 2048], strides = [1, 1]} : vector<64x2048xf32> to vector<8x2048xf32>
    %slice3A_1404 = vector.extract_strided_slice %mul3A_1402 {offsets = [8, 0], sizes = [8, 2048], strides = [1, 1]} : vector<64x2048xf32> to vector<8x2048xf32>
    %add3A_1405 = arith.addf %slice3A_1403, %slice3A_1404 : vector<8x2048xf32>
    %slice3A_1406 = vector.extract_strided_slice %mul3A_1402 {offsets = [16, 0], sizes = [8, 2048], strides = [1, 1]} : vector<64x2048xf32> to vector<8x2048xf32>
    %add3A_1407 = arith.addf %add3A_1405, %slice3A_1406 : vector<8x2048xf32>
    %slice3A_1408 = vector.extract_strided_slice %mul3A_1402 {offsets = [24, 0], sizes = [8, 2048], strides = [1, 1]} : vector<64x2048xf32> to vector<8x2048xf32>
    %add3A_1409 = arith.addf %add3A_1407, %slice3A_1408 : vector<8x2048xf32>
    %slice3A_1410 = vector.extract_strided_slice %mul3A_1402 {offsets = [32, 0], sizes = [8, 2048], strides = [1, 1]} : vector<64x2048xf32> to vector<8x2048xf32>
    %add3A_1411 = arith.addf %add3A_1409, %slice3A_1410 : vector<8x2048xf32>
    %slice3A_1412 = vector.extract_strided_slice %mul3A_1402 {offsets = [40, 0], sizes = [8, 2048], strides = [1, 1]} : vector<64x2048xf32> to vector<8x2048xf32>
    %add3A_1413 = arith.addf %add3A_1411, %slice3A_1412 : vector<8x2048xf32>
    %slice3A_1414 = vector.extract_strided_slice %mul3A_1402 {offsets = [48, 0], sizes = [8, 2048], strides = [1, 1]} : vector<64x2048xf32> to vector<8x2048xf32>
    %add3A_1415 = arith.addf %add3A_1413, %slice3A_1414 : vector<8x2048xf32>
    %slice3A_1416 = vector.extract_strided_slice %mul3A_1402 {offsets = [56, 0], sizes = [8, 2048], strides = [1, 1]} : vector<64x2048xf32> to vector<8x2048xf32>
    %add3A_1417 = arith.addf %add3A_1415, %slice3A_1416 : vector<8x2048xf32>
    %reduce_sum3A_1418 = arith.constant dense<0.000000e+00> : vector<2048xf32>
    %reduce_sum3A_1419 = vector.multi_reduction <add>, %add3A_1417, %reduce_sum3A_1418 [0] : vector<8x2048xf32> to vector<2048xf32>
    %broadcast_in_dim3A_1420 = vector.shape_cast %reduce_sum3A_1419 : vector<2048xf32> to vector<1x2048xf32>
    %div3A_1421 = arith.constant 6.400000e+01 : f32
    %div3A_1422 = vector.broadcast %div3A_1421 : f32 to vector<1x2048xf32>
    %div3A_1423 = arith.divf %broadcast_in_dim3A_1420, %div3A_1422 : vector<1x2048xf32>
    %add3A_1424 = arith.constant 9.99999974E-6 : f32
    %add3A_1425 = vector.broadcast %add3A_1424 : f32 to vector<1x2048xf32>
    %add3A_1426 = arith.addf %div3A_1423, %add3A_1425 : vector<1x2048xf32>
    %sqrt3A_1427 = math.sqrt %add3A_1426 : vector<1x2048xf32>
    %div3A_1428 = vector.broadcast %sqrt3A_1427 : vector<1x2048xf32> to vector<64x2048xf32>
    %div3A_1429 = arith.divf %sub3A_1401, %div3A_1428 : vector<64x2048xf32>
    %get3A_1430 = arith.constant 0 : index
    %get3A_1431 = arith.constant 0 : index
    %get3A_1432 = vector.load %arg6[%get3A_1430, %get3A_1431] : memref<64x1xf32, #tpu.memory_space<vmem>>, vector<64x1xf32>
    %mul3A_1433 = vector.broadcast %get3A_1432 : vector<64x1xf32> to vector<64x2048xf32>
    %mul3A_1434 = arith.mulf %div3A_1429, %mul3A_1433 : vector<64x2048xf32>
    %get3A_1435 = arith.constant 0 : index
    %get3A_1436 = arith.constant 0 : index
    %get3A_1437 = vector.load %arg7[%get3A_1435, %get3A_1436] : memref<64x1xf32, #tpu.memory_space<vmem>>, vector<64x1xf32>
    %add3A_1438 = vector.broadcast %get3A_1437 : vector<64x1xf32> to vector<64x2048xf32>
    %add3A_1439 = arith.addf %mul3A_1434, %add3A_1438 : vector<64x2048xf32>
    %max3A_1440 = arith.constant 0.000000e+00 : f32
    %max3A_1441 = vector.broadcast %max3A_1440 : f32 to vector<64x2048xf32>
    %max3A_1442 = arith.maximumf %add3A_1439, %max3A_1441 : vector<64x2048xf32>
    %convert_element_type3A_1443 = arith.truncf %max3A_1442 : vector<64x2048xf32> to vector<64x2048xbf16>
    %dot_general3A_1444 = arith.constant dense<0.000000e+00> : vector<1x2048xf32>
    %dot_general3A_1445 = tpu.matmul %convert_element_type3A_9, %convert_element_type3A_1443, %dot_general3A_1444 {dimension_numbers = #tpu.dot_dimension_numbers<[1], [0], [0], [1], [0, 0, 1, 1], [], []>, transpose_lhs_hint = false} : vector<1x64xbf16>, vector<64x2048xbf16>, vector<1x2048xf32> -> vector<1x2048xf32>
    %get3A_1446 = arith.constant 0 : index
    %get3A_1447 = arith.constant 0 : index
    %get3A_1448 = vector.load %arg9[%get3A_1446, %get3A_1447] : memref<1x1xf32, #tpu.memory_space<vmem>>, vector<1x1xf32>
    %add3A_1449 = vector.broadcast %get3A_1448 : vector<1x1xf32> to vector<1x2048xf32>
    %add3A_1450 = arith.addf %dot_general3A_1445, %add3A_1449 : vector<1x2048xf32>
    %get3A_1451 = arith.constant 7 : index
    %get3A_1452 = arith.constant 0 : index
    %get3A_1453 = vector.load %arg3[%get3A_1451, %get3A_1452] : memref<8x2048xf32, #tpu.memory_space<vmem>>, vector<1x2048xf32>
    %gt3A_1454 = arith.constant 0.000000e+00 : f32
    %gt3A_1455 = vector.broadcast %gt3A_1454 : f32 to vector<1x2048xf32>
    %gt3A_1456 = arith.cmpf ogt, %get3A_1453, %gt3A_1455 : vector<1x2048xf32>
    %jit3A_1457 = arith.constant -9.99999995E+11 : f32
    %broadcast_in_dim3A_1458 = vector.broadcast %jit3A_1457 : f32 to vector<1x2048xf32>
    %select_n3A_1459 = arith.select %gt3A_1456, %add3A_1450, %broadcast_in_dim3A_1458 : vector<1x2048xi1>, vector<1x2048xf32>
    %reduce_max3A_1460 = vector.shape_cast %select_n3A_1459 : vector<1x2048xf32> to vector<1x1x2048xf32>
    %reduce_max3A_1461 = arith.constant dense<0xFF800000> : vector<1xf32>
    %reduce_max3A_1462 = vector.multi_reduction <maximumf>, %reduce_max3A_1460, %reduce_max3A_1461 [1, 2] : vector<1x1x2048xf32> to vector<1xf32>
    %reduce_max3A_1463 = vector.shape_cast %reduce_max3A_1462 : vector<1xf32> to vector<1x1x1xf32>
    %reduce_max3A_1464 = vector.extract %reduce_max3A_1463[0, 0, 0] : f32 from vector<1x1x1xf32>
    %sub3A_1465 = vector.broadcast %reduce_max3A_1464 : f32 to vector<1x2048xf32>
    %sub3A_1466 = arith.subf %select_n3A_1459, %sub3A_1465 : vector<1x2048xf32>
    %exp3A_1467 = math.exp %sub3A_1466 : vector<1x2048xf32>
    %reduce_sum3A_1468 = vector.shape_cast %exp3A_1467 : vector<1x2048xf32> to vector<1x1x2048xf32>
    %reduce_sum3A_1469 = arith.constant dense<0.000000e+00> : vector<1xf32>
    %reduce_sum3A_1470 = vector.multi_reduction <add>, %reduce_sum3A_1468, %reduce_sum3A_1469 [1, 2] : vector<1x1x2048xf32> to vector<1xf32>
    %reduce_sum3A_1471 = vector.shape_cast %reduce_sum3A_1470 : vector<1xf32> to vector<1x1x1xf32>
    %reduce_sum3A_1472 = vector.extract %reduce_sum3A_1471[0, 0, 0] : f32 from vector<1x1x1xf32>
    %div3A_1473 = vector.broadcast %reduce_sum3A_1472 : f32 to vector<1x2048xf32>
    %div3A_1474 = arith.divf %exp3A_1467, %div3A_1473 : vector<1x2048xf32>
    %swap3A_1475 = arith.constant 7 : index
    %swap3A_1476 = arith.constant 0 : index
    %swap3A_1477 = vector.load %arg16[%swap3A_1475, %swap3A_1476] : memref<8x2048xf32, #tpu.memory_space<vmem>>, vector<1x2048xf32>
    tpu.vector_store %arg16[%swap3A_1475, %swap3A_1476], %div3A_1474 {strides = array<i32>} : memref<8x2048xf32, #tpu.memory_space<vmem>>, vector<1x2048xf32>,
    %slice3A_1478 = vector.extract_strided_slice %add3A_30 {offsets = [0, 7], sizes = [64, 1], strides = [1, 1]} : vector<64x8xf32> to vector<64x1xf32>
    %slice3A_1479 = vector.extract_strided_slice %convert_element_type3A_5 {offsets = [0, 64], sizes = [64, 2], strides = [1, 1]} : vector<64x66xbf16> to vector<64x2xbf16>
    %dot_general3A_1480 = arith.constant dense<0.000000e+00> : vector<64x2048xf32>
    %dot_general3A_1481 = tpu.matmul %slice3A_1479, %convert_element_type3A_1372, %dot_general3A_1480 {dimension_numbers = #tpu.dot_dimension_numbers<[1], [0], [0], [1], [0, 0, 1, 1], [], []>, transpose_lhs_hint = false} : vector<64x2xbf16>, vector<2x2048xbf16>, vector<64x2048xf32> -> vector<64x2048xf32>
    %add3A_1482 = vector.broadcast %slice3A_1478 : vector<64x1xf32> to vector<64x2048xf32>
    %add3A_1483 = arith.addf %add3A_1482, %dot_general3A_1481 : vector<64x2048xf32>
    %slice3A_1484 = vector.extract_strided_slice %add3A_1483 {offsets = [0, 0], sizes = [8, 2048], strides = [1, 1]} : vector<64x2048xf32> to vector<8x2048xf32>
    %slice3A_1485 = vector.extract_strided_slice %add3A_1483 {offsets = [8, 0], sizes = [8, 2048], strides = [1, 1]} : vector<64x2048xf32> to vector<8x2048xf32>
    %add3A_1486 = arith.addf %slice3A_1484, %slice3A_1485 : vector<8x2048xf32>
    %slice3A_1487 = vector.extract_strided_slice %add3A_1483 {offsets = [16, 0], sizes = [8, 2048], strides = [1, 1]} : vector<64x2048xf32> to vector<8x2048xf32>
    %add3A_1488 = arith.addf %add3A_1486, %slice3A_1487 : vector<8x2048xf32>
    %slice3A_1489 = vector.extract_strided_slice %add3A_1483 {offsets = [24, 0], sizes = [8, 2048], strides = [1, 1]} : vector<64x2048xf32> to vector<8x2048xf32>
    %add3A_1490 = arith.addf %add3A_1488, %slice3A_1489 : vector<8x2048xf32>
    %slice3A_1491 = vector.extract_strided_slice %add3A_1483 {offsets = [32, 0], sizes = [8, 2048], strides = [1, 1]} : vector<64x2048xf32> to vector<8x2048xf32>
    %add3A_1492 = arith.addf %add3A_1490, %slice3A_1491 : vector<8x2048xf32>
    %slice3A_1493 = vector.extract_strided_slice %add3A_1483 {offsets = [40, 0], sizes = [8, 2048], strides = [1, 1]} : vector<64x2048xf32> to vector<8x2048xf32>
    %add3A_1494 = arith.addf %add3A_1492, %slice3A_1493 : vector<8x2048xf32>
    %slice3A_1495 = vector.extract_strided_slice %add3A_1483 {offsets = [48, 0], sizes = [8, 2048], strides = [1, 1]} : vector<64x2048xf32> to vector<8x2048xf32>
    %add3A_1496 = arith.addf %add3A_1494, %slice3A_1495 : vector<8x2048xf32>
    %slice3A_1497 = vector.extract_strided_slice %add3A_1483 {offsets = [56, 0], sizes = [8, 2048], strides = [1, 1]} : vector<64x2048xf32> to vector<8x2048xf32>
    %add3A_1498 = arith.addf %add3A_1496, %slice3A_1497 : vector<8x2048xf32>
    %reduce_sum3A_1499 = arith.constant dense<0.000000e+00> : vector<2048xf32>
    %reduce_sum3A_1500 = vector.multi_reduction <add>, %add3A_1498, %reduce_sum3A_1499 [0] : vector<8x2048xf32> to vector<2048xf32>
    %broadcast_in_dim3A_1501 = vector.shape_cast %reduce_sum3A_1500 : vector<2048xf32> to vector<1x2048xf32>
    %div3A_1502 = arith.constant 6.400000e+01 : f32
    %div3A_1503 = vector.broadcast %div3A_1502 : f32 to vector<1x2048xf32>
    %div3A_1504 = arith.divf %broadcast_in_dim3A_1501, %div3A_1503 : vector<1x2048xf32>
    %sub3A_1505 = vector.broadcast %div3A_1504 : vector<1x2048xf32> to vector<64x2048xf32>
    %sub3A_1506 = arith.subf %add3A_1483, %sub3A_1505 : vector<64x2048xf32>
    %mul3A_1507 = arith.mulf %sub3A_1506, %sub3A_1506 : vector<64x2048xf32>
    %slice3A_1508 = vector.extract_strided_slice %mul3A_1507 {offsets = [0, 0], sizes = [8, 2048], strides = [1, 1]} : vector<64x2048xf32> to vector<8x2048xf32>
    %slice3A_1509 = vector.extract_strided_slice %mul3A_1507 {offsets = [8, 0], sizes = [8, 2048], strides = [1, 1]} : vector<64x2048xf32> to vector<8x2048xf32>
    %add3A_1510 = arith.addf %slice3A_1508, %slice3A_1509 : vector<8x2048xf32>
    %slice3A_1511 = vector.extract_strided_slice %mul3A_1507 {offsets = [16, 0], sizes = [8, 2048], strides = [1, 1]} : vector<64x2048xf32> to vector<8x2048xf32>
    %add3A_1512 = arith.addf %add3A_1510, %slice3A_1511 : vector<8x2048xf32>
    %slice3A_1513 = vector.extract_strided_slice %mul3A_1507 {offsets = [24, 0], sizes = [8, 2048], strides = [1, 1]} : vector<64x2048xf32> to vector<8x2048xf32>
    %add3A_1514 = arith.addf %add3A_1512, %slice3A_1513 : vector<8x2048xf32>
    %slice3A_1515 = vector.extract_strided_slice %mul3A_1507 {offsets = [32, 0], sizes = [8, 2048], strides = [1, 1]} : vector<64x2048xf32> to vector<8x2048xf32>
    %add3A_1516 = arith.addf %add3A_1514, %slice3A_1515 : vector<8x2048xf32>
    %slice3A_1517 = vector.extract_strided_slice %mul3A_1507 {offsets = [40, 0], sizes = [8, 2048], strides = [1, 1]} : vector<64x2048xf32> to vector<8x2048xf32>
    %add3A_1518 = arith.addf %add3A_1516, %slice3A_1517 : vector<8x2048xf32>
    %slice3A_1519 = vector.extract_strided_slice %mul3A_1507 {offsets = [48, 0], sizes = [8, 2048], strides = [1, 1]} : vector<64x2048xf32> to vector<8x2048xf32>
    %add3A_1520 = arith.addf %add3A_1518, %slice3A_1519 : vector<8x2048xf32>
    %slice3A_1521 = vector.extract_strided_slice %mul3A_1507 {offsets = [56, 0], sizes = [8, 2048], strides = [1, 1]} : vector<64x2048xf32> to vector<8x2048xf32>
    %add3A_1522 = arith.addf %add3A_1520, %slice3A_1521 : vector<8x2048xf32>
    %reduce_sum3A_1523 = arith.constant dense<0.000000e+00> : vector<2048xf32>
    %reduce_sum3A_1524 = vector.multi_reduction <add>, %add3A_1522, %reduce_sum3A_1523 [0] : vector<8x2048xf32> to vector<2048xf32>
    %broadcast_in_dim3A_1525 = vector.shape_cast %reduce_sum3A_1524 : vector<2048xf32> to vector<1x2048xf32>
    %div3A_1526 = arith.constant 6.400000e+01 : f32
    %div3A_1527 = vector.broadcast %div3A_1526 : f32 to vector<1x2048xf32>
    %div3A_1528 = arith.divf %broadcast_in_dim3A_1525, %div3A_1527 : vector<1x2048xf32>
    %add3A_1529 = arith.constant 9.99999974E-6 : f32
    %add3A_1530 = vector.broadcast %add3A_1529 : f32 to vector<1x2048xf32>
    %add3A_1531 = arith.addf %div3A_1528, %add3A_1530 : vector<1x2048xf32>
    %sqrt3A_1532 = math.sqrt %add3A_1531 : vector<1x2048xf32>
    %div3A_1533 = vector.broadcast %sqrt3A_1532 : vector<1x2048xf32> to vector<64x2048xf32>
    %div3A_1534 = arith.divf %sub3A_1506, %div3A_1533 : vector<64x2048xf32>
    %get3A_1535 = arith.constant 0 : index
    %get3A_1536 = arith.constant 0 : index
    %get3A_1537 = vector.load %arg12[%get3A_1535, %get3A_1536] : memref<64x1xf32, #tpu.memory_space<vmem>>, vector<64x1xf32>
    %mul3A_1538 = vector.broadcast %get3A_1537 : vector<64x1xf32> to vector<64x2048xf32>
    %mul3A_1539 = arith.mulf %div3A_1534, %mul3A_1538 : vector<64x2048xf32>
    %get3A_1540 = arith.constant 0 : index
    %get3A_1541 = arith.constant 0 : index
    %get3A_1542 = vector.load %arg13[%get3A_1540, %get3A_1541] : memref<64x1xf32, #tpu.memory_space<vmem>>, vector<64x1xf32>
    %add3A_1543 = vector.broadcast %get3A_1542 : vector<64x1xf32> to vector<64x2048xf32>
    %add3A_1544 = arith.addf %mul3A_1539, %add3A_1543 : vector<64x2048xf32>
    %max3A_1545 = arith.constant 0.000000e+00 : f32
    %max3A_1546 = vector.broadcast %max3A_1545 : f32 to vector<64x2048xf32>
    %max3A_1547 = arith.maximumf %add3A_1544, %max3A_1546 : vector<64x2048xf32>
    %convert_element_type3A_1548 = arith.truncf %max3A_1547 : vector<64x2048xf32> to vector<64x2048xbf16>
    %dot_general3A_1549 = arith.constant dense<0.000000e+00> : vector<2x2048xf32>
    %dot_general3A_1550 = tpu.matmul %convert_element_type3A_13, %convert_element_type3A_1548, %dot_general3A_1549 {dimension_numbers = #tpu.dot_dimension_numbers<[1], [0], [0], [1], [0, 0, 1, 1], [], []>, transpose_lhs_hint = false} : vector<2x64xbf16>, vector<64x2048xbf16>, vector<2x2048xf32> -> vector<2x2048xf32>
    %get3A_1551 = arith.constant 0 : index
    %get3A_1552 = arith.constant 0 : index
    %get3A_1553 = vector.load %arg15[%get3A_1551, %get3A_1552] : memref<2x1xf32, #tpu.memory_space<vmem>>, vector<2x1xf32>
    %add3A_1554 = vector.broadcast %get3A_1553 : vector<2x1xf32> to vector<2x2048xf32>
    %add3A_1555 = arith.addf %dot_general3A_1550, %add3A_1554 : vector<2x2048xf32>
    %swap3A_1556 = arith.constant 7 : index
    %swap3A_1557 = arith.constant 0 : index
    %swap3A_1558 = arith.constant 0 : index
    %swap3A_1559 = vector.load %arg17[%swap3A_1556, %swap3A_1557, %swap3A_1558] : memref<8x2x2048xf32, #tpu.memory_space<vmem>>, vector<1x2x2048xf32>
    %swap3A_1560 = vector.shape_cast %swap3A_1559 : vector<1x2x2048xf32> to vector<2x2048xf32>
    %swap3A_1561 = vector.shape_cast %add3A_1555 : vector<2x2048xf32> to vector<1x2x2048xf32>
    tpu.vector_store %arg17[%swap3A_1556, %swap3A_1557, %swap3A_1558], %swap3A_1561 {strides = array<i32>} : memref<8x2x2048xf32, #tpu.memory_space<vmem>>, vector<1x2x2048xf32>,
    return
  }
  func.func @transform_0(%arg0: i32) -> (i32, i32) {
    %c0_i32 = arith.constant 0 : i32
    %c0_i32_0 = arith.constant 0 : i32
    return %arg0, %c0_i32 : i32, i32
  }
  func.func @transform_1(%arg0: i32) -> (i32, i32) {
    %c0_i32 = arith.constant 0 : i32
    %c0_i32_0 = arith.constant 0 : i32
    return %arg0, %c0_i32 : i32, i32
  }
  func.func @transform_2(%arg0: i32) -> (i32, i32) {
    %c0_i32 = arith.constant 0 : i32
    %c0_i32_0 = arith.constant 0 : i32
    return %arg0, %c0_i32 : i32, i32
  }
  func.func @transform_3(%arg0: i32) -> (i32, i32) {
    %c0_i32 = arith.constant 0 : i32
    %c0_i32_0 = arith.constant 0 : i32
    %c0_i32_1 = arith.constant 0 : i32
    return %c0_i32, %c0_i32_0 : i32, i32
  }
  func.func @transform_4(%arg0: i32) -> (i32, i32) {
    %c0_i32 = arith.constant 0 : i32
    %c0_i32_0 = arith.constant 0 : i32
    %c0_i32_1 = arith.constant 0 : i32
    return %c0_i32, %c0_i32_0 : i32, i32
  }
  func.func @transform_5(%arg0: i32) -> (i32, i32) {
    %c0_i32 = arith.constant 0 : i32
    %c0_i32_0 = arith.constant 0 : i32
    %c0_i32_1 = arith.constant 0 : i32
    return %c0_i32, %c0_i32_0 : i32, i32
  }
  func.func @transform_6(%arg0: i32) -> (i32, i32) {
    %c0_i32 = arith.constant 0 : i32
    %c0_i32_0 = arith.constant 0 : i32
    %c0_i32_1 = arith.constant 0 : i32
    return %c0_i32, %c0_i32_0 : i32, i32
  }
  func.func @transform_7(%arg0: i32) -> (i32, i32) {
    %c0_i32 = arith.constant 0 : i32
    %c0_i32_0 = arith.constant 0 : i32
    %c0_i32_1 = arith.constant 0 : i32
    return %c0_i32, %c0_i32_0 : i32, i32
  }
  func.func @transform_8(%arg0: i32) -> (i32, i32) {
    %c0_i32 = arith.constant 0 : i32
    %c0_i32_0 = arith.constant 0 : i32
    %c0_i32_1 = arith.constant 0 : i32
    return %c0_i32, %c0_i32_0 : i32, i32
  }
  func.func @transform_9(%arg0: i32) -> (i32, i32) {
    %c0_i32 = arith.constant 0 : i32
    %c0_i32_0 = arith.constant 0 : i32
    %c0_i32_1 = arith.constant 0 : i32
    return %c0_i32, %c0_i32_0 : i32, i32
  }
  func.func @transform_10(%arg0: i32) -> (i32, i32) {
    %c0_i32 = arith.constant 0 : i32
    %c0_i32_0 = arith.constant 0 : i32
    %c0_i32_1 = arith.constant 0 : i32
    return %c0_i32, %c0_i32_0 : i32, i32
  }
  func.func @transform_11(%arg0: i32) -> (i32, i32) {
    %c0_i32 = arith.constant 0 : i32
    %c0_i32_0 = arith.constant 0 : i32
    %c0_i32_1 = arith.constant 0 : i32
    return %c0_i32, %c0_i32_0 : i32, i32
  }
  func.func @transform_12(%arg0: i32) -> (i32, i32) {
    %c0_i32 = arith.constant 0 : i32
    %c0_i32_0 = arith.constant 0 : i32
    %c0_i32_1 = arith.constant 0 : i32
    return %c0_i32, %c0_i32_0 : i32, i32
  }
  func.func @transform_13(%arg0: i32) -> (i32, i32) {
    %c0_i32 = arith.constant 0 : i32
    %c0_i32_0 = arith.constant 0 : i32
    %c0_i32_1 = arith.constant 0 : i32
    return %c0_i32, %c0_i32_0 : i32, i32
  }
  func.func @transform_14(%arg0: i32) -> (i32, i32) {
    %c0_i32 = arith.constant 0 : i32
    %c0_i32_0 = arith.constant 0 : i32
    %c0_i32_1 = arith.constant 0 : i32
    return %c0_i32, %c0_i32_0 : i32, i32
  }
  func.func @transform_15(%arg0: i32) -> (i32, i32) {
    %c0_i32 = arith.constant 0 : i32
    %c0_i32_0 = arith.constant 0 : i32
    return %arg0, %c0_i32 : i32, i32
  }
  func.func @transform_16(%arg0: i32) -> (i32, i32, i32) {
    %c0_i32 = arith.constant 0 : i32
    %c0_i32_0 = arith.constant 0 : i32
    %c0_i32_1 = arith.constant 0 : i32
    return %arg0, %c0_i32, %c0_i32_0 : i32, i32, i32
  }
}

</mosaic_0001>

<sc_bundles>
// kernel: kernel.5.cloned.1.call-start
scs
__scs_entry_jumppad:
0x0: {  	(pc) =	sbr.rel $0x88, $3  }
0x1: {  	(tag) =	ssettag $0x0;
	lr =	simm.s32 $0x1  }
0x2: {  	[smem:$0x3F92] =	sst lr;
	_ =	strace $0xD0000000  }
0x3: {  	_ = 	snop  }
0x4: {  	_ = 	snop  }
0x5: {  	_ = 	snop  }
0x6: {  	_ = 	snop  }
0x7: {  	_ = 	snop  }
__scs_overlays_trampoline_lowered:
0x8: {  	[smem:$0x3FA1] =	sst s0  }
0x9: {  	[smem:$0x3FA2] =	sst s1  }
0xa: {  	[smem:$0x3FA3] =	sst s2  }
0xb: {  	[smem:$0x3FA4] =	sst s3  }
0xc: {  	[smem:$0x3FA5] =	sst s4  }
0xd: {  	[smem:$0x3FA6] =	sst s5  }
0xe: {  	[smem:$0x3FA7] =	sst s6  }
0xf: {  	[smem:$0x3FA8] =	sst s7  }
0x10: {  	[smem:$0x3FA9] =	sst s8  }
0x11: {  	[smem:$0x3FAA] =	sst s9;
	s0 =	simm.s32 @!p0 $0x0  }
0x12: {  	s1 =	sld [smem:$0x3F90];
	s0 =	simm.s32 @p0 $0x1  }
0x13: {  	[smem:$0x3FAB] =	sst s0;
	s0 =	simm.s32 @!p1 $0x0  }
0x14: {  	s2 =	sld [smem:$0x3F8F];
	s0 =	simm.s32 @p1 $0x1  }
0x15: {  	[smem:$0x3FAC] =	sst s0;
	s0 =	simm.s32 @!p2 $0x0  }
0x16: {  	s3 =	sld [smem:$0x3FDB];
	s0 =	simm.s32 @p2 $0x1  }
0x17: {  	s4 =	simm.s32 $0x1BF5;
	[smem:$0x3FAE] =	sst s0  }
0x18: {  	s0 =	sld [smem:$0x3F91];
	_ =	swait.ge [sflag:s4], $0x0  }
0x19: {  	s7 =	sld [smem:$0x3F92]  }
0x1a: {  	s8 =	sadd.s32 $0xFFFFE003, lr  }
0x1b: {  	s9 =	sadd.s32 $0xFFFFFEF7, lr;
	s5 =	simm.s32 $0xFFFFFFFF;
	p2 =	slt.u32 s8, $0xFFFFF086  }
0x1c: {  	p1 =	slt.u32 s9, $0xF7A;
	s5 =	simm.s32 @!p2 $0x0  }
0x1d: {  	s5 =	simm.s32 @p1 $0x1;
	p0 =	seq.s32 s7, s2  }
0x1e: {  	s7 =	smul.u32 @!p0 $0xF7A, s2;
	p2 =	seq.s32 @!p0 s5, $0x0  }
0x1f: {  	s9 =	smul.u32 $0xF7A, s1;
	s8 =	simm.s32 @!p0 $0x1BF5;
	p2 =	por !p2, p0  }
0x20: {  	[sflag:s8] =	ssyncset.s32 @!p0 $0xFFFFF086;
	s6 =	sadd.s32 @!p0 s3, s7;
	s7 =	simm.s32 @!p0 $0x108  }
0x21: {  	s3 =	sadd.s32 s3, s9;
	s6 =	sadd.s32 @!p0 $0x88, s6;
	s7 =	simm.s32 @p2 $0x1082  }
0x22: {  	[simem:s7], [sflag:s8] =	dma.local @!p0 [hbm:s6], $0xF7A  }
0x23: {  	s9 =	sor.u32 $0xD0000000, s2;
	s6 =	simm.s32 $0x108;
	_ =	swait.ge @!p0 [sflag:s8], $0x0  }
0x24: {  	s3 =	sadd.s32 $0x88, s3;
	s6 =	simm.s32 @!p1 $0x1082;
	[sflag:s4] =	ssyncset.s32 $0xFFFFF086  }
0x25: {  	[simem:s6], [sflag:s4] =	dma.local [hbm:s3], $0xF7A  }
0x26: {  	[smem:$0x3F92] =	sst s1;
	(tag) =	ssettag s2;
	_ =	strace s9  }
0x27: {  	s1 =	sld [smem:$0x3FA2]  }
0x28: {  	s2 =	sld [smem:$0x3FA3]  }
0x29: {  	s4 =	sld [smem:$0x3FA5]  }
0x2a: {  	p0 =	seq.s32 s5, $0x0;
	s5 =	sld [smem:$0x3FA6]  }
0x2b: {  	s6 =	sld [smem:$0x3FA7]  }
0x2c: {  	s7 =	sld [smem:$0x3FA8]  }
0x2d: {  	s3 =	simm.s32 $0x108;
	s8 =	sld [smem:$0x3FA9]  }
0x2e: {  	s3 =	simm.s32 @!p0 $0x1082;
	s9 =	sld [smem:$0x3FAA]  }
0x2f: {  	lr =	sadd.s32 s0, s3;
	s0 =	sld [smem:$0x3FA1]  }
0x30: {  	s3 =	sld [smem:$0x3FA4]  }
0x31: {  	[smem:$0x3FAD] =	sst s10  }
0x32: {  	s10 =	sld [smem:$0x3FAB];
	_ =	sdelay $0x3  }
0x33: {  	p0 =	seq.s32 s10, $0x1;
	s10 =	sld [smem:$0x3FAD];
	_ =	sdelay $0x3  }
0x34: {  	[smem:$0x3FAD] =	sst s10  }
0x35: {  	s10 =	sld [smem:$0x3FAC];
	_ =	sdelay $0x3  }
0x36: {  	p1 =	seq.s32 s10, $0x1;
	s10 =	sld [smem:$0x3FAD];
	_ =	sdelay $0x3  }
0x37: {  	[smem:$0x3FAD] =	sst s10  }
0x38: {  	s10 =	sld [smem:$0x3FAE]  }
0x39: {  	_ = 	snop;
	(pc) =	sbr.ind lr, $3  }
0x3a: {  	_ = 	snop  }
0x3b: {  	_ = 	snop  }
0x3c: {  	p2 =	seq.s32 s10, $0x1;
	s10 =	sld [smem:$0x3FAD]  }
0x3d: {  	_ =	shalt  }
0x3e: {  	_ =	shalt  }
0x3f: {  	_ =	shalt  }
0x40: {  	_ =	shalt  }
0x41: {  	_ =	shalt  }
0x42: {  	_ =	shalt  }
0x43: {  	_ =	shalt  }
0x44: {  	_ =	shalt  }
0x45: {  	_ =	shalt  }
0x46: {  	_ =	shalt  }
0x47: {  	_ =	shalt  }
0x48: {  	_ =	shalt  }
0x49: {  	_ =	shalt  }
0x4a: {  	_ =	shalt  }
0x4b: {  	_ =	shalt  }
0x4c: {  	_ =	shalt  }
0x4d: {  	_ =	shalt  }
0x4e: {  	_ =	shalt  }
0x4f: {  	_ =	shalt  }
0x50: {  	_ =	shalt  }
0x51: {  	_ =	shalt  }
0x52: {  	_ =	shalt  }
0x53: {  	_ =	shalt  }
0x54: {  	_ =	shalt  }
0x55: {  	_ =	shalt  }
0x56: {  	_ =	shalt  }
0x57: {  	_ =	shalt  }
0x58: {  	_ =	shalt  }
0x59: {  	_ =	shalt  }
0x5a: {  	_ =	shalt  }
0x5b: {  	_ =	shalt  }
0x5c: {  	_ =	shalt  }
0x5d: {  	_ =	shalt  }
0x5e: {  	_ =	shalt  }
0x5f: {  	_ =	shalt  }
0x60: {  	_ =	shalt  }
0x61: {  	_ =	shalt  }
0x62: {  	_ =	shalt  }
0x63: {  	_ =	shalt  }
0x64: {  	_ =	shalt  }
0x65: {  	_ =	shalt  }
0x66: {  	_ =	shalt  }
0x67: {  	_ =	shalt  }
0x68: {  	_ =	shalt  }
0x69: {  	_ =	shalt  }
0x6a: {  	_ =	shalt  }
0x6b: {  	_ =	shalt  }
0x6c: {  	_ =	shalt  }
0x6d: {  	_ =	shalt  }
0x6e: {  	_ =	shalt  }
0x6f: {  	_ =	shalt  }
0x70: {  	_ =	shalt  }
0x71: {  	_ =	shalt  }
0x72: {  	_ =	shalt  }
0x73: {  	_ =	shalt  }
0x74: {  	_ =	shalt  }
0x75: {  	_ =	shalt  }
0x76: {  	_ =	shalt  }
0x77: {  	_ =	shalt  }
0x78: {  	_ =	shalt  }
0x79: {  	_ =	shalt  }
0x7a: {  	_ =	shalt  }
0x7b: {  	_ =	shalt  }
0x7c: {  	_ =	shalt  }
0x7d: {  	_ =	shalt  }
0x7e: {  	_ =	shalt  }
0x7f: {  	_ =	shalt  }
0x80: {  	_ =	shalt  }
0x81: {  	_ =	shalt  }
0x82: {  	_ =	shalt  }
0x83: {  	_ =	shalt  }
0x84: {  	_ =	shalt  }
0x85: {  	_ =	shalt  }
0x86: {  	_ =	shalt  }
0x87: {  	_ =	shalt  }
.Lfunc_end0:
.L_simem_size_0:
called_computation_lowered:
.L_overlay_start_0:
0x88: {  	s2 =	sld [smem:$0x3FD9]  }
0x89: {  	s3 =	sld [smem:$0x3FFE];
	_ =	sdelay $0x1  }
0x8a: {  	s1 =	srdreg.scid  }
0x8b: {  	s0 =	sand.u32 $0x1, s1  }
0x8c: {  	s14 =	sshll.u32 s0, $0xA;
	s2 =	sadd.s32 s3, s2  }
0x8d: {  	s2 =	sadd.s32 s2, s14  }
0x8e: {  	[smem:$0x3FB9] =	sst s2  }
0x8f: {  	_ = 	snop  }
0x90: {  	s2 =	sld [smem:$0x3FD0];
	_ =	sdelay $0x2  }
0x91: {  	s15 =	simm.s32 $0xA;
	s4 =	simm.s32 $0x10  }
0x92: {  	[smem:s4], [sflag:s15] =	dma.local [hbm:s2], $0x1  }
0x93: {  	_ =	swait.eq [sflag:s15], $0x1  }
0x94: {  	[sflag:s15] =	ssyncset.done $0x0  }
0x95: {  	[sflag:s15] =	ssyncadd.s32 $0xFFFFFFFF  }
0x96: {  	s16 =	sld [smem:$0x11];
	(tm) =	ssettm $0x1  }
0x97: {  	s17 =	sld [smem:$0x3FFB];
	_ =	sdelay $0x3  }
0x98: {  	_ =	strace s17  }
0x99: {  	s3 =	sld [smem:$0x3FFC];
	_ =	sdelay $0x3  }
0x9a: {  	_ =	strace s3  }
0x9b: {  	s3 =	sld [smem:$0x3FFD];
	_ =	sdelay $0x3  }
0x9c: {  	_ =	strace s3  }
0x9d: {  	_ =	strace $0x8FFFFFFF  }
0x9e: {  	s18 =	sld [smem:$0x3FDB];
	_ =	sdelay $0x1  }
0x9f: {  	s19 =	simm.s32 $_scs_section_size  }
0xa0: {  	s5 =	simm.s32 $_size__tile_overlayer_lowered;
	s6 =	simm.s32 $_tile_overlayer_lowered  }
0xa1: {  	s22 =	simm.s32 $0x1BFF;
	s21 =	sshll.u32 s6, $0x1;
	s3 =	sadd.s32 s19, s18  }
0xa2: {  	s7 =	simm.s32 $0x0;
	s20 =	sshll.u32 s5, $0x1;
	s5 =	sadd.s32 s21, s3  }
0xa3: {  	[timem:s7], [sflag:s22] =	dma.local [hbm:s5], s20  }
0xa4: {  	_ =	swait.ge [sflag:s22], s20  }
0xa5: {  	s4 =	ssub.s32 $0x0, s20;
	[sflag:s22] =	ssyncset.done $0x0  }
0xa6: {  	[sflag:s22] =	ssyncadd.s32 s4;
	_ =	sdelay $0x1  }
0xa7: {  	s23 =	simm.s32 $0x1B8B  }
0xa8: {  	_ =	swait.ge [sflag:s23], $0x1  }
0xa9: {  	[sflag:s23] =	ssyncset.done $0x0  }
0xaa: {  	s25 =	simm.s32 $0x1B8E;
	s24 =	sld [smem:$0x3FFE];
	[sflag:s23] =	ssyncadd.s32 $0xFFFFFFFF  }
0xab: {  	s26 =	simm.s32 $execute0_lowered;
	[smem:$0x3FD2] =	sst s25  }
0xac: {  	s5 =	sshll.u32 s26, $0x1;
	_ =	strace $0x80000046;
	[dreg:$0x1] =	wrdreg $0xFFFFFFFF  }
0xad: {  	s28 =	simm.s32 $_size_execute0_lowered;
	s3 =	sadd.s32 s3, s5;
	[dreg:$0x0] =	wrdreg $0x0  }
0xae: {  	s5 =	sshll.u32 s28, $0x1;
	[dreg:$0x2] =	wrdreg s3  }
0xaf: {  	[dreg:$0x3] =	wrdreg s5  }
0xb0: {  	[dreg:$0x4] =	wrdreg $0xC0  }
0xb1: {  	_ =	task [dreg:s7], $0x5FFFF  }
0xb2: {  	[dreg:$0x1] =	wrdreg $0xFFFFFFFF  }
0xb3: {  	[dreg:$0x0] =	wrdreg $0x60  }
0xb4: {  	[dreg:$0x2] =	wrdreg s16  }
0xb5: {  	[dreg:$0x3] =	wrdreg s24  }
0xb6: {  	[dreg:$0x4] =	wrdreg $0x9  }
0xb7: {  	_ =	task.clear_ibuf [dreg:s7], $0x5FFFF;
	_ =	strace $0x90000046  }
0xb8: {  	s29 =	simm.s32 $0x9;
	_ =	strace $0x80000048  }
0xb9: {  	_ =	swait.ge [sflag:s29], $0x1  }
0xba: {  	[sflag:s29] =	ssyncadd.s32 $0xFFFFFFFF  }
0xbb: {  	_ =	strace $0x90000048  }
0xbc: {  	_ =	sfence  }
0xbd: {  	s30 =	sld [smem:$0x0];
	_ =	sdelay $0x2  }
0xbe: {  	s31 =	sshll.u32 s1, $0xD;
	s1 =	sshrl.u32 s1, $0x2  }
0xbf: {  	s3 =	sand.u32 $0x4000, s31;
	s1 =	sadd.s32 s1, s30  }
0xc0: {  	s0 =	sor.u32 s3, s0;
	s1 =	sshll.u32 s1, $0x11  }
0xc1: {  	s0 =	sor.u32 s1, s0  }
0xc2: {  	s0 =	sadd.s32 $0x8F2B, s0  }
0xc3: {  	[sflag:s0] =	ssyncadd.remote.s32 $0x1  }
0xc4: {  	_ =	sfence.sel $0xFFFF  }
0xc5: {  	[dreg:$0x0] =	wrdreg $0xFFFFFFFF;
	(pc) =	sbr.abs _section_cstart, $3  }
0xc6: {  	[dreg:$0x1] =	wrdreg $0xFFFFFFFF  }
0xc7: {  	_ =	task.clear_ibuf [dreg:s7], $0x2FFFF;
	_ =	strace $0x9FFFFFFF  }
0xc8: {  	(tm) =	ssettm $0x7FFFFFFF  }
0xc9: {  	_ =	shalt  }
tec
execute0_lowered:
.L_overlay_start_1:
0x0: {  	(tag) =	ssettag $0x1  }
0x1: {  	s1 =	rddreg [dreg:$0x0]  }
0x2: {  	s4 =	rddreg [dreg:$0x1]  }
0x3: {  	s3 =	srdreg.scid;
	s0 =	rddreg [dreg:$0x2];
	s2 =	simm.s32 $0x0  }
0x4: {  	s8 =	simm.s32 $0x1000;
	s9 =	simm.s32 $0x0;
	s5 =	sand.u32 $0x1, s3  }
0x5: {  	[smem:$0x7FF] =	sst s2;
	s3 =	stileid.u32;
	s6 =	ssub.s32 $0x2, s5  }
0x6: {  	s4 =	sadd.s32 $0x2C00, s4;
	_ =	strace $0x80000047;
	s7 =	sshrl.u32 s6, $0x1  }
0x7: {  	v0 =	vlaneseq.u32;
	s31 =	sshll.u32 s3, $0x3;
	s5 =	sshll.u32 s5, $0x2;
	s6 =	ssub.s32 s6, s7  }
0x8: {  	v0 =	vmul.u32 $0x2, v0;
	s5 =	sor.u32 s5, s31;
	s7 =	simm.s32 $0x1;
	s6 =	smax.u32 s6, $0x1  }
.LBB2_1:
0x9: {  	s10 =	simm.s32 $0x0  }
.LBB2_2:
0xa: {  	s12 =	simm.s32 $0x0  }
0xb: {  	s11 =	sadd.s32 s5, s10;
	v1 =	vmov s12  }
0xc: {  	s11 =	sshll.u32 s11, $0x9;
	v1 =	vshll.u32 v1, $0x1  }
0xd: {  	s13 =	sadd.s32 s1, s11;
	v1 =	vor.u32 v0, v1  }
0xe: {  	[tilespmem:s12], [sflag:$0x1] =	stream.linear.gather [hbm4b:s13+s12], $0x1000, $0x38;
	[tilespmem:$0x2000] =	vst v63  }
0xf: {  	_ =	swait.ge [sflag:s7], $0x1000  }
0x10: {  	[sflag:s7] =	ssyncset.done $0x0  }
0x11: {  	[sflag:s7] =	ssyncadd.s32 $0xFFFFF000  }
0x12: {  	v2 =	vld.idx.msk [tilespmem:v1+s2+$0x0], $0xffff  }
0x13: {  	v1 =	vor.u32 $0x1, v1;
	_ =	sdelay $0x2  }
0x14: {  	s12 =	simm.s32 $0x1800  }
0x15: {  	s31 =	simm.s32 $0x10;
	[tilespmem:s12+$0xFFFFF800] =	vst v2  }
0x16: {  	s13 =	simm.s32 $0x20;
	v2 =	vmov s31;
	v1 =	vld.idx.msk [tilespmem:v1+s2+$0x0], $0xffff  }
.LBB2_3:
0x17: {  	p0 =	sne.s32 s13, $0x7F0;
	v2 =	vshll.u32 v2, $0x1  }
0x18: {  	v2 =	vor.u32 v0, v2;
	_ =	sdelay $0x3  }
0x19: {  	[tilespmem:s12+$0x0] =	vst v1  }
0x1a: {  	v1 =	vld.idx.msk [tilespmem:v2+s2+$0x0], $0xffff;
	_ =	sdelay $0x1  }
0x1b: {  	v3 =	vor.u32 $0x1, v2  }
.Ltmp0:
0x1c: {  	(pc) =	sbr.rel @p0 .LBB2_3-.Ltmp0, $4  }
0x1d: {  	_ = 	snop  }
0x1e: {  	s12 =	sadd.s32 $0x10, s12  }
0x1f: {  	[tilespmem:s12+$0xFFFFF800] =	vst v1  }
0x20: {  	v2 =	vmov s13;
	s13 =	sadd.s32 $0x10, s13;
	v1 =	vld.idx.msk [tilespmem:v3+s2+$0x0], $0xffff  }
0x21: {  	v2 =	vshll.u32 v2, $0x1  }
0x22: {  	v2 =	vor.u32 v0, v2;
	_ =	sdelay $0x3  }
0x23: {  	[tilespmem:s12+$0x0] =	vst v1  }
0x24: {  	v1 =	vld.idx.msk [tilespmem:v2+s2+$0x0], $0xffff  }
0x25: {  	v2 =	vor.u32 $0x1, v2;
	_ =	sdelay $0x2  }
0x26: {  	s31 =	sadd.s32 $0x10, s12  }
0x27: {  	[tilespmem:s31+$0xFFFFF800] =	vst v1  }
0x28: {  	v1 =	vld.idx.msk [tilespmem:v2+s2+$0x0], $0xffff;
	_ =	sdelay $0x2  }
0x29: {  	s10 =	sadd.s32 $0x1, s10  }
0x2a: {  	p0 =	sne.s32 s10, $0x4  }
.Ltmp1:
0x2b: {  	s11 =	sadd.s32 s4, s11;
	[tilespmem:s31+$0x0] =	vst v1;
	(pc) =	sbr.rel @p0 .LBB2_2-.Ltmp1, $4  }
0x2c: {  	[hbm4b:s11+s2] =	stream.linear.scatter [tilespmem:s8], [sflag:$0x1], $0x1000, $0x38;
	[tilespmem:$0x2000] =	vst v63  }
0x2d: {  	_ =	swait.ge [sflag:s7], $0x1000  }
0x2e: {  	[sflag:s7] =	ssyncset.done $0x0  }
0x2f: {  	[sflag:s7] =	ssyncadd.s32 $0xFFFFF000  }
0x30: {  	s9 =	sadd.s32 $0x1, s9  }
0x31: {  	p0 =	sne.s32 s9, s6  }
.Ltmp2:
0x32: {  	_ = 	snop;
	(pc) =	sbr.rel @p0 .LBB2_1-.Ltmp2, $1  }
0x33: {  	_ =	sdelay $0x3  }
0x34: {  	_ =	sfence.sel $0x180000  }
0x35: {  	[bflag:$0x0] =	sbarrier.arrive $0xFFFF  }
0x36: {  	p0 =	sne.s32 s3, $0x0;
	_ =	strace $0x90000047  }
0x37: {  	s0 =	sadd.s32 @!p0 $0x100000, s0;
	[bflag:$0x2] =	sbarrier.arrive $0xFFFF  }
0x38: {  	[sflag:s0] =	ssyncadd.tile.s32 @!p0 $0x1;
	_ =	shalt  }
.Lfunc_end2:
_tile_overlayer_lowered:
.L_overlay_start_2:
0x39: {  	(tag) =	ssettag $0x2  }
0x3a: {  	s0 =	rddreg [dreg:$0x0];
	s2 =	stileid.u32  }
0x3b: {  	s1 =	rddreg [dreg:$0x1];
	p0 =	sne.s32 s2, $0x0  }
0x3c: {  	s3 =	rddreg [dreg:$0x2];
	[bflag:$0x3] =	sbarrier.arrive $0xFFFF;
	s2 =	simm.s32 @!p0 $0x1C01  }
0x3d: {  	[timem:s3], [sflag:s2] =	dma.local @!p0 [hbm:s0], s1  }
0x3e: {  	s0 =	simm.s32 @!p0 $0x1  }
0x3f: {  	_ =	swait.ge @!p0 [sflag:s0], s1  }
0x40: {  	s1 =	ssub.s32 @!p0 $0x0, s1;
	[sflag:s0] =	ssyncset.done @!p0 $0x0  }
0x41: {  	[sflag:s0] =	ssyncadd.s32 @!p0 s1  }
0x42: {  	[bflag:$0x3] =	sbarrier.arrive $0xFFFF  }
0x43: {  	_ =	shalt  }

// kernel: kernel.8.cloned.1.call-start
scs
__scs_entry_jumppad:
0x0: {  	(pc) =	sbr.rel $0x88, $3  }
0x1: {  	(tag) =	ssettag $0x0;
	lr =	simm.s32 $0x1  }
0x2: {  	[smem:$0x3F92] =	sst lr;
	_ =	strace $0xD0000000  }
0x3: {  	_ = 	snop  }
0x4: {  	_ = 	snop  }
0x5: {  	_ = 	snop  }
0x6: {  	_ = 	snop  }
0x7: {  	_ = 	snop  }
__scs_overlays_trampoline_lowered:
0x8: {  	[smem:$0x3FA1] =	sst s0  }
0x9: {  	[smem:$0x3FA2] =	sst s1  }
0xa: {  	[smem:$0x3FA3] =	sst s2  }
0xb: {  	[smem:$0x3FA4] =	sst s3  }
0xc: {  	[smem:$0x3FA5] =	sst s4  }
0xd: {  	[smem:$0x3FA6] =	sst s5  }
0xe: {  	[smem:$0x3FA7] =	sst s6  }
0xf: {  	[smem:$0x3FA8] =	sst s7  }
0x10: {  	[smem:$0x3FA9] =	sst s8  }
0x11: {  	[smem:$0x3FAA] =	sst s9;
	s0 =	simm.s32 @!p0 $0x0  }
0x12: {  	s1 =	sld [smem:$0x3F90];
	s0 =	simm.s32 @p0 $0x1  }
0x13: {  	[smem:$0x3FAB] =	sst s0;
	s0 =	simm.s32 @!p1 $0x0  }
0x14: {  	s2 =	sld [smem:$0x3F8F];
	s0 =	simm.s32 @p1 $0x1  }
0x15: {  	[smem:$0x3FAC] =	sst s0;
	s0 =	simm.s32 @!p2 $0x0  }
0x16: {  	s3 =	sld [smem:$0x3FDB];
	s0 =	simm.s32 @p2 $0x1  }
0x17: {  	s4 =	simm.s32 $0x1BF5;
	[smem:$0x3FAE] =	sst s0  }
0x18: {  	s0 =	sld [smem:$0x3F91];
	_ =	swait.ge [sflag:s4], $0x0  }
0x19: {  	s7 =	sld [smem:$0x3F92]  }
0x1a: {  	s8 =	sadd.s32 $0xFFFFE003, lr  }
0x1b: {  	s9 =	sadd.s32 $0xFFFFFEF7, lr;
	s5 =	simm.s32 $0xFFFFFFFF;
	p2 =	slt.u32 s8, $0xFFFFF086  }
0x1c: {  	p1 =	slt.u32 s9, $0xF7A;
	s5 =	simm.s32 @!p2 $0x0  }
0x1d: {  	s5 =	simm.s32 @p1 $0x1;
	p0 =	seq.s32 s7, s2  }
0x1e: {  	s7 =	smul.u32 @!p0 $0xF7A, s2;
	p2 =	seq.s32 @!p0 s5, $0x0  }
0x1f: {  	s9 =	smul.u32 $0xF7A, s1;
	s8 =	simm.s32 @!p0 $0x1BF5;
	p2 =	por !p2, p0  }
0x20: {  	[sflag:s8] =	ssyncset.s32 @!p0 $0xFFFFF086;
	s6 =	sadd.s32 @!p0 s3, s7;
	s7 =	simm.s32 @!p0 $0x108  }
0x21: {  	s3 =	sadd.s32 s3, s9;
	s6 =	sadd.s32 @!p0 $0x88, s6;
	s7 =	simm.s32 @p2 $0x1082  }
0x22: {  	[simem:s7], [sflag:s8] =	dma.local @!p0 [hbm:s6], $0xF7A  }
0x23: {  	s9 =	sor.u32 $0xD0000000, s2;
	s6 =	simm.s32 $0x108;
	_ =	swait.ge @!p0 [sflag:s8], $0x0  }
0x24: {  	s3 =	sadd.s32 $0x88, s3;
	s6 =	simm.s32 @!p1 $0x1082;
	[sflag:s4] =	ssyncset.s32 $0xFFFFF086  }
0x25: {  	[simem:s6], [sflag:s4] =	dma.local [hbm:s3], $0xF7A  }
0x26: {  	[smem:$0x3F92] =	sst s1;
	(tag) =	ssettag s2;
	_ =	strace s9  }
0x27: {  	s1 =	sld [smem:$0x3FA2]  }
0x28: {  	s2 =	sld [smem:$0x3FA3]  }
0x29: {  	s4 =	sld [smem:$0x3FA5]  }
0x2a: {  	p0 =	seq.s32 s5, $0x0;
	s5 =	sld [smem:$0x3FA6]  }
0x2b: {  	s6 =	sld [smem:$0x3FA7]  }
0x2c: {  	s7 =	sld [smem:$0x3FA8]  }
0x2d: {  	s3 =	simm.s32 $0x108;
	s8 =	sld [smem:$0x3FA9]  }
0x2e: {  	s3 =	simm.s32 @!p0 $0x1082;
	s9 =	sld [smem:$0x3FAA]  }
0x2f: {  	lr =	sadd.s32 s0, s3;
	s0 =	sld [smem:$0x3FA1]  }
0x30: {  	s3 =	sld [smem:$0x3FA4]  }
0x31: {  	[smem:$0x3FAD] =	sst s10  }
0x32: {  	s10 =	sld [smem:$0x3FAB];
	_ =	sdelay $0x3  }
0x33: {  	p0 =	seq.s32 s10, $0x1;
	s10 =	sld [smem:$0x3FAD];
	_ =	sdelay $0x3  }
0x34: {  	[smem:$0x3FAD] =	sst s10  }
0x35: {  	s10 =	sld [smem:$0x3FAC];
	_ =	sdelay $0x3  }
0x36: {  	p1 =	seq.s32 s10, $0x1;
	s10 =	sld [smem:$0x3FAD];
	_ =	sdelay $0x3  }
0x37: {  	[smem:$0x3FAD] =	sst s10  }
0x38: {  	s10 =	sld [smem:$0x3FAE]  }
0x39: {  	_ = 	snop;
	(pc) =	sbr.ind lr, $3  }
0x3a: {  	_ = 	snop  }
0x3b: {  	_ = 	snop  }
0x3c: {  	p2 =	seq.s32 s10, $0x1;
	s10 =	sld [smem:$0x3FAD]  }
0x3d: {  	_ =	shalt  }
0x3e: {  	_ =	shalt  }
0x3f: {  	_ =	shalt  }
0x40: {  	_ =	shalt  }
0x41: {  	_ =	shalt  }
0x42: {  	_ =	shalt  }
0x43: {  	_ =	shalt  }
0x44: {  	_ =	shalt  }
0x45: {  	_ =	shalt  }
0x46: {  	_ =	shalt  }
0x47: {  	_ =	shalt  }
0x48: {  	_ =	shalt  }
0x49: {  	_ =	shalt  }
0x4a: {  	_ =	shalt  }
0x4b: {  	_ =	shalt  }
0x4c: {  	_ =	shalt  }
0x4d: {  	_ =	shalt  }
0x4e: {  	_ =	shalt  }
0x4f: {  	_ =	shalt  }
0x50: {  	_ =	shalt  }
0x51: {  	_ =	shalt  }
0x52: {  	_ =	shalt  }
0x53: {  	_ =	shalt  }
0x54: {  	_ =	shalt  }
0x55: {  	_ =	shalt  }
0x56: {  	_ =	shalt  }
0x57: {  	_ =	shalt  }
0x58: {  	_ =	shalt  }
0x59: {  	_ =	shalt  }
0x5a: {  	_ =	shalt  }
0x5b: {  	_ =	shalt  }
0x5c: {  	_ =	shalt  }
0x5d: {  	_ =	shalt  }
0x5e: {  	_ =	shalt  }
0x5f: {  	_ =	shalt  }
0x60: {  	_ =	shalt  }
0x61: {  	_ =	shalt  }
0x62: {  	_ =	shalt  }
0x63: {  	_ =	shalt  }
0x64: {  	_ =	shalt  }
0x65: {  	_ =	shalt  }
0x66: {  	_ =	shalt  }
0x67: {  	_ =	shalt  }
0x68: {  	_ =	shalt  }
0x69: {  	_ =	shalt  }
0x6a: {  	_ =	shalt  }
0x6b: {  	_ =	shalt  }
0x6c: {  	_ =	shalt  }
0x6d: {  	_ =	shalt  }
0x6e: {  	_ =	shalt  }
0x6f: {  	_ =	shalt  }
0x70: {  	_ =	shalt  }
0x71: {  	_ =	shalt  }
0x72: {  	_ =	shalt  }
0x73: {  	_ =	shalt  }
0x74: {  	_ =	shalt  }
0x75: {  	_ =	shalt  }
0x76: {  	_ =	shalt  }
0x77: {  	_ =	shalt  }
0x78: {  	_ =	shalt  }
0x79: {  	_ =	shalt  }
0x7a: {  	_ =	shalt  }
0x7b: {  	_ =	shalt  }
0x7c: {  	_ =	shalt  }
0x7d: {  	_ =	shalt  }
0x7e: {  	_ =	shalt  }
0x7f: {  	_ =	shalt  }
0x80: {  	_ =	shalt  }
0x81: {  	_ =	shalt  }
0x82: {  	_ =	shalt  }
0x83: {  	_ =	shalt  }
0x84: {  	_ =	shalt  }
0x85: {  	_ =	shalt  }
0x86: {  	_ =	shalt  }
0x87: {  	_ =	shalt  }
.Lfunc_end0:
.L_simem_size_0:
called_computation.1_lowered:
.L_overlay_start_0:
0x88: {  	s2 =	sld [smem:$0x3FD9]  }
0x89: {  	s3 =	sld [smem:$0x3FFE];
	_ =	sdelay $0x1  }
0x8a: {  	s1 =	srdreg.scid  }
0x8b: {  	s0 =	sand.u32 $0x1, s1  }
0x8c: {  	s16 =	sshll.u32 s0, $0xA;
	s2 =	sadd.s32 s3, s2  }
0x8d: {  	s2 =	sadd.s32 s2, s16  }
0x8e: {  	[smem:$0x3FB9] =	sst s2  }
0x8f: {  	_ = 	snop  }
0x90: {  	(tm) =	ssettm $0x1  }
0x91: {  	s17 =	sld [smem:$0x3FFB];
	_ =	sdelay $0x3  }
0x92: {  	_ =	strace s17  }
0x93: {  	s2 =	sld [smem:$0x3FFC];
	_ =	sdelay $0x3  }
0x94: {  	_ =	strace s2  }
0x95: {  	s2 =	sld [smem:$0x3FFD];
	_ =	sdelay $0x3  }
0x96: {  	_ =	strace s2  }
0x97: {  	_ =	strace $0x8FFFFFFF  }
0x98: {  	s18 =	sld [smem:$0x3FDB];
	_ =	sdelay $0x1  }
0x99: {  	s19 =	simm.s32 $_scs_section_size  }
0x9a: {  	s4 =	simm.s32 $_size__tile_overlayer_lowered;
	s5 =	simm.s32 $_tile_overlayer_lowered  }
0x9b: {  	s22 =	simm.s32 $0x1BFF;
	s21 =	sshll.u32 s5, $0x1;
	s2 =	sadd.s32 s19, s18  }
0x9c: {  	s6 =	simm.s32 $0x0;
	s20 =	sshll.u32 s4, $0x1;
	s4 =	sadd.s32 s21, s2  }
0x9d: {  	[timem:s6], [sflag:s22] =	dma.local [hbm:s4], s20  }
0x9e: {  	_ =	swait.ge [sflag:s22], s20  }
0x9f: {  	s3 =	ssub.s32 $0x0, s20;
	[sflag:s22] =	ssyncset.done $0x0  }
0xa0: {  	[sflag:s22] =	ssyncadd.s32 s3;
	_ =	sdelay $0x1  }
0xa1: {  	s23 =	simm.s32 $0x1B8B  }
0xa2: {  	_ =	swait.ge [sflag:s23], $0x1  }
0xa3: {  	[sflag:s23] =	ssyncset.done $0x0  }
0xa4: {  	s25 =	simm.s32 $0x1B8E;
	s24 =	sld [smem:$0x3FFE];
	[sflag:s23] =	ssyncadd.s32 $0xFFFFFFFF  }
0xa5: {  	s26 =	simm.s32 $execute0_lowered;
	[smem:$0x3FD2] =	sst s25  }
0xa6: {  	s4 =	sshll.u32 s26, $0x1;
	_ =	strace $0x80000049;
	[dreg:$0x1] =	wrdreg $0xFFFFFFFF  }
0xa7: {  	s28 =	simm.s32 $_size_execute0_lowered;
	s2 =	sadd.s32 s2, s4;
	[dreg:$0x0] =	wrdreg $0x0  }
0xa8: {  	s4 =	sshll.u32 s28, $0x1;
	[dreg:$0x2] =	wrdreg s2  }
0xa9: {  	[dreg:$0x3] =	wrdreg s4  }
0xaa: {  	[dreg:$0x4] =	wrdreg $0xC0  }
0xab: {  	_ =	task [dreg:s6], $0x5FFFF  }
0xac: {  	[dreg:$0x1] =	wrdreg $0xFFFFFFFF  }
0xad: {  	[dreg:$0x0] =	wrdreg $0x60  }
0xae: {  	[dreg:$0x2] =	wrdreg s24  }
0xaf: {  	[dreg:$0x3] =	wrdreg $0x9  }
0xb0: {  	_ =	task.clear_ibuf [dreg:s6], $0x4FFFF;
	_ =	strace $0x90000049  }
0xb1: {  	s29 =	simm.s32 $0x9;
	_ =	strace $0x8000004B  }
0xb2: {  	_ =	swait.ge [sflag:s29], $0x1  }
0xb3: {  	[sflag:s29] =	ssyncadd.s32 $0xFFFFFFFF  }
0xb4: {  	_ =	strace $0x9000004B  }
0xb5: {  	_ =	sfence  }
0xb6: {  	s30 =	sld [smem:$0x0];
	_ =	sdelay $0x2  }
0xb7: {  	s31 =	sshll.u32 s1, $0xD;
	s1 =	sshrl.u32 s1, $0x2  }
0xb8: {  	s3 =	sand.u32 $0x4000, s31;
	s1 =	sadd.s32 s1, s30  }
0xb9: {  	s0 =	sor.u32 s3, s0;
	s1 =	sshll.u32 s1, $0x11  }
0xba: {  	s0 =	sor.u32 s1, s0  }
0xbb: {  	s0 =	sadd.s32 $0x8F2B, s0  }
0xbc: {  	[sflag:s0] =	ssyncadd.remote.s32 $0x1  }
0xbd: {  	_ =	sfence.sel $0xFFFF  }
0xbe: {  	[dreg:$0x0] =	wrdreg $0xFFFFFFFF;
	(pc) =	sbr.abs _section_cstart, $3  }
0xbf: {  	[dreg:$0x1] =	wrdreg $0xFFFFFFFF  }
0xc0: {  	_ =	task.clear_ibuf [dreg:s6], $0x2FFFF;
	_ =	strace $0x9FFFFFFF  }
0xc1: {  	(tm) =	ssettm $0x7FFFFFFF  }
tec
execute0_lowered:
.L_overlay_start_1:
0x0: {  	(tag) =	ssettag $0x1  }
0x1: {  	vm0 =	vmmov $0x1;
	v0 =	vimm.s32 $0x0  }
0x2: {  	v0 =	vsel vm0, $0xFFFFFFFF, v0  }
0x3: {  	vm0 =	vmmov $0x3;
	[tilespmem:$0x1FF40] =	vst v0;
	v0 =	vimm.s32 $0x0  }
0x4: {  	v0 =	vsel vm0, $0xFFFFFFFF, v0  }
0x5: {  	s6 =	rddreg [dreg:$0x0];
	s1 =	simm.s32 $0x0;
	vm0 =	vmmov $0x7;
	[tilespmem:$0x1FF50] =	vst v0;
	v0 =	vimm.s32 $0x0  }
0x6: {  	[smem:$0x7FF] =	sst s1;
	v0 =	vsel vm0, $0xFFFFFFFF, v0  }
0x7: {  	s0 =	rddreg [dreg:$0x1];
	_ =	strace $0x8000004A;
	vm0 =	vmmov $0xf;
	[tilespmem:$0x1FF60] =	vst v0;
	v0 =	vimm.s32 $0x0  }
0x8: {  	v1 =	vlaneseq.u32;
	v0 =	vsel vm0, $0xFFFFFFFF, v0  }
0x9: {  	[tilespmem:$0x1FF70] =	vst v0;
	v0 =	vmul.u32 $0x8, v1;
	_ =	sdelay $0x1  }
0xa: {  	s4 =	srdreg.scid;
	v2 =	vor.u32 $0x1, v0;
	[tilespmem:$0x1FFE0] =	vst v0  }
0xb: {  	s11 =	simm.s32 $0x800;
	s12 =	simm.s32 $0x1800;
	s13 =	simm.s32 $0x2800;
	[tilespmem:$0x1FF80] =	vst v2;
	v2 =	vor.u32 $0x80, v0  }
0xc: {  	vm4 =	vmmov $0x1f;
	vm5 =	vmmov $0x3f;
	s14 =	simm.s32 $0x2840;
	s15 =	simm.s32 $0x2A40;
	s16 =	simm.s32 $0x0;
	[tilespmem:$0x1FF90] =	vst v2;
	v2 =	vor.u32 $0x81, v0  }
0xd: {  	vm6 =	vmmov $0x7f;
	vm7 =	vmmov $0xff;
	s2 =	sadd.s32 $0x12C00, s6;
	s3 =	sadd.s32 $0x2C00, s6;
	s8 =	sand.u32 $0x1, s4;
	[tilespmem:$0x1FFA0] =	vst v2;
	v2 =	vor.u32 $0x100, v0  }
0xe: {  	vm8 =	vmmov $0x1ff;
	vm9 =	vmmov $0x3ff;
	s4 =	sadd.s32 $0x1AC00, s6;
	s5 =	sadd.s32 $0x2CC00, s6;
	s9 =	ssub.s32 $0x2, s8;
	[tilespmem:$0x1FFB0] =	vst v2;
	v2 =	vor.u32 $0x101, v0  }
0xf: {  	vm10 =	vmmov $0x7ff;
	vm11 =	vmmov $0xfff;
	s7 =	sadd.s32 $0x2AC00, s6;
	s6 =	stileid.u32;
	s10 =	sshrl.u32 s9, $0x1;
	[tilespmem:$0x1FFC0] =	vst v2;
	v2 =	vor.u32 $0x180, v0  }
0x10: {  	vm12 =	vmmov $0x1fff;
	vm13 =	vmmov $0x3fff;
	s31 =	sshll.u32 s6, $0x3;
	s8 =	sshll.u32 s8, $0x2;
	s9 =	ssub.s32 s9, s10;
	v0 =	vor.u32 $0x181, v0;
	[tilespmem:$0x1FFD0] =	vst v2  }
0x11: {  	vm14 =	vmmov $0x7fff;
	v4 =	vimm.f32 $-2.000000000e+00;
	v3 =	vor.u32 $0x80000000, v1;
	s8 =	sor.u32 s8, s31;
	s10 =	simm.s32 $0x1;
	s9 =	smax.u32 s9, $0x1;
	[tilespmem:$0x1FFF0] =	vst v0  }
.LBB2_1:
0x12: {  	s17 =	simm.s32 $0x0  }
.LBB2_2:
0x13: {  	s18 =	sadd.s32 s8, s17  }
0x14: {  	s19 =	sshll.u32 s18, $0x8  }
0x15: {  	s20 =	sadd.s32 s2, s19;
	s19 =	simm.s32 $0x0  }
0x16: {  	[tilespmem:s19], [sflag:$0x1] =	stream.linear.gather [hbm4b:s20+s19], $0x800, $0x38;
	[tilespmem:$0x2C40] =	vst v63  }
0x17: {  	_ =	swait.ge [sflag:s10], $0x800  }
0x18: {  	s30 =	sshll.u32 s18, $0x9;
	[sflag:s10] =	ssyncset.done $0x0  }
0x19: {  	s21 =	sadd.s32 s3, s30;
	[sflag:s10] =	ssyncadd.s32 $0xFFFFF800  }
0x1a: {  	[tilespmem:s11], [sflag:$0x1] =	stream.linear.gather [hbm4b:s21+s19], $0x1000, $0x38;
	[tilespmem:$0x2C40] =	vst v63  }
0x1b: {  	_ =	swait.ge [sflag:s10], $0x1000  }
0x1c: {  	[sflag:s10] =	ssyncset.done $0x0  }
0x1d: {  	s20 =	sadd.s32 s4, s30;
	[sflag:s10] =	ssyncadd.s32 $0xFFFFF000  }
0x1e: {  	[tilespmem:s12], [sflag:$0x1] =	stream.linear.gather [hbm4b:s20+s19], $0x1000, $0x38;
	[tilespmem:$0x2C40] =	vst v63  }
0x1f: {  	_ =	swait.ge [sflag:s10], $0x1000  }
0x20: {  	[sflag:s10] =	ssyncset.done $0x0  }
0x21: {  	[sflag:s10] =	ssyncadd.s32 $0xFFFFF000  }
0x22: {  	v17 =	vld [tilespmem:$0x0]  }
0x23: {  	v18 =	vld [tilespmem:$0x10]  }
0x24: {  	v19 =	vld [tilespmem:$0x20]  }
0x25: {  	v20 =	vld [tilespmem:$0x30]  }
0x26: {  	v21 =	vld [tilespmem:$0x40]  }
0x27: {  	v22 =	vld [tilespmem:$0x50]  }
0x28: {  	v23 =	vld [tilespmem:$0x60]  }
0x29: {  	v24 =	vld [tilespmem:$0x70]  }
0x2a: {  	v25 =	vld [tilespmem:$0x80]  }
0x2b: {  	v26 =	vld [tilespmem:$0x90]  }
0x2c: {  	v27 =	vld [tilespmem:$0xA0]  }
0x2d: {  	v28 =	vld [tilespmem:$0xB0]  }
0x2e: {  	v29 =	vld [tilespmem:$0xC0]  }
0x2f: {  	v30 =	vld [tilespmem:$0xD0]  }
0x30: {  	v31 =	vld [tilespmem:$0xE0]  }
0x31: {  	v32 =	vld [tilespmem:$0xF0]  }
0x32: {  	v33 =	vld [tilespmem:$0x100]  }
0x33: {  	v34 =	vld [tilespmem:$0x110]  }
0x34: {  	v35 =	vld [tilespmem:$0x120]  }
0x35: {  	v36 =	vld [tilespmem:$0x130]  }
0x36: {  	v37 =	vld [tilespmem:$0x140]  }
0x37: {  	v38 =	vld [tilespmem:$0x150]  }
0x38: {  	v39 =	vld [tilespmem:$0x160]  }
0x39: {  	v40 =	vld [tilespmem:$0x170]  }
0x3a: {  	v41 =	vld [tilespmem:$0x180]  }
0x3b: {  	v42 =	vld [tilespmem:$0x190]  }
0x3c: {  	v43 =	vld [tilespmem:$0x1A0]  }
0x3d: {  	v44 =	vld [tilespmem:$0x1B0]  }
0x3e: {  	v45 =	vld [tilespmem:$0x1C0]  }
0x3f: {  	v46 =	vld [tilespmem:$0x1D0]  }
0x40: {  	v47 =	vld [tilespmem:$0x1E0]  }
0x41: {  	v48 =	vld [tilespmem:$0x1F0]  }
0x42: {  	v49 =	vld [tilespmem:$0x200]  }
0x43: {  	v50 =	vld [tilespmem:$0x210]  }
0x44: {  	v51 =	vld [tilespmem:$0x220]  }
0x45: {  	v52 =	vld [tilespmem:$0x230]  }
0x46: {  	v53 =	vld [tilespmem:$0x240]  }
0x47: {  	v54 =	vld [tilespmem:$0x250]  }
0x48: {  	v55 =	vld [tilespmem:$0x260]  }
0x49: {  	v56 =	vld [tilespmem:$0x270]  }
0x4a: {  	v57 =	vld [tilespmem:$0x280]  }
0x4b: {  	v58 =	vld [tilespmem:$0x290]  }
0x4c: {  	v59 =	vld [tilespmem:$0x2A0]  }
0x4d: {  	v60 =	vld [tilespmem:$0x2B0]  }
0x4e: {  	v61 =	vld [tilespmem:$0x2C0]  }
0x4f: {  	v0 =	vld [tilespmem:$0x2D0]  }
0x50: {  	v7 =	vld [tilespmem:$0x300]  }
0x51: {  	v5 =	vld [tilespmem:$0x310]  }
0x52: {  	v8 =	vld [tilespmem:$0x320]  }
0x53: {  	v62 =	vld [tilespmem:$0x330]  }
0x54: {  	v11 =	vld [tilespmem:$0x380]  }
0x55: {  	v9 =	vld [tilespmem:$0x3A0]  }
0x56: {  	v15 =	vld [tilespmem:$0x3B0]  }
0x57: {  	v2 =	vld [tilespmem:$0x3C0]  }
0x58: {  	v6 =	vld [tilespmem:$0x400]  }
0x59: {  	v10 =	vld [tilespmem:$0x420]  }
0x5a: {  	v63 =	vld [tilespmem:$0x430]  }
0x5b: {  	v12 =	vld [tilespmem:$0x440]  }
0x5c: {  	v14 =	vld [tilespmem:$0x480]  }
0x5d: {  	v13 =	vld [tilespmem:$0x4A0]  }
0x5e: {  	v16 =	vld [tilespmem:$0x500]  }
0x5f: {  	[tilespmem:$0x1FDF0] =	vst v0;
	v0 =	vld [tilespmem:$0x2E0]  }
0x60: {  	[tilespmem:$0x1FE50] =	vst v2;
	v2 =	vld [tilespmem:$0x3D0]  }
0x61: {  	[tilespmem:$0x1FE90] =	vst v12;
	v12 =	vld [tilespmem:$0x450]  }
0x62: {  	[tilespmem:$0x1FEC0] =	vst v13;
	v13 =	vld [tilespmem:$0x4B0]  }
0x63: {  	v17 =	vmax.f32 v17, v18;
	v18 =	vld [tilespmem:$0x520]  }
0x64: {  	v34 =	vmax.f32 v33, v34;
	v33 =	vld [tilespmem:$0x620]  }
0x65: {  	v5 =	vmax.f32 v7, v5;
	v7 =	vld [tilespmem:$0x690]  }
0x66: {  	v17 =	vmax.f32 v17, v19;
	v19 =	vmax.f32 v25, v26;
	v25 =	vld [tilespmem:$0x530]  }
0x67: {  	v26 =	vld [tilespmem:$0x580]  }
0x68: {  	v5 =	vmax.f32 v5, v8;
	v8 =	vld [tilespmem:$0x6A0]  }
0x69: {  	v17 =	vmax.f32 v17, v20;
	v20 =	vld [tilespmem:$0x540]  }
0x6a: {  	v19 =	vmax.f32 v19, v27;
	v17 =	vmax.f32 v17, v21;
	v21 =	vld [tilespmem:$0x550]  }
0x6b: {  	v19 =	vmax.f32 v19, v28;
	v28 =	vld [tilespmem:$0x590]  }
0x6c: {  	v17 =	vmax.f32 v17, v22;
	v22 =	vld [tilespmem:$0x560]  }
0x6d: {  	[tilespmem:$0x1FE00] =	vst v0;
	v0 =	vld [tilespmem:$0x2F0]  }
0x6e: {  	[tilespmem:$0x1FE70] =	vst v2;
	v2 =	vld [tilespmem:$0x3E0]  }
0x6f: {  	[tilespmem:$0x1FEB0] =	vst v12;
	v12 =	vld [tilespmem:$0x460]  }
0x70: {  	[tilespmem:$0x1FEE0] =	vst v13;
	v13 =	vld [tilespmem:$0x4C0]  }
0x71: {  	v19 =	vmax.f32 v19, v29;
	v17 =	vmax.f32 v17, v23;
	v23 =	vld [tilespmem:$0x570]  }
0x72: {  	v19 =	vmax.f32 v19, v30;
	v30 =	vld [tilespmem:$0x5A0]  }
0x73: {  	v17 =	vmax.f32 v17, v24;
	v19 =	vmax.f32 v19, v31;
	v31 =	vld [tilespmem:$0x5B0]  }
0x74: {  	v24 =	vmax.f32 v34, v35;
	v35 =	vmax.f32 v41, v42;
	v19 =	vmax.f32 v19, v32;
	v32 =	vld [tilespmem:$0x5C0]  }
0x75: {  	v27 =	vmax.f32 v35, v43;
	v35 =	vld [tilespmem:$0x630]  }
0x76: {  	v24 =	vmax.f32 v24, v36;
	v36 =	vmax.f32 v49, v50;
	(xrf0) =	vmax.scan.msk.f32 $0xffff, v17;
	v50 =	vmax.f32 v57, v58;
	v58 =	vld [tilespmem:$0x1FF60]  }
0x77: {  	(xrf0) =	vmax.scan.msk.f32 $0xffff, v19;
	v19 =	vld [tilespmem:$0x600]  }
0x78: {  	v24 =	vmax.f32 v24, v37;
	v29 =	vmax.f32 v36, v51;
	v37 =	vld [tilespmem:$0x640]  }
0x79: {  	v29 =	vmax.f32 v29, v52;
	v52 =	vld [tilespmem:$0x1FF40]  }
0x7a: {  	[tilespmem:$0x1FE10] =	vst v0;
	v0 =	vld [tilespmem:$0x340]  }
0x7b: {  	[tilespmem:$0x1FE80] =	vst v2;
	v2 =	vld [tilespmem:$0x3F0]  }
0x7c: {  	[tilespmem:$0x1FED0] =	vst v12;
	v12 =	vld [tilespmem:$0x470]  }
0x7d: {  	v27 =	vmax.f32 v27, v44;
	[tilespmem:$0x1FF00] =	vst v13;
	v13 =	vld [tilespmem:$0x4D0]  }
0x7e: {  	v24 =	vmax.f32 v24, v38;
	v27 =	vmax.f32 v27, v45;
	v41 =	vmax.f32 v29, v53;
	v29 =	vld [tilespmem:$0x5D0]  }
0x7f: {  	v38 =	vmax.f32 v24, v39;
	v39 =	vmax.f32 v27, v46;
	v27 =	vld [tilespmem:$0x5E0]  }
0x80: {  	v24 =	vld [tilespmem:$0x5F0]  }
0x81: {  	v53 =	vmax.f32 v50, v59;
	v59 =	vld [tilespmem:$0x1FF70]  }
0x82: {  	v50 =	vld [tilespmem:$0x710]  }
0x83: {  	v42 =	vmax.f32 v39, v47;
	v39 =	vld [tilespmem:$0x650]  }
0x84: {  	v43 =	vmax.f32 v41, v54;
	v41 =	vld [tilespmem:$0x680]  }
0x85: {  	v5 =	vmax.f32 v5, v62;
	v17 =	vmax.f32 v38, v40;
	v62 =	vld [tilespmem:$0x1FE10]  }
0x86: {  	(xrf0) =	vmax.scan.msk.f32 $0xffff, v17;
	v17 =	vld [tilespmem:$0x610]  }
0x87: {  	v44 =	vmax.f32 v42, v48;
	v42 =	vld [tilespmem:$0x660]  }
0x88: {  	v45 =	vmax.f32 v43, v55;
	v43 =	vld [tilespmem:$0x670]  }
0x89: {  	[tilespmem:$0x1FE20] =	vst v0;
	v0 =	vld [tilespmem:$0x350]  }
0x8a: {  	v46 =	vmax.f32 v45, v56;
	v56 =	vld [tilespmem:$0x1FF50]  }
0x8b: {  	(xrf0) =	vmax.scan.msk.f32 $0xffff, v44;
	v45 =	vld [tilespmem:$0x1FE80]  }
0x8c: {  	(xrf0) =	vmax.scan.msk.f32 $0xffff, v46;
	v46 =	vld [tilespmem:$0x1FE90]  }
0x8d: {  	vm0 =	vnez.u8 v52;
	v52 =	vld [tilespmem:$0x1FEE0]  }
0x8e: {  	[tilespmem:$0x1FE30] =	vst v0;
	v0 =	vld [tilespmem:$0x360]  }
0x8f: {  	[tilespmem:$0x1FEA0] =	vst v2;
	v2 =	vld [tilespmem:$0x410]  }
0x90: {  	v47, _, _ =	vpop (xrf0);
	[tilespmem:$0x1FEF0] =	vst v12;
	v12 =	vld [tilespmem:$0x490]  }
0x91: {  	v48, _, _ =	vpop (xrf0);
	[tilespmem:$0x1FF10] =	vst v13;
	v13 =	vld [tilespmem:$0x4E0]  }
0x92: {  	v36 =	vbroadcast v48, $0xF;
	v48 =	vld [tilespmem:$0x1FEB0]  }
0x93: {  	[tilespmem:$0x1FE40] =	vst v0;
	v0 =	vld [tilespmem:$0x370]  }
0x94: {  	v34 =	vbroadcast v47, $0xF;
	v40 =	vld [tilespmem:$0x1FE20]  }
0x95: {  	v47 =	vld [tilespmem:$0x1FEA0]  }
0x96: {  	v34 =	vsel vm0, v34, v36;
	v36 =	vmax.f32 v53, v60;
	v60 =	vld [tilespmem:$0x1FDF0]  }
0x97: {  	v53 =	vld [tilespmem:$0x720]  }
0x98: {  	[tilespmem:$0x1FE60] =	vst v0;
	v0 =	vld [tilespmem:$0x390]  }
0x99: {  	v36 =	vmax.f32 v36, v61;
	v61 =	vld [tilespmem:$0x1FE00]  }
0x9a: {  	v49, _, _ =	vpop (xrf0);
	vm0 =	vnez.u8 v56;
	v56 =	vld [tilespmem:$0x730]  }
0x9b: {  	v38 =	vbroadcast v49, $0xF;
	v49 =	vld [tilespmem:$0x1FEC0]  }
0x9c: {  	[tilespmem:$0x1FF20] =	vst v13;
	v13 =	vld [tilespmem:$0x4F0]  }
0x9d: {  	v2 =	vmax.f32 v6, v2;
	v6 =	vld [tilespmem:$0x6D0];
	v0 =	vmax.f32 v11, v0  }
0x9e: {  	v44 =	vld [tilespmem:$0x1FE30];
	v0 =	vmax.f32 v0, v9  }
0x9f: {  	v0 =	vmax.f32 v0, v15;
	v15 =	vld [tilespmem:$0x1FE40]  }
0xa0: {  	v51, _, _ =	vpop (xrf0);
	v12 =	vmax.f32 v14, v12;
	v14 =	vld [tilespmem:$0x700]  }
0xa1: {  	v54 =	vbroadcast v51, $0xF;
	v51 =	vld [tilespmem:$0x1FED0]  }
0xa2: {  	v55, _, _ =	vpop (xrf0);
	v5 =	vmax.f32 v5, v40;
	v2 =	vmax.f32 v2, v10;
	v10 =	vld [tilespmem:$0x6E0]  }
0xa3: {  	v57 =	vbroadcast v55, $0xF;
	v55 =	vld [tilespmem:$0x1FF00];
	v5 =	vmax.f32 v5, v44  }
0xa4: {  	v5 =	vmax.f32 v5, v15;
	v15 =	vld [tilespmem:$0x1FE50]  }
0xa5: {  	v34 =	vsel vm0, v34, v38;
	vm0 =	vnez.u8 v58;
	v40 =	vld [tilespmem:$0x760]  }
0xa6: {  	v34 =	vsel vm0, v34, v54;
	v54 =	vld [tilespmem:$0x1FEF0]  }
0xa7: {  	vm0 =	vnez.u8 v59;
	v59 =	vld [tilespmem:$0x740]  }
0xa8: {  	v17 =	vmax.f32 v19, v17;
	v36 =	vmax.f32 v36, v60;
	v60 =	vld [tilespmem:$0x1FF20]  }
0xa9: {  	v7 =	vmax.f32 v41, v7;
	v17 =	vmax.f32 v17, v33;
	v0 =	vmax.f32 v0, v15;
	v15 =	vld [tilespmem:$0x1FE60]  }
0xaa: {  	v7 =	vmax.f32 v7, v8;
	v17 =	vmax.f32 v17, v35;
	[tilespmem:$0x1FF30] =	vst v13;
	v13 =	vld [tilespmem:$0x510]  }
0xab: {  	v17 =	vmax.f32 v17, v37;
	v2 =	vmax.f32 v2, v63;
	v34 =	vsel vm0, v34, v57;
	v57 =	vld [tilespmem:$0x1FF10]  }
0xac: {  	v58 =	vmax.f32 v26, v28;
	v36 =	vmax.f32 v36, v61;
	v2 =	vmax.f32 v2, v46;
	v46 =	vld [tilespmem:$0x790]  }
0xad: {  	v61 =	vmax.f32 v58, v30;
	v36 =	vmax.f32 v36, v62;
	v12 =	vmax.f32 v12, v49;
	v63 =	vld [tilespmem:$0x1FF30]  }
0xae: {  	v2 =	vmax.f32 v2, v48;
	v12 =	vmax.f32 v12, v52;
	v5 =	vmax.f32 v5, v15;
	v15 =	vld [tilespmem:$0x1FE70]  }
0xaf: {  	v62 =	vld [tilespmem:$0x750];
	v2 =	vmax.f32 v2, v51;
	v12 =	vmax.f32 v12, v55;
	v13 =	vmax.f32 v16, v13  }
0xb0: {  	v49 =	vld [tilespmem:$0x7C0];
	v48 =	vmax.f32 v14, v50;
	v12 =	vmax.f32 v12, v57;
	v13 =	vmax.f32 v13, v18  }
0xb1: {  	v2 =	vmax.f32 v2, v54;
	v12 =	vmax.f32 v12, v60;
	v13 =	vmax.f32 v13, v25;
	v11 =	vld [tilespmem:$0x6B0]  }
0xb2: {  	v12 =	vmax.f32 v12, v63;
	v13 =	vmax.f32 v13, v20;
	v20 =	vmax.f32 v61, v31;
	v9 =	vld [tilespmem:$0x6C0]  }
0xb3: {  	v13 =	vmax.f32 v13, v21;
	v20 =	vmax.f32 v20, v32;
	v0 =	vmax.f32 v0, v15;
	v15 =	vld [tilespmem:$0x6F0]  }
0xb4: {  	(xrf0) =	vmax.scan.msk.f32 $0xffff, v36;
	v13 =	vmax.f32 v13, v22;
	v20 =	vmax.f32 v20, v29;
	v0 =	vmax.f32 v0, v45;
	v45 =	vld [tilespmem:$0x780]  }
0xb5: {  	v13 =	vmax.f32 v13, v23;
	v20 =	vmax.f32 v20, v27;
	(xrf0) =	vmax.scan.msk.f32 $0xffff, v5;
	v0 =	vmax.f32 v0, v47;
	v47 =	vld [tilespmem:$0x7A0]  }
0xb6: {  	v14 =	vld [tilespmem:$0x7B0];
	v7 =	vmax.f32 v7, v11;
	v5 =	vmax.f32 v20, v24;
	(xrf0) =	vmax.scan.msk.f32 $0xffff, v0;
	v0 =	vmax.f32 v17, v39  }
0xb7: {  	v44 =	vld [tilespmem:$0x770];
	(xrf0) =	vmax.scan.msk.f32 $0xffff, v2;
	v0 =	vmax.f32 v0, v42;
	v2 =	vmax.f32 v7, v9;
	v7 =	vmax.f32 v48, v53  }
0xb8: {  	(xrf0) =	vmax.scan.msk.f32 $0xffff, v12;
	v0 =	vmax.f32 v0, v43;
	v2 =	vmax.f32 v2, v6;
	v6 =	vmax.f32 v7, v56;
	v7 =	vld [tilespmem:$0x7D0]  }
0xb9: {  	v51 =	vld [tilespmem:$0x7E0];
	(xrf0) =	vmax.scan.msk.f32 $0xffff, v13;
	v2 =	vmax.f32 v2, v10;
	v6 =	vmax.f32 v6, v59;
	v50 =	vmax.f32 v45, v46  }
0xba: {  	v52 =	vld [tilespmem:$0x7F0];
	v12, _, _ =	vpop (xrf0);
	(xrf0) =	vmax.scan.msk.f32 $0xffff, v5;
	v2 =	vmax.f32 v2, v15;
	v5 =	vmax.f32 v6, v62;
	v6 =	vmax.f32 v50, v47  }
0xbb: {  	v53, _, _ =	vpop (xrf0);
	(xrf0) =	vmax.scan.msk.f32 $0xffff, v0;
	v0 =	vmax.f32 v5, v40;
	v5 =	vbroadcast v12, $0xF;
	v6 =	vmax.f32 v6, v14  }
0xbc: {  	v12, _, _ =	vpop (xrf0);
	(xrf0) =	vmax.scan.msk.f32 $0xffff, v2;
	v0 =	vmax.f32 v0, v44;
	v2 =	vmax.f32 v6, v49;
	v6 =	vbroadcast v53, $0xF  }
0xbd: {  	v5 =	vsel vm4, v34, v5;
	v54, _, _ =	vpop (xrf0);
	(xrf0) =	vmax.scan.msk.f32 $0xffff, v0;
	v0 =	vbroadcast v12, $0xF;
	v2 =	vmax.f32 v2, v7  }
0xbe: {  	v7, _, _ =	vpop (xrf0);
	v5 =	vsel vm5, v5, v6;
	v6 =	vbroadcast v54, $0xF;
	v2 =	vmax.f32 v2, v51  }
0xbf: {  	v55, _, _ =	vpop (xrf0);
	v0 =	vsel vm6, v5, v0;
	v2 =	vmax.f32 v2, v52  }
0xc0: {  	v5 =	vbroadcast v7, $0xF;
	v0 =	vsel vm7, v0, v6;
	v6 =	vbroadcast v55, $0xF  }
0xc1: {  	v7, _, _ =	vpop (xrf0)  }
0xc2: {  	(xrf0) =	vmax.scan.msk.f32 $0xffff, v2;
	v0 =	vsel vm8, v0, v5;
	v5 =	vbroadcast v7, $0xF;
	v2, _, _ =	vpop (xrf0)  }
0xc3: {  	v0 =	vsel vm9, v0, v6;
	v7, _, _ =	vpop (xrf0);
	v2 =	vbroadcast v2, $0xF  }
0xc4: {  	v0 =	vsel vm10, v0, v5;
	v6, _, _ =	vpop (xrf0)  }
0xc5: {  	v0 =	vsel vm11, v0, v2;
	v2 =	vbroadcast v6, $0xF  }
0xc6: {  	v5 =	vbroadcast v7, $0xF;
	_ =	sdelay $0x1  }
0xc7: {  	v0 =	vsel vm12, v0, v5  }
0xc8: {  	v0 =	vsel vm13, v0, v2;
	v2, _, _ =	vpop (xrf0)  }
0xc9: {  	v12 =	vsel vm14, v0, v2  }
0xca: {  	(xrf0) =	vmax.scan.msk.f32 $0xffff, v12;
	_ =	sdelay $0x5  }
0xcb: {  	v0, _, _ =	vpop (xrf0)  }
0xcc: {  	v0 =	vbroadcast v0, $0xF;
	_ =	sdelay $0x1  }
0xcd: {  	vm15 =	veq.f32 v12, v0  }
0xce: {  	v2 =	vnsel vm15, $0x80000010, v3  }
0xcf: {  	(xrf0) =	vmin.scan.msk.u32 $0xffff, v2;
	_ =	sdelay $0x5  }
0xd0: {  	v2, _, _ =	vpop (xrf0)  }
0xd1: {  	(v2sf) =	vpush v2, $0xF;
	_ =	sdelay $0xe  }
0xd2: {  	v2 =	vimm.s32 $0x0;
	s20 =	spop (v2sf)  }
0xd3: {  	[tilespmem:$0x2830] =	vst v2;
	s31 =	sshll.u32 s20, $0x7  }
0xd4: {  	v2 =	vld [tilespmem:s31+$0x0];
	_ =	sdelay $0x1  }
0xd5: {  	v5 =	vld [tilespmem:s31+$0x10];
	_ =	sdelay $0x1  }
0xd6: {  	v6 =	vld [tilespmem:s31+$0x20]  }
0xd7: {  	vm15 =	vgt.f32 v2, $-4.000000000e+00  }
0xd8: {  	v7 =	vld [tilespmem:s31+$0x30];
	v2 =	vnsel vm15, $0xC0800000, v2  }
0xd9: {  	vm0 =	vgt.f32 v5, v2  }
0xda: {  	v2 =	vsel vm0, v5, v2;
	v5 =	vld [tilespmem:s31+$0x40]  }
0xdb: {  	vm1 =	vgt.f32 v6, v2  }
0xdc: {  	v2 =	vsel vm1, v6, v2;
	v6 =	vld [tilespmem:s31+$0x50]  }
0xdd: {  	vm2 =	vgt.f32 v7, v2  }
0xde: {  	s22 =	sor.u32 $0x10, s31;
	v56 =	vor.u32 s31, v1;
	v2 =	vsel vm2, v7, v2;
	v7 =	vld [tilespmem:s31+$0x60]  }
0xdf: {  	s23 =	sor.u32 $0x20, s31;
	v57 =	vor.u32 s22, v1;
	v8 =	vnsel vm15, $0x0, v56;
	vm15 =	vgt.f32 v5, v2  }
0xe0: {  	s24 =	sor.u32 $0x30, s31;
	v58 =	vor.u32 s23, v1;
	v8 =	vsel vm0, v57, v8;
	v2 =	vsel vm15, v5, v2;
	v5 =	vld [tilespmem:s31+$0x70]  }
0xe1: {  	s25 =	sor.u32 $0x40, s31;
	v59 =	vor.u32 s24, v1;
	v8 =	vsel vm1, v58, v8;
	vm0 =	vgt.f32 v6, v2  }
0xe2: {  	s26 =	sor.u32 $0x50, s31;
	v60 =	vor.u32 s25, v1;
	v8 =	vsel vm2, v59, v8;
	v2 =	vsel vm0, v6, v2  }
0xe3: {  	s28 =	sor.u32 $0x60, s31;
	v61 =	vor.u32 s26, v1;
	v6 =	vsel vm15, v60, v8;
	vm1 =	vgt.f32 v7, v2  }
0xe4: {  	s29 =	sor.u32 $0x70, s31;
	v6 =	vsel vm0, v61, v6;
	v2 =	vsel vm1, v7, v2;
	v7 =	vor.u32 s28, v1  }
0xe5: {  	v6 =	vsel vm1, v7, v6;
	vm0 =	vgt.f32 v5, v2;
	v7 =	vor.u32 s29, v1  }
0xe6: {  	v2 =	vsel vm0, v5, v2;
	v5 =	vsel vm0, v7, v6  }
0xe7: {  	vm0 =	veq.f32 v2, v0;
	v0 =	vxor.u32 $0x80000000, v5  }
0xe8: {  	v0 =	vnsel vm0, $0xC0000000, v0  }
0xe9: {  	(xrf0) =	vmin.scan.msk.u32 $0xffff, v0;
	_ =	sdelay $0x5  }
0xea: {  	v0, _, _ =	vpop (xrf0)  }
0xeb: {  	(v2sf) =	vpush v0, $0xF;
	_ =	sdelay $0xe  }
0xec: {  	s30 =	spop (v2sf)  }
0xed: {  	v0 =	vmov s19;
	s22 =	sxor.u32 $0x80000000, s30  }
0xee: {  	v2 =	vmov s22;
	_ =	sdelay $0x3  }
0xef: {  	[tilespmem:v0+s13+$0x0] =	vst.idx.msk $0x1, v2  }
0xf0: {  	[tilespmem:v2+s1+$0x0] =	vst.idx.msk $0x1, v4  }
0xf1: {  	v0 =	vld [tilespmem:s31+$0x0]  }
0xf2: {  	v2 =	vld [tilespmem:s31+$0x10]  }
0xf3: {  	v5 =	vld [tilespmem:s31+$0x20]  }
0xf4: {  	v6 =	vld [tilespmem:s31+$0x30]  }
0xf5: {  	v7 =	vld [tilespmem:s31+$0x40]  }
0xf6: {  	v62 =	vld [tilespmem:s31+$0x50]  }
0xf7: {  	v63 =	vld [tilespmem:s31+$0x60];
	v0 =	vmax.f32 v0, v2  }
0xf8: {  	v2 =	vld [tilespmem:s31+$0x70];
	v0 =	vmax.f32 v0, v5  }
0xf9: {  	v0 =	vmax.f32 v0, v6  }
0xfa: {  	v0 =	vmax.f32 v0, v7  }
0xfb: {  	v0 =	vmax.f32 v0, v62  }
0xfc: {  	v0 =	vmax.f32 v0, v63  }
0xfd: {  	v0 =	vmax.f32 v0, v2  }
0xfe: {  	(xrf0) =	vmax.scan.msk.f32 $0xffff, v0;
	_ =	sdelay $0x3  }
0xff: {  	s31 =	sxor.u32 $0x80000000, s20  }
0x100: {  	v0 =	vmov s31  }
0x101: {  	s19 =	simm.s32 $0x1;
	vm15 =	veq.s32 v0, v1;
	v13, _, _ =	vpop (xrf0)  }
.LBB2_3:
0x102: {  	p0 =	sne.s32 s19, $0x31;
	v0 =	vbroadcast v13, $0xF;
	s20 =	smov.u32 s19;
	s19 =	sadd.s32 $0x1, s19  }
0x103: {  	_ = 	snop  }
0x104: {  	v12 =	vsel vm15, v0, v12  }
0x105: {  	(xrf0) =	vmax.scan.msk.f32 $0xffff, v12;
	_ =	sdelay $0x5  }
0x106: {  	v0, _, _ =	vpop (xrf0)  }
0x107: {  	v0 =	vbroadcast v0, $0xF;
	_ =	sdelay $0x1  }
0x108: {  	vm0 =	veq.f32 v12, v0  }
0x109: {  	v2 =	vnsel vm0, $0x80000010, v3  }
0x10a: {  	(xrf0) =	vmin.scan.msk.u32 $0xffff, v2;
	_ =	sdelay $0x5  }
0x10b: {  	v2, _, _ =	vpop (xrf0)  }
0x10c: {  	(v2sf) =	vpush v2, $0xF;
	_ =	sdelay $0xe  }
0x10d: {  	s21 =	spop (v2sf)  }
0x10e: {  	s22 =	sxor.u32 $0x80000000, s21;
	s21 =	sshll.u32 s21, $0x7  }
0x10f: {  	v2 =	vld [tilespmem:s21+$0x0];
	s23 =	sor.u32 $0x10, s21;
	s24 =	sor.u32 $0x20, s21;
	s25 =	sor.u32 $0x30, s21;
	v5 =	vmov s22  }
0x110: {  	s22 =	sor.u32 $0x40, s21;
	s26 =	sor.u32 $0x50, s21;
	s28 =	sor.u32 $0x60, s21;
	vm15 =	veq.s32 v5, v1  }
0x111: {  	s29 =	sor.u32 $0x70, s21;
	v5 =	vld [tilespmem:s21+$0x10];
	_ =	sdelay $0x1  }
0x112: {  	v6 =	vld [tilespmem:s21+$0x20]  }
0x113: {  	vm0 =	vgt.f32 v2, $-4.000000000e+00  }
0x114: {  	v2 =	vnsel vm0, $0xC0800000, v2;
	v7 =	vld [tilespmem:s21+$0x30]  }
0x115: {  	vm1 =	vgt.f32 v5, v2  }
0x116: {  	v2 =	vsel vm1, v5, v2;
	v5 =	vld [tilespmem:s21+$0x40]  }
0x117: {  	vm2 =	vgt.f32 v6, v2  }
0x118: {  	v2 =	vsel vm2, v6, v2;
	v6 =	vld [tilespmem:s21+$0x50]  }
0x119: {  	vm3 =	vgt.f32 v7, v2  }
0x11a: {  	v8 =	vor.u32 s21, v1;
	v2 =	vsel vm3, v7, v2;
	v7 =	vld [tilespmem:s21+$0x60]  }
0x11b: {  	v9 =	vor.u32 s23, v1;
	v8 =	vnsel vm0, $0x0, v8;
	vm0 =	vgt.f32 v5, v2  }
0x11c: {  	v8 =	vsel vm1, v9, v8;
	v9 =	vor.u32 s24, v1;
	v2 =	vsel vm0, v5, v2;
	v5 =	vld [tilespmem:s21+$0x70]  }
0x11d: {  	v8 =	vsel vm2, v9, v8;
	v9 =	vor.u32 s25, v1;
	vm1 =	vgt.f32 v6, v2  }
0x11e: {  	v8 =	vsel vm3, v9, v8;
	v9 =	vor.u32 s22, v1;
	v2 =	vsel vm1, v6, v2  }
0x11f: {  	v6 =	vsel vm0, v9, v8;
	v8 =	vor.u32 s26, v1;
	vm0 =	vgt.f32 v7, v2  }
0x120: {  	v6 =	vsel vm1, v8, v6;
	v2 =	vsel vm0, v7, v2;
	v7 =	vor.u32 s28, v1  }
0x121: {  	v6 =	vsel vm0, v7, v6;
	vm0 =	vgt.f32 v5, v2;
	v7 =	vor.u32 s29, v1  }
0x122: {  	v2 =	vsel vm0, v5, v2;
	v5 =	vsel vm0, v7, v6  }
0x123: {  	vm0 =	veq.f32 v2, v0;
	v0 =	vxor.u32 $0x80000000, v5  }
0x124: {  	v0 =	vnsel vm0, $0xC0000000, v0  }
0x125: {  	(xrf0) =	vmin.scan.msk.u32 $0xffff, v0;
	_ =	sdelay $0x5  }
0x126: {  	v0, _, _ =	vpop (xrf0)  }
0x127: {  	(v2sf) =	vpush v0, $0xF;
	_ =	sdelay $0xe  }
0x128: {  	s22 =	spop (v2sf)  }
0x129: {  	v0 =	vmov s20;
	s22 =	sxor.u32 $0x80000000, s22  }
0x12a: {  	v2 =	vmov s22;
	_ =	sdelay $0x3  }
0x12b: {  	[tilespmem:v0+s13+$0x0] =	vst.idx.msk $0x1, v2  }
0x12c: {  	[tilespmem:v2+s1+$0x0] =	vst.idx.msk $0x1, v4  }
0x12d: {  	v0 =	vld [tilespmem:s21+$0x20]  }
0x12e: {  	v2 =	vld [tilespmem:s21+$0x0]  }
0x12f: {  	v5 =	vld [tilespmem:s21+$0x10]  }
0x130: {  	v6 =	vld [tilespmem:s21+$0x30]  }
0x131: {  	v7 =	vld [tilespmem:s21+$0x40]  }
0x132: {  	v8 =	vld [tilespmem:s21+$0x50]  }
0x133: {  	v9 =	vld [tilespmem:s21+$0x60]  }
0x134: {  	v2 =	vmax.f32 v2, v5;
	v5 =	vld [tilespmem:s21+$0x70]  }
0x135: {  	v0 =	vmax.f32 v2, v0  }
0x136: {  	v0 =	vmax.f32 v0, v6  }
0x137: {  	v0 =	vmax.f32 v0, v7  }
0x138: {  	v0 =	vmax.f32 v0, v8  }
0x139: {  	v0 =	vmax.f32 v0, v9  }
0x13a: {  	v0 =	vmax.f32 v0, v5  }
0x13b: {  	(xrf0) =	vmax.scan.msk.f32 $0xffff, v0;
	_ =	sdelay $0x1  }
.Ltmp0:
0x13c: {  	(pc) =	sbr.rel @p0 .LBB2_3-.Ltmp0, $2  }
0x13d: {  	_ =	sdelay $0x2  }
0x13e: {  	v13, _, _ =	vpop (xrf0)  }
0x13f: {  	v0 =	vld [tilespmem:$0x2800];
	_ =	sdelay $0x4  }
0x140: {  	v7 =	vld [tilespmem:$0x1FFE0];
	_ =	sdelay $0x1  }
0x141: {  	v2 =	vadd.s32 $0x800, v0  }
0x142: {  	v5 =	vld.idx.msk [tilespmem:v0+s11+$0x0], $0xffff;
	_ =	sdelay $0x3  }
0x143: {  	v6 =	vld.idx.msk [tilespmem:v2+s11+$0x0], $0xffff  }
0x144: {  	[tilespmem:v7+s14+$0x0] =	vst.idx.msk $0xffff, v5;
	v5 =	vld [tilespmem:$0x1FF80];
	_ =	sdelay $0x7  }
0x145: {  	[tilespmem:v5+s14+$0x0] =	vst.idx.msk $0xffff, v6  }
0x146: {  	v0 =	vld.idx.msk [tilespmem:v0+s12+$0x0], $0xffff  }
0x147: {  	v2 =	vld.idx.msk [tilespmem:v2+s12+$0x0], $0xffff;
	_ =	sdelay $0x3  }
0x148: {  	[tilespmem:v7+s15+$0x0] =	vst.idx.msk $0xffff, v0  }
0x149: {  	[tilespmem:v5+s15+$0x0] =	vst.idx.msk $0xffff, v2  }
0x14a: {  	v0 =	vld [tilespmem:$0x2810];
	_ =	sdelay $0x4  }
0x14b: {  	v7 =	vld [tilespmem:$0x1FF90];
	_ =	sdelay $0x1  }
0x14c: {  	v2 =	vadd.s32 $0x800, v0  }
0x14d: {  	v5 =	vld.idx.msk [tilespmem:v0+s11+$0x0], $0xffff;
	_ =	sdelay $0x3  }
0x14e: {  	v6 =	vld.idx.msk [tilespmem:v2+s11+$0x0], $0xffff  }
0x14f: {  	[tilespmem:v7+s14+$0x0] =	vst.idx.msk $0xffff, v5;
	v5 =	vld [tilespmem:$0x1FFA0];
	_ =	sdelay $0x7  }
0x150: {  	[tilespmem:v5+s14+$0x0] =	vst.idx.msk $0xffff, v6  }
0x151: {  	v0 =	vld.idx.msk [tilespmem:v0+s12+$0x0], $0xffff  }
0x152: {  	v2 =	vld.idx.msk [tilespmem:v2+s12+$0x0], $0xffff;
	_ =	sdelay $0x3  }
0x153: {  	[tilespmem:v7+s15+$0x0] =	vst.idx.msk $0xffff, v0  }
0x154: {  	[tilespmem:v5+s15+$0x0] =	vst.idx.msk $0xffff, v2  }
0x155: {  	v0 =	vld [tilespmem:$0x2820];
	_ =	sdelay $0x4  }
0x156: {  	v7 =	vld [tilespmem:$0x1FFB0];
	_ =	sdelay $0x1  }
0x157: {  	v2 =	vadd.s32 $0x800, v0  }
0x158: {  	v5 =	vld.idx.msk [tilespmem:v0+s11+$0x0], $0xffff;
	_ =	sdelay $0x3  }
0x159: {  	v6 =	vld.idx.msk [tilespmem:v2+s11+$0x0], $0xffff  }
0x15a: {  	[tilespmem:v7+s14+$0x0] =	vst.idx.msk $0xffff, v5;
	v5 =	vld [tilespmem:$0x1FFC0];
	_ =	sdelay $0x7  }
0x15b: {  	[tilespmem:v5+s14+$0x0] =	vst.idx.msk $0xffff, v6  }
0x15c: {  	v0 =	vld.idx.msk [tilespmem:v0+s12+$0x0], $0xffff  }
0x15d: {  	v2 =	vld.idx.msk [tilespmem:v2+s12+$0x0], $0xffff;
	_ =	sdelay $0x3  }
0x15e: {  	[tilespmem:v7+s15+$0x0] =	vst.idx.msk $0xffff, v0  }
0x15f: {  	[tilespmem:v5+s15+$0x0] =	vst.idx.msk $0xffff, v2  }
0x160: {  	v0 =	vld [tilespmem:$0x2830];
	_ =	sdelay $0x4  }
0x161: {  	v7 =	vld [tilespmem:$0x1FFD0];
	_ =	sdelay $0x1  }
0x162: {  	v2 =	vadd.s32 $0x800, v0  }
0x163: {  	v5 =	vld.idx.msk [tilespmem:v0+s11+$0x0], $0xffff;
	_ =	sdelay $0x3  }
0x164: {  	v6 =	vld.idx.msk [tilespmem:v2+s11+$0x0], $0xffff  }
0x165: {  	[tilespmem:v7+s14+$0x0] =	vst.idx.msk $0xffff, v5;
	v5 =	vld [tilespmem:$0x1FFF0];
	_ =	sdelay $0x7  }
0x166: {  	[tilespmem:v5+s14+$0x0] =	vst.idx.msk $0xffff, v6  }
0x167: {  	v0 =	vld.idx.msk [tilespmem:v0+s12+$0x0], $0xffff  }
0x168: {  	v2 =	vld.idx.msk [tilespmem:v2+s12+$0x0], $0xffff;
	_ =	sdelay $0x3  }
0x169: {  	s18 =	sshll.u32 s18, $0x6;
	[tilespmem:v7+s15+$0x0] =	vst.idx.msk $0xffff, v0  }
0x16a: {  	s19 =	sadd.s32 s5, s18;
	[tilespmem:v5+s15+$0x0] =	vst.idx.msk $0xffff, v2  }
0x16b: {  	[hbm4b:s19+s1] =	stream.linear.scatter [tilespmem:s14], [sflag:$0x1], $0x200, $0x38;
	[tilespmem:$0x2C40] =	vst v63  }
0x16c: {  	s17 =	sadd.s32 $0x1, s17;
	_ =	swait.ge [sflag:s10], $0x200  }
0x16d: {  	p0 =	sne.s32 s17, $0x4;
	[sflag:s10] =	ssyncset.done $0x0  }
.Ltmp1:
0x16e: {  	s18 =	sadd.s32 s7, s18;
	[sflag:s10] =	ssyncadd.s32 $0xFFFFFE00;
	(pc) =	sbr.rel @p0 .LBB2_2-.Ltmp1, $4  }
0x16f: {  	[hbm4b:s18+s1] =	stream.linear.scatter [tilespmem:s15], [sflag:$0x1], $0x200, $0x38;
	[tilespmem:$0x2C40] =	vst v63  }
0x170: {  	_ =	swait.ge [sflag:s10], $0x200  }
0x171: {  	[sflag:s10] =	ssyncset.done $0x0  }
0x172: {  	[sflag:s10] =	ssyncadd.s32 $0xFFFFFE00  }
0x173: {  	s16 =	sadd.s32 $0x1, s16  }
0x174: {  	p0 =	sne.s32 s16, s9  }
.Ltmp2:
0x175: {  	_ = 	snop;
	(pc) =	sbr.rel @p0 .LBB2_1-.Ltmp2, $1  }
0x176: {  	_ =	sdelay $0x3  }
0x177: {  	_ =	sfence.sel $0x180000  }
0x178: {  	[bflag:$0x0] =	sbarrier.arrive $0xFFFF  }
0x179: {  	p0 =	sne.s32 s6, $0x0;
	_ =	strace $0x9000004A  }
0x17a: {  	s0 =	sadd.s32 @!p0 $0x100000, s0;
	[bflag:$0x2] =	sbarrier.arrive $0xFFFF  }
0x17b: {  	[sflag:s0] =	ssyncadd.tile.s32 @!p0 $0x1;
	_ =	shalt  }
.Lfunc_end2:
_tile_overlayer_lowered:
.L_overlay_start_2:
0x17c: {  	(tag) =	ssettag $0x2  }
0x17d: {  	s0 =	rddreg [dreg:$0x0];
	s2 =	stileid.u32  }
0x17e: {  	s1 =	rddreg [dreg:$0x1];
	p0 =	sne.s32 s2, $0x0  }
0x17f: {  	s3 =	rddreg [dreg:$0x2];
	[bflag:$0x3] =	sbarrier.arrive $0xFFFF;
	s2 =	simm.s32 @!p0 $0x1C01  }
0x180: {  	[timem:s3], [sflag:s2] =	dma.local @!p0 [hbm:s0], s1  }
0x181: {  	s0 =	simm.s32 @!p0 $0x1  }
0x182: {  	_ =	swait.ge @!p0 [sflag:s0], s1  }
0x183: {  	s1 =	ssub.s32 @!p0 $0x0, s1;
	[sflag:s0] =	ssyncset.done @!p0 $0x0  }
0x184: {  	[sflag:s0] =	ssyncadd.s32 @!p0 s1  }
0x185: {  	[bflag:$0x3] =	sbarrier.arrive $0xFFFF  }
0x186: {  	_ =	shalt  }

</sc_bundles>
